<compile_context>
chip_gen: v7x
topology: tpu7x:2x2x1
jax: 0.10.2.dev20260603
libtpu: 0.0.44.dev20260713+nightly
codegen_flags: <defaults>
</compile_context>

<pallas_src>
import dataclasses
import functools

import jax
import jax.numpy as jnp
from jax import lax
from jax.experimental import pallas as pl
from jax.experimental.pallas import tpu as pltpu
from jax.experimental.pallas import tpu_sc as plsc

N = 10000
E = 320000
D = 128

NC = 2
NS = 16
NW = NC * NS
LANES = 128
RPW = 80
SRC_ROWS = RPW + 8
E_ROWS = NW * RPW
RPW0 = 110
RPW1 = 48
F_ROWS = NS * (RPW0 + RPW1)
F_ROWS_AL = F_ROWS + 8
N_PAD = NS * 640
CROWS = N_PAD // D

_MESH = plsc.VectorSubcoreMesh(core_axis_name="c", subcore_axis_name="s",
                               num_cores=NC, num_subcores=NS)


def _sc_params():
    cp = pltpu.CompilerParams()
    if "needs_layout_passes" in pltpu.CompilerParams.__dataclass_fields__:
        cp = dataclasses.replace(cp, needs_layout_passes=False)
    return cp


def _segsum_body(h_hbm, src_hbm, dst_hbm, out_hbm,
                 srcv, dstv, srcv2, dstv2, rows, acc, sem, *sis):
    c = lax.axis_index("c")
    s = lax.axis_index("s")
    zv = jnp.zeros((16,), jnp.float32)

    @pl.loop(0, LANES)
    def _(i):
        @pl.loop(0, D, step=16)
        def _(j):
            rows[i, pl.ds(j, 16)] = zv

    @pl.loop(0, 5)
    def _(k):
        pltpu.sync_copy(rows, acc.at[pl.ds(s * 640 + k * LANES, LANES)])

    plsc.subcore_barrier()

    def work(base, nrows):
        def chunk(sv, dv):
            pltpu.async_copy(h_hbm.at[sv], rows, sem).wait()
            pltpu.sync_copy(rows, acc.at[dv], add=True)

        pltpu.async_copy(src_hbm.at[base], srcv, sis[0])
        pltpu.async_copy(dst_hbm.at[base], dstv, sis[1])

        @pl.loop(0, nrows, step=2)
        def _(j):
            pltpu.async_copy(src_hbm.at[base + j + 1], srcv2, sis[2])
            pltpu.async_copy(dst_hbm.at[base + j + 1], dstv2, sis[3])
            pltpu.make_async_copy(src_hbm.at[base], srcv, sis[0]).wait()
            pltpu.make_async_copy(dst_hbm.at[base], dstv, sis[1]).wait()
            chunk(srcv, dstv)
            pltpu.async_copy(src_hbm.at[base + j + 2], srcv, sis[0])
            pltpu.async_copy(dst_hbm.at[base + j + 2], dstv, sis[1])
            pltpu.make_async_copy(src_hbm.at[base], srcv2, sis[2]).wait()
            pltpu.make_async_copy(dst_hbm.at[base], dstv2, sis[3]).wait()
            chunk(srcv2, dstv2)

        pltpu.make_async_copy(src_hbm.at[base], srcv, sis[0]).wait()
        pltpu.make_async_copy(dst_hbm.at[base], dstv, sis[1]).wait()

    @pl.when(c == 0)
    def _():
        work(s * RPW0, RPW0)

    @pl.when(c == 1)
    def _():
        work(NS * RPW0 + s * RPW1, RPW1)

    plsc.subcore_barrier()

    pltpu.sync_copy(acc.at[pl.ds(s * 640, 640)],
                    out_hbm.at[c, pl.ds(s * 640, 640)])


_segsum = pl.kernel(
    _segsum_body,
    out_type=jax.ShapeDtypeStruct((NC, N_PAD, D), jnp.float32),
    mesh=_MESH,
    scratch_types=[
        pltpu.VMEM((LANES,), jnp.int32),
        pltpu.VMEM((LANES,), jnp.int32),
        pltpu.VMEM((LANES,), jnp.int32),
        pltpu.VMEM((LANES,), jnp.int32),
        pltpu.VMEM((LANES, D), jnp.float32),
        pltpu.VMEM_SHARED((N_PAD, D), jnp.float32),
        pltpu.SemaphoreType.DMA,
        pltpu.SemaphoreType.DMA,
        pltpu.SemaphoreType.DMA,
        pltpu.SemaphoreType.DMA,
        pltpu.SemaphoreType.DMA,
    ],
    compiler_params=_sc_params(),
    name="sc_segsum",
)


def _counts_body(dst_hbm, cnt_hbm, dsts, cntv, idxv, cacc, sem):
    c = lax.axis_index("c")
    s = lax.axis_index("s")
    wid = c * NS + s
    zv = jnp.zeros((16,), jnp.float32)
    ones16 = jnp.ones((16,), jnp.float32)

    pltpu.async_copy(dst_hbm.at[wid, pl.ds(0, RPW)], dsts, sem)

    @pl.loop(0, CROWS)
    def _(i):
        @pl.loop(0, D, step=16)
        def _(j):
            cntv[i, pl.ds(j, 16)] = zv

    @pl.when(s < 10)
    def _():
        pltpu.sync_copy(cntv.at[pl.ds(0, 8)], cacc.at[pl.ds(s * 8, 8)])

    @pl.loop(0, CROWS, step=16)
    def _(k):
        idxv[pl.ds(k, 16)] = lax.iota(jnp.int32, 16) + k

    pltpu.make_async_copy(dst_hbm.at[wid, pl.ds(0, RPW)], dsts, sem).wait()
    plsc.subcore_barrier()

    @pl.loop(0, RPW)
    def _(j):
        @pl.loop(0, LANES, step=16)
        def _(t):
            d16 = dsts[j, pl.ds(t, 16)]
            plsc.addupdate_scatter(
                cntv, [lax.shift_right_logical(d16, 7),
                       lax.bitwise_and(d16, 127)], ones16)

    pltpu.sync_copy(cntv, cacc.at[idxv], add=True)
    plsc.subcore_barrier()

    @pl.when(s < 10)
    def _():
        pltpu.sync_copy(cacc.at[pl.ds(s * 8, 8)],
                        cnt_hbm.at[c, pl.ds(s * 8, 8)])


_counts = pl.kernel(
    _counts_body,
    out_type=jax.ShapeDtypeStruct((NC, CROWS, D), jnp.float32),
    mesh=_MESH,
    scratch_types=[
        pltpu.VMEM((RPW, LANES), jnp.int32),
        pltpu.VMEM((CROWS, D), jnp.float32),
        pltpu.VMEM((CROWS,), jnp.int32),
        pltpu.VMEM_SHARED((CROWS, D), jnp.float32),
        pltpu.SemaphoreType.DMA,
    ],
    compiler_params=_sc_params(),
    name="sc_counts",
)

_BLK = 1024


def _root_body(h_ref, w_ref, o_ref):
    o_ref[...] = lax.dot_general(
        h_ref[...], w_ref[...], (((1,), (1,)), ((), ())),
        preferred_element_type=jnp.float32,
        precision=lax.Precision.HIGHEST)


def _root(h, w):
    return pl.pallas_call(
        _root_body,
        grid=(pl.cdiv(N, _BLK),),
        in_specs=[
            pl.BlockSpec((_BLK, D), lambda i: (i, 0)),
            pl.BlockSpec((D, D), lambda i: (0, 0)),
        ],
        out_specs=pl.BlockSpec((_BLK, D), lambda i: (i, 0)),
        out_shape=jax.ShapeDtypeStruct((N, D), jnp.float32),
    )(h, w)


def _combine_body(relu, p_ref, c_ref, hr_ref, w_ref, b_ref, o_ref):
    summed = p_ref[0] + p_ref[1]
    mean = summed / jnp.maximum(c_ref[...], 1.0)
    out = lax.dot_general(
        mean, w_ref[...], (((1,), (1,)), ((), ())),
        preferred_element_type=jnp.float32,
        precision=lax.Precision.HIGHEST)
    out = out + b_ref[...] + hr_ref[...]
    if relu:
        out = jnp.maximum(out, 0.0)
    o_ref[...] = out


def _combine(p, cnt, hr, wl, bl, relu):
    return pl.pallas_call(
        functools.partial(_combine_body, relu),
        grid=(pl.cdiv(N, _BLK),),
        in_specs=[
            pl.BlockSpec((NC, _BLK, D), lambda i: (0, i, 0)),
            pl.BlockSpec((_BLK, 1), lambda i: (i, 0)),
            pl.BlockSpec((_BLK, D), lambda i: (i, 0)),
            pl.BlockSpec((D, D), lambda i: (0, 0)),
            pl.BlockSpec((1, D), lambda i: (0, 0)),
        ],
        out_specs=pl.BlockSpec((_BLK, D), lambda i: (i, 0)),
        out_shape=jax.ShapeDtypeStruct((N, D), jnp.float32),
    )(p, cnt, hr, wl, bl.reshape(1, D))


def kernel(x, edge_index, W1l, b1l, W1r, W2l, b2l, W2r, W3l, b3l, W3r):
    pad = E_ROWS * LANES - E
    dst = jnp.concatenate([edge_index[1], jnp.full((pad,), N, jnp.int32)])
    dstp = jnp.pad(dst.reshape(NW, RPW, LANES),
                   ((0, 0), (0, SRC_ROWS - RPW), (0, 0)),
                   constant_values=N)

    padf = F_ROWS_AL * LANES - E
    srcf = jnp.concatenate([edge_index[0],
                            jnp.zeros((padf,), jnp.int32)]).reshape(F_ROWS_AL,
                                                                    LANES)
    dstf = jnp.concatenate([edge_index[1],
                            jnp.full((padf,), N, jnp.int32)]).reshape(F_ROWS_AL,
                                                                      LANES)

    cnt_grid = _counts(dstp)
    cnt = (cnt_grid[0] + cnt_grid[1]).reshape(N_PAD, 1)

    hr1 = _root(x, W1r)
    p1 = _segsum(x, srcf, dstf)
    h1 = _combine(p1, cnt, hr1, W1l, b1l, relu=True)

    hr2 = _root(h1, W2r)
    p2 = _segsum(h1, srcf, dstf)
    h2 = _combine(p2, cnt, hr2, W2l, b2l, relu=True)

    hr3 = _root(h2, W3r)
    p3 = _segsum(h2, srcf, dstf)
    return _combine(p3, cnt, hr3, W3l, b3l, relu=False)

# --- scband reference (transcript-rebuilt; emitter-appended) ---
"""Pipeline reference for scband-gnnencoder-4964982194350 (READ-ONLY COPY).

The authoritative reference and input builder live on the scoring server;
editing this copy changes nothing except your own understanding.
"""

import jax, jax.numpy as jnp
import numpy as np

N = 10000
E = 320000
D_IN = 128
D_HID = 128
D_OUT = 128


def _glorot(key, shape):
    fan_in = shape[1]
    return (jax.random.normal(key, shape, dtype=jnp.float32) / jnp.sqrt(jnp.float32(fan_in)))


def setup_inputs(seed: int = 0) -> dict:
    key = jax.random.key(seed)
    ks = jax.random.split(key, 12)
    x = jax.random.normal(ks[0], (N, D_IN), dtype=jnp.float32)
    edge_index = jax.random.randint(ks[1], (2, E), 0, N, dtype=jnp.int32)
    # SAGEConv layer 1: lin_l (neighbor agg, with bias), lin_r (root, no bias)
    W1l = _glorot(ks[2], (D_HID, D_IN)); b1l = jnp.zeros((D_HID,), jnp.float32)
    W1r = _glorot(ks[3], (D_HID, D_IN))
    # layer 2
    W2l = _glorot(ks[4], (D_HID, D_HID)); b2l = jnp.zeros((D_HID,), jnp.float32)
    W2r = _glorot(ks[5], (D_HID, D_HID))
    # layer 3
    W3l = _glorot(ks[6], (D_OUT, D_HID)); b3l = jnp.zeros((D_OUT,), jnp.float32)
    W3r = _glorot(ks[7], (D_OUT, D_HID))
    return {"x": x, "edge_index": edge_index,
            "W1l": W1l, "b1l": b1l, "W1r": W1r,
            "W2l": W2l, "b2l": b2l, "W2r": W2r,
            "W3l": W3l, "b3l": b3l, "W3r": W3r}


def _sage_conv(x, edge_index, Wl, bl, Wr):
    # PyG SAGEConv with aggr='mean': out = lin_l(mean_{j in N(i)} x_j) + lin_r(x_i)
    src = edge_index[0]
    dst = edge_index[1]
    msgs = jnp.take(x, src, axis=0)                      # gather  [E, d]
    summed = jax.ops.segment_sum(msgs, dst, num_segments=x.shape[0])
    cnt = jax.ops.segment_sum(jnp.ones((src.shape[0],), jnp.float32), dst,
                              num_segments=x.shape[0])
    mean = summed / jnp.maximum(cnt, 1.0)[:, None]       # scatter-mean
    return mean @ Wl.T + bl + x @ Wr.T


def reference(x, edge_index, W1l, b1l, W1r, W2l, b2l, W2r, W3l, b3l, W3r):
    h = jax.nn.relu(_sage_conv(x, edge_index, W1l, b1l, W1r))
    h = jax.nn.relu(_sage_conv(h, edge_index, W2l, b2l, W2r))
    return _sage_conv(h, edge_index, W3l, b3l, W3r)

if __name__ == "__main__":
    import jax
    _d = setup_inputs()
    print(jax.jit(kernel)(*tuple(_d.values())))

</pallas_src>

<mosaic_0001>
#map = affine_map<(d0, d1) -> (0, 0, 0)>
module attributes {stable_mosaic.version = 14 : i64} {
  func.func @sc_counts(%arg0: i32, %arg1: i32, %arg2: memref<32x88x128xi32, #tpu.memory_space<hbm>>, %arg3: memref<2x80x128xf32, #tpu.memory_space<hbm>>, %arg4: memref<80x128xi32, #tpu.memory_space<vmem>>, %arg5: memref<80x128xf32, #tpu.memory_space<vmem>>, %arg6: memref<80xi32, #tpu.memory_space<vmem>>, %arg7: memref<80x128xf32, #tpu.memory_space<vmem_shared>>, %arg8: memref<!tpu.dma_semaphore, #tpu.memory_space<semaphore_mem>>) attributes {dimension_semantics = [#tpu.dimension_semantics<core_parallel>, #tpu.dimension_semantics<subcore_parallel>], iteration_bounds = array<i64: 2, 16>, scalar_prefetch = 0 : i64, scratch_operands = 5 : i64, tpu.core_type = #tpu.core_type<sc_vector_subcore>, window_params = [{transform_indices = #map}, {transform_indices = #map}]} {
    %mul3A = arith.constant 16 : i32
    %mul3A_0 = arith.muli %arg0, %mul3A : i32
    %add3A = arith.addi %mul3A_0, %arg1 : i32
    %broadcast_in_dim3A = arith.constant 0.000000e+00 : f32
    %broadcast_in_dim3A_1 = vector.broadcast %broadcast_in_dim3A : f32 to vector<16xf32>
    %broadcast_in_dim3A_2 = arith.constant 1.000000e+00 : f32
    %broadcast_in_dim3A_3 = vector.broadcast %broadcast_in_dim3A_2 : f32 to vector<16xf32>
    %dma_start3A = arith.constant 0 : i32
    %dma_start3A_4 = arith.constant 0 : i32
    %dma_start3A_5 = tpu.memref_slice %arg2[%add3A, %dma_start3A, %dma_start3A_4] : memref<32x88x128xi32, #tpu.memory_space<hbm>> -> memref<1x80x128xi32, #tpu.memory_space<hbm>>
    %dma_start3A_6 = tpu.memref_squeeze %dma_start3A_5 : memref<1x80x128xi32, #tpu.memory_space<hbm>> -> memref<80x128xi32, #tpu.memory_space<hbm>>
    %dma_start3A_7 = arith.constant 0 : i32
    %dma_start3A_8 = arith.constant 0 : i32
    %dma_start3A_9 = tpu.memref_slice %arg2[%add3A, %dma_start3A_7, %dma_start3A_8] : memref<32x88x128xi32, #tpu.memory_space<hbm>> -> memref<1x80x128xi32, #tpu.memory_space<hbm>>
    %dma_start3A_10 = tpu.memref_squeeze %dma_start3A_9 : memref<1x80x128xi32, #tpu.memory_space<hbm>> -> memref<80x128xi32, #tpu.memory_space<hbm>>
    tpu.enqueue_dma source(%dma_start3A_10 : memref<80x128xi32, #tpu.memory_space<hbm>>) target(%arg4 : memref<80x128xi32, #tpu.memory_space<vmem>>) target_semaphore(%arg8 : memref<!tpu.dma_semaphore, #tpu.memory_space<semaphore_mem>>)
    %scan3A = arith.constant 0 : i32
    %scan3A_11 = arith.constant 80 : i32
    %scan3A_12 = arith.addi %scan3A, %scan3A_11 : i32
    %scan3A_13 = arith.constant 1 : i32
    scf.for %scan3A_40 = %scan3A to %scan3A_12 step %scan3A_13  : i32 {
      %mul3A_41 = arith.constant 1 : i32
      %mul3A_42 = arith.muli %scan3A_40, %mul3A_41 : i32
      %add3A_43 = arith.constant 0 : i32
      %add3A_44 = arith.addi %add3A_43, %mul3A_42 : i32
      %scan3A_45 = arith.constant 0 : i32
      %scan3A_46 = arith.constant 8 : i32
      %scan3A_47 = arith.addi %scan3A_45, %scan3A_46 : i32
      %scan3A_48 = arith.constant 1 : i32
      scf.for %scan3A_50 = %scan3A_45 to %scan3A_47 step %scan3A_48  : i32 {
        %mul3A_51 = arith.constant 16 : i32
        %mul3A_52 = arith.muli %scan3A_50, %mul3A_51 : i32
        %add3A_53 = arith.constant 0 : i32
        %add3A_54 = arith.addi %add3A_53, %mul3A_52 : i32
        %swap3A = arith.index_cast %add3A_44 : i32 to index
        %swap3A_55 = arith.index_cast %add3A_54 : i32 to index
        %swap3A_56 = tpu.vector_load %arg5[%swap3A, %swap3A_55] {strides = array<i32>} : memref<80x128xf32, #tpu.memory_space<vmem>>, vector<16xf32>,
        tpu.vector_store %arg5[%swap3A, %swap3A_55], %broadcast_in_dim3A_1 {strides = array<i32>} : memref<80x128xf32, #tpu.memory_space<vmem>>, vector<16xf32>,
      }
      %scan3A_49 = arith.constant 8 : i32
    }
    %scan3A_14 = arith.constant 80 : i32
    %lt3A = arith.constant 10 : i32
    %lt3A_15 = arith.cmpi slt, %arg1, %lt3A : i32
    %convert_element_type3A = arith.extui %lt3A_15 : i1 to i32
    %cond3A = arith.constant 0 : i32
    %cond3A_16 = arith.cmpi ne, %convert_element_type3A, %cond3A : i32
    scf.if %cond3A_16 {
      %mul3A_40 = arith.constant 8 : i32
      %mul3A_41 = arith.muli %arg1, %mul3A_40 : i32
      "tpu.region"() ({
        %run_scoped3A = tpu.sem_alloc : memref<!tpu.dma_semaphore, #tpu.memory_space<semaphore_mem>>
        %dma_start3A_42 = arith.constant 0 : i32
        %dma_start3A_43 = arith.constant 0 : i32
        %dma_start3A_44 = tpu.memref_slice %arg5[%dma_start3A_42, %dma_start3A_43] : memref<80x128xf32, #tpu.memory_space<vmem>> -> memref<8x128xf32, #tpu.memory_space<vmem>>
        %dma_start3A_45 = arith.constant 0 : i32
        %dma_start3A_46 = tpu.memref_slice %arg7[%mul3A_41, %dma_start3A_45] : memref<80x128xf32, #tpu.memory_space<vmem_shared>> -> memref<8x128xf32, #tpu.memory_space<vmem_shared>>
        %dma_start3A_47 = arith.constant 0 : i32
        %dma_start3A_48 = tpu.memref_slice %arg7[%mul3A_41, %dma_start3A_47] : memref<80x128xf32, #tpu.memory_space<vmem_shared>> -> memref<8x128xf32, #tpu.memory_space<vmem_shared>>
        %dma_start3A_49 = arith.constant 0 : i32
        %dma_start3A_50 = arith.constant 0 : i32
        %dma_start3A_51 = tpu.memref_slice %arg5[%dma_start3A_49, %dma_start3A_50] : memref<80x128xf32, #tpu.memory_space<vmem>> -> memref<8x128xf32, #tpu.memory_space<vmem>>
        tpu.enqueue_dma source(%dma_start3A_51 : memref<8x128xf32, #tpu.memory_space<vmem>>) target(%dma_start3A_48 : memref<8x128xf32, #tpu.memory_space<vmem_shared>>) target_semaphore(%run_scoped3A : memref<!tpu.dma_semaphore, #tpu.memory_space<semaphore_mem>>)
        %dma_wait3A_52 = arith.constant 0 : i32
        %dma_wait3A_53 = arith.constant 0 : i32
        %dma_wait3A_54 = tpu.memref_slice %arg5[%dma_wait3A_52, %dma_wait3A_53] : memref<80x128xf32, #tpu.memory_space<vmem>> -> memref<8x128xf32, #tpu.memory_space<vmem>>
        %dma_wait3A_55 = arith.constant 0 : i32
        %dma_wait3A_56 = tpu.memref_slice %arg7[%mul3A_41, %dma_wait3A_55] : memref<80x128xf32, #tpu.memory_space<vmem_shared>> -> memref<8x128xf32, #tpu.memory_space<vmem_shared>>
        %dma_wait3A_57 = arith.constant 0 : i32
        %dma_wait3A_58 = tpu.memref_slice %arg7[%mul3A_41, %dma_wait3A_57] : memref<80x128xf32, #tpu.memory_space<vmem_shared>> -> memref<8x128xf32, #tpu.memory_space<vmem_shared>>
        %dma_wait3A_59 = arith.constant 0 : i32
        %dma_wait3A_60 = arith.constant 0 : i32
        %dma_wait3A_61 = tpu.memref_slice %arg5[%dma_wait3A_59, %dma_wait3A_60] : memref<80x128xf32, #tpu.memory_space<vmem>> -> memref<8x128xf32, #tpu.memory_space<vmem>>
        tpu.wait_dma2 semaphore(%run_scoped3A : memref<!tpu.dma_semaphore, #tpu.memory_space<semaphore_mem>>) src(%dma_wait3A_61 : memref<8x128xf32, #tpu.memory_space<vmem>>) dst(%dma_wait3A_58 : memref<8x128xf32, #tpu.memory_space<vmem_shared>>)
        tpu.yield
      }) : () -> ()
    } else {
    }
    %scan3A_17 = arith.constant 0 : i32
    %scan3A_18 = arith.constant 5 : i32
    %scan3A_19 = arith.addi %scan3A_17, %scan3A_18 : i32
    %scan3A_20 = arith.constant 1 : i32
    scf.for %scan3A_40 = %scan3A_17 to %scan3A_19 step %scan3A_20  : i32 {
      %mul3A_41 = arith.constant 16 : i32
      %mul3A_42 = arith.muli %scan3A_40, %mul3A_41 : i32
      %add3A_43 = arith.constant 0 : i32
      %add3A_44 = arith.addi %add3A_43, %mul3A_42 : i32
      %iota3A = tpu.iota {dimensions = array<i32: 0>} : vector<16xi32>
      %add3A_45 = vector.broadcast %add3A_44 : i32 to vector<16xi32>
      %add3A_46 = arith.addi %iota3A, %add3A_45 : vector<16xi32>
      %swap3A = arith.index_cast %add3A_44 : i32 to index
      %swap3A_47 = tpu.vector_load %arg6[%swap3A] {strides = array<i32>} : memref<80xi32, #tpu.memory_space<vmem>>, vector<16xi32>,
      tpu.vector_store %arg6[%swap3A], %add3A_46 {strides = array<i32>} : memref<80xi32, #tpu.memory_space<vmem>>, vector<16xi32>,
    }
    %scan3A_21 = arith.constant 5 : i32
    %dma_wait3A = arith.constant 0 : i32
    %dma_wait3A_22 = arith.constant 0 : i32
    %dma_wait3A_23 = tpu.memref_slice %arg2[%add3A, %dma_wait3A, %dma_wait3A_22] : memref<32x88x128xi32, #tpu.memory_space<hbm>> -> memref<1x80x128xi32, #tpu.memory_space<hbm>>
    %dma_wait3A_24 = tpu.memref_squeeze %dma_wait3A_23 : memref<1x80x128xi32, #tpu.memory_space<hbm>> -> memref<80x128xi32, #tpu.memory_space<hbm>>
    %dma_wait3A_25 = arith.constant 0 : i32
    %dma_wait3A_26 = arith.constant 0 : i32
    %dma_wait3A_27 = tpu.memref_slice %arg2[%add3A, %dma_wait3A_25, %dma_wait3A_26] : memref<32x88x128xi32, #tpu.memory_space<hbm>> -> memref<1x80x128xi32, #tpu.memory_space<hbm>>
    %dma_wait3A_28 = tpu.memref_squeeze %dma_wait3A_27 : memref<1x80x128xi32, #tpu.memory_space<hbm>> -> memref<80x128xi32, #tpu.memory_space<hbm>>
    tpu.wait_dma2 semaphore(%arg8 : memref<!tpu.dma_semaphore, #tpu.memory_space<semaphore_mem>>) src(%dma_wait3A_28 : memref<80x128xi32, #tpu.memory_space<hbm>>) dst(%arg4 : memref<80x128xi32, #tpu.memory_space<vmem>>)
    %barrier3A = arith.constant 0 : index
    tpu.barrier barrier_id(%barrier3A)
    %scan3A_29 = arith.constant 0 : i32
    %scan3A_30 = arith.constant 80 : i32
    %scan3A_31 = arith.addi %scan3A_29, %scan3A_30 : i32
    %scan3A_32 = arith.constant 1 : i32
    scf.for %scan3A_40 = %scan3A_29 to %scan3A_31 step %scan3A_32  : i32 {
      %mul3A_41 = arith.constant 1 : i32
      %mul3A_42 = arith.muli %scan3A_40, %mul3A_41 : i32
      %add3A_43 = arith.constant 0 : i32
      %add3A_44 = arith.addi %add3A_43, %mul3A_42 : i32
      %scan3A_45 = arith.constant 0 : i32
      %scan3A_46 = arith.constant 8 : i32
      %scan3A_47 = arith.addi %scan3A_45, %scan3A_46 : i32
      %scan3A_48 = arith.constant 1 : i32
      scf.for %scan3A_50 = %scan3A_45 to %scan3A_47 step %scan3A_48  : i32 {
        %mul3A_51 = arith.constant 16 : i32
        %mul3A_52 = arith.muli %scan3A_50, %mul3A_51 : i32
        %add3A_53 = arith.constant 0 : i32
        %add3A_54 = arith.addi %add3A_53, %mul3A_52 : i32
        %get3A = arith.index_cast %add3A_44 : i32 to index
        %get3A_55 = arith.index_cast %add3A_54 : i32 to index
        %get3A_56 = tpu.vector_load %arg4[%get3A, %get3A_55] {strides = array<i32>} : memref<80x128xi32, #tpu.memory_space<vmem>>, vector<16xi32>,
        %shift_right_logical3A = arith.constant 7 : i32
        %shift_right_logical3A_57 = vector.broadcast %shift_right_logical3A : i32 to vector<16xi32>
        %shift_right_logical3A_58 = arith.shrui %get3A_56, %shift_right_logical3A_57 : vector<16xi32>
        %and3A = arith.constant 127 : i32
        %and3A_59 = vector.broadcast %and3A : i32 to vector<16xi32>
        %and3A_60 = arith.andi %get3A_56, %and3A_59 : vector<16xi32>
        tpu.vector_store_idx %arg5[%shift_right_logical3A_58, %and3A_60], %broadcast_in_dim3A_3 {add = true} : memref<80x128xf32, #tpu.memory_space<vmem>>[vector<16xi32>, vector<16xi32>], vector<16xf32>,
      }
      %scan3A_49 = arith.constant 8 : i32
    }
    %scan3A_33 = arith.constant 80 : i32
    "tpu.region"() ({
      %run_scoped3A = tpu.sem_alloc : memref<!tpu.dma_semaphore, #tpu.memory_space<semaphore_mem>>
      %dma_start3A_40 = arith.constant 0 : i32
      %dma_start3A_41 = arith.constant 0 : i32
      %dma_start3A_42 = tpu.memref_slice %arg7[%dma_start3A_40, %dma_start3A_41] : memref<80x128xf32, #tpu.memory_space<vmem_shared>> -> memref<80x128xf32, #tpu.memory_space<vmem_shared>>
      tpu.enqueue_indirect_dma source(%arg5 : memref<80x128xf32, #tpu.memory_space<vmem>>) target(%dma_start3A_42 : memref<80x128xf32, #tpu.memory_space<vmem_shared>>) offsets(%arg6 : memref<80xi32, #tpu.memory_space<vmem>>) semaphore(%run_scoped3A : memref<!tpu.dma_semaphore, #tpu.memory_space<semaphore_mem>>) {add = true}
      %dma_wait3A_43 = arith.constant 0 : i32
      %dma_wait3A_44 = arith.constant 0 : i32
      %dma_wait3A_45 = tpu.memref_slice %arg7[%dma_wait3A_43, %dma_wait3A_44] : memref<80x128xf32, #tpu.memory_space<vmem_shared>> -> memref<80x128xf32, #tpu.memory_space<vmem_shared>>
      tpu.wait_indirect_dma semaphore(%run_scoped3A : memref<!tpu.dma_semaphore, #tpu.memory_space<semaphore_mem>>) src(%arg5 : memref<80x128xf32, #tpu.memory_space<vmem>>) dst(%dma_wait3A_45 : memref<80x128xf32, #tpu.memory_space<vmem_shared>>)
      tpu.yield
    }) : () -> ()
    %barrier3A_34 = arith.constant 0 : index
    tpu.barrier barrier_id(%barrier3A_34)
    %lt3A_35 = arith.constant 10 : i32
    %lt3A_36 = arith.cmpi slt, %arg1, %lt3A_35 : i32
    %convert_element_type3A_37 = arith.extui %lt3A_36 : i1 to i32
    %cond3A_38 = arith.constant 0 : i32
    %cond3A_39 = arith.cmpi ne, %convert_element_type3A_37, %cond3A_38 : i32
    scf.if %cond3A_39 {
      %mul3A_40 = arith.constant 8 : i32
      %mul3A_41 = arith.muli %arg1, %mul3A_40 : i32
      %mul3A_42 = arith.constant 8 : i32
      %mul3A_43 = arith.muli %arg1, %mul3A_42 : i32
      "tpu.region"() ({
        %run_scoped3A = tpu.sem_alloc : memref<!tpu.dma_semaphore, #tpu.memory_space<semaphore_mem>>
        %dma_start3A_44 = arith.constant 0 : i32
        %dma_start3A_45 = tpu.memref_slice %arg3[%arg0, %mul3A_43, %dma_start3A_44] : memref<2x80x128xf32, #tpu.memory_space<hbm>> -> memref<1x8x128xf32, #tpu.memory_space<hbm>>
        %dma_start3A_46 = tpu.memref_squeeze %dma_start3A_45 : memref<1x8x128xf32, #tpu.memory_space<hbm>> -> memref<8x128xf32, #tpu.memory_space<hbm>>
        %dma_start3A_47 = arith.constant 0 : i32
        %dma_start3A_48 = tpu.memref_slice %arg7[%mul3A_41, %dma_start3A_47] : memref<80x128xf32, #tpu.memory_space<vmem_shared>> -> memref<8x128xf32, #tpu.memory_space<vmem_shared>>
        tpu.enqueue_dma source(%dma_start3A_48 : memref<8x128xf32, #tpu.memory_space<vmem_shared>>) target(%dma_start3A_46 : memref<8x128xf32, #tpu.memory_space<hbm>>) target_semaphore(%run_scoped3A : memref<!tpu.dma_semaphore, #tpu.memory_space<semaphore_mem>>)
        %dma_wait3A_49 = arith.constant 0 : i32
        %dma_wait3A_50 = tpu.memref_slice %arg3[%arg0, %mul3A_43, %dma_wait3A_49] : memref<2x80x128xf32, #tpu.memory_space<hbm>> -> memref<1x8x128xf32, #tpu.memory_space<hbm>>
        %dma_wait3A_51 = tpu.memref_squeeze %dma_wait3A_50 : memref<1x8x128xf32, #tpu.memory_space<hbm>> -> memref<8x128xf32, #tpu.memory_space<hbm>>
        %dma_wait3A_52 = arith.constant 0 : i32
        %dma_wait3A_53 = tpu.memref_slice %arg7[%mul3A_41, %dma_wait3A_52] : memref<80x128xf32, #tpu.memory_space<vmem_shared>> -> memref<8x128xf32, #tpu.memory_space<vmem_shared>>
        tpu.wait_dma2 semaphore(%run_scoped3A : memref<!tpu.dma_semaphore, #tpu.memory_space<semaphore_mem>>) src(%dma_wait3A_53 : memref<8x128xf32, #tpu.memory_space<vmem_shared>>) dst(%dma_wait3A_51 : memref<8x128xf32, #tpu.memory_space<hbm>>)
        tpu.yield
      }) : () -> ()
    } else {
    }
    return
  }
}

#map = affine_map<(d0, d1) -> (0, 0)>
#map1 = affine_map<(d0, d1) -> (0, 0, 0)>
module attributes {stable_mosaic.version = 14 : i64} {
  func.func @sc_segsum(%arg0: i32, %arg1: i32, %arg2: memref<10000x128xf32, #tpu.memory_space<hbm>>, %arg3: memref<2536x128xi32, #tpu.memory_space<hbm>>, %arg4: memref<2536x128xi32, #tpu.memory_space<hbm>>, %arg5: memref<2x10240x128xf32, #tpu.memory_space<hbm>>, %arg6: memref<128xi32, #tpu.memory_space<vmem>>, %arg7: memref<128xi32, #tpu.memory_space<vmem>>, %arg8: memref<128xi32, #tpu.memory_space<vmem>>, %arg9: memref<128xi32, #tpu.memory_space<vmem>>, %arg10: memref<128x128xf32, #tpu.memory_space<vmem>>, %arg11: memref<10240x128xf32, #tpu.memory_space<vmem_shared>>, %arg12: memref<!tpu.dma_semaphore, #tpu.memory_space<semaphore_mem>>, %arg13: memref<!tpu.dma_semaphore, #tpu.memory_space<semaphore_mem>>, %arg14: memref<!tpu.dma_semaphore, #tpu.memory_space<semaphore_mem>>, %arg15: memref<!tpu.dma_semaphore, #tpu.memory_space<semaphore_mem>>, %arg16: memref<!tpu.dma_semaphore, #tpu.memory_space<semaphore_mem>>) attributes {dimension_semantics = [#tpu.dimension_semantics<core_parallel>, #tpu.dimension_semantics<subcore_parallel>], iteration_bounds = array<i64: 2, 16>, scalar_prefetch = 0 : i64, scratch_operands = 11 : i64, tpu.core_type = #tpu.core_type<sc_vector_subcore>, window_params = [{transform_indices = #map}, {transform_indices = #map}, {transform_indices = #map}, {transform_indices = #map1}]} {
    %broadcast_in_dim3A = arith.constant 0.000000e+00 : f32
    %broadcast_in_dim3A_0 = vector.broadcast %broadcast_in_dim3A : f32 to vector<16xf32>
    %scan3A = arith.constant 0 : i32
    %scan3A_1 = arith.constant 128 : i32
    %scan3A_2 = arith.addi %scan3A, %scan3A_1 : i32
    %scan3A_3 = arith.constant 1 : i32
    scf.for %scan3A_21 = %scan3A to %scan3A_2 step %scan3A_3  : i32 {
      %mul3A_22 = arith.constant 1 : i32
      %mul3A_23 = arith.muli %scan3A_21, %mul3A_22 : i32
      %add3A = arith.constant 0 : i32
      %add3A_24 = arith.addi %add3A, %mul3A_23 : i32
      %scan3A_25 = arith.constant 0 : i32
      %scan3A_26 = arith.constant 8 : i32
      %scan3A_27 = arith.addi %scan3A_25, %scan3A_26 : i32
      %scan3A_28 = arith.constant 1 : i32
      scf.for %scan3A_30 = %scan3A_25 to %scan3A_27 step %scan3A_28  : i32 {
        %mul3A_31 = arith.constant 16 : i32
        %mul3A_32 = arith.muli %scan3A_30, %mul3A_31 : i32
        %add3A_33 = arith.constant 0 : i32
        %add3A_34 = arith.addi %add3A_33, %mul3A_32 : i32
        %swap3A = arith.index_cast %add3A_24 : i32 to index
        %swap3A_35 = arith.index_cast %add3A_34 : i32 to index
        %swap3A_36 = tpu.vector_load %arg10[%swap3A, %swap3A_35] {strides = array<i32>} : memref<128x128xf32, #tpu.memory_space<vmem>>, vector<16xf32>,
        tpu.vector_store %arg10[%swap3A, %swap3A_35], %broadcast_in_dim3A_0 {strides = array<i32>} : memref<128x128xf32, #tpu.memory_space<vmem>>, vector<16xf32>,
      }
      %scan3A_29 = arith.constant 8 : i32
    }
    %scan3A_4 = arith.constant 128 : i32
    %scan3A_5 = arith.constant 0 : i32
    %scan3A_6 = arith.constant 5 : i32
    %scan3A_7 = arith.addi %scan3A_5, %scan3A_6 : i32
    %scan3A_8 = arith.constant 1 : i32
    scf.for %scan3A_21 = %scan3A_5 to %scan3A_7 step %scan3A_8  : i32 {
      %mul3A_22 = arith.constant 1 : i32
      %mul3A_23 = arith.muli %scan3A_21, %mul3A_22 : i32
      %add3A = arith.constant 0 : i32
      %add3A_24 = arith.addi %add3A, %mul3A_23 : i32
      %mul3A_25 = arith.constant 640 : i32
      %mul3A_26 = arith.muli %arg1, %mul3A_25 : i32
      %mul3A_27 = arith.constant 128 : i32
      %mul3A_28 = arith.muli %add3A_24, %mul3A_27 : i32
      %add3A_29 = arith.addi %mul3A_26, %mul3A_28 : i32
      "tpu.region"() ({
        %run_scoped3A = tpu.sem_alloc : memref<!tpu.dma_semaphore, #tpu.memory_space<semaphore_mem>>
        %dma_start3A = arith.constant 0 : i32
        %dma_start3A_30 = tpu.memref_slice %arg11[%add3A_29, %dma_start3A] : memref<10240x128xf32, #tpu.memory_space<vmem_shared>> -> memref<128x128xf32, #tpu.memory_space<vmem_shared>>
        %dma_start3A_31 = arith.constant 0 : i32
        %dma_start3A_32 = tpu.memref_slice %arg11[%add3A_29, %dma_start3A_31] : memref<10240x128xf32, #tpu.memory_space<vmem_shared>> -> memref<128x128xf32, #tpu.memory_space<vmem_shared>>
        tpu.enqueue_dma source(%arg10 : memref<128x128xf32, #tpu.memory_space<vmem>>) target(%dma_start3A_32 : memref<128x128xf32, #tpu.memory_space<vmem_shared>>) target_semaphore(%run_scoped3A : memref<!tpu.dma_semaphore, #tpu.memory_space<semaphore_mem>>)
        %dma_wait3A = arith.constant 0 : i32
        %dma_wait3A_33 = tpu.memref_slice %arg11[%add3A_29, %dma_wait3A] : memref<10240x128xf32, #tpu.memory_space<vmem_shared>> -> memref<128x128xf32, #tpu.memory_space<vmem_shared>>
        %dma_wait3A_34 = arith.constant 0 : i32
        %dma_wait3A_35 = tpu.memref_slice %arg11[%add3A_29, %dma_wait3A_34] : memref<10240x128xf32, #tpu.memory_space<vmem_shared>> -> memref<128x128xf32, #tpu.memory_space<vmem_shared>>
        tpu.wait_dma2 semaphore(%run_scoped3A : memref<!tpu.dma_semaphore, #tpu.memory_space<semaphore_mem>>) src(%arg10 : memref<128x128xf32, #tpu.memory_space<vmem>>) dst(%dma_wait3A_35 : memref<128x128xf32, #tpu.memory_space<vmem_shared>>)
        tpu.yield
      }) : () -> ()
    }
    %scan3A_9 = arith.constant 5 : i32
    %barrier3A = arith.constant 0 : index
    tpu.barrier barrier_id(%barrier3A)
    %eq3A = arith.constant 0 : i32
    %eq3A_10 = arith.cmpi eq, %arg0, %eq3A : i32
    %convert_element_type3A = arith.extui %eq3A_10 : i1 to i32
    %cond3A = arith.constant 0 : i32
    %cond3A_11 = arith.cmpi ne, %convert_element_type3A, %cond3A : i32
    scf.if %cond3A_11 {
      %mul3A_21 = arith.constant 110 : i32
      %mul3A_22 = arith.muli %arg1, %mul3A_21 : i32
      %dma_start3A = arith.constant 0 : i32
      %dma_start3A_23 = tpu.memref_slice %arg3[%mul3A_22, %dma_start3A] : memref<2536x128xi32, #tpu.memory_space<hbm>> -> memref<1x128xi32, #tpu.memory_space<hbm>>
      %dma_start3A_24 = tpu.memref_squeeze %dma_start3A_23 : memref<1x128xi32, #tpu.memory_space<hbm>> -> memref<128xi32, #tpu.memory_space<hbm>>
      %dma_start3A_25 = arith.constant 0 : i32
      %dma_start3A_26 = tpu.memref_slice %arg3[%mul3A_22, %dma_start3A_25] : memref<2536x128xi32, #tpu.memory_space<hbm>> -> memref<1x128xi32, #tpu.memory_space<hbm>>
      %dma_start3A_27 = tpu.memref_squeeze %dma_start3A_26 : memref<1x128xi32, #tpu.memory_space<hbm>> -> memref<128xi32, #tpu.memory_space<hbm>>
      tpu.enqueue_dma source(%dma_start3A_27 : memref<128xi32, #tpu.memory_space<hbm>>) target(%arg6 : memref<128xi32, #tpu.memory_space<vmem>>) target_semaphore(%arg13 : memref<!tpu.dma_semaphore, #tpu.memory_space<semaphore_mem>>)
      %dma_start3A_28 = arith.constant 0 : i32
      %dma_start3A_29 = tpu.memref_slice %arg4[%mul3A_22, %dma_start3A_28] : memref<2536x128xi32, #tpu.memory_space<hbm>> -> memref<1x128xi32, #tpu.memory_space<hbm>>
      %dma_start3A_30 = tpu.memref_squeeze %dma_start3A_29 : memref<1x128xi32, #tpu.memory_space<hbm>> -> memref<128xi32, #tpu.memory_space<hbm>>
      %dma_start3A_31 = arith.constant 0 : i32
      %dma_start3A_32 = tpu.memref_slice %arg4[%mul3A_22, %dma_start3A_31] : memref<2536x128xi32, #tpu.memory_space<hbm>> -> memref<1x128xi32, #tpu.memory_space<hbm>>
      %dma_start3A_33 = tpu.memref_squeeze %dma_start3A_32 : memref<1x128xi32, #tpu.memory_space<hbm>> -> memref<128xi32, #tpu.memory_space<hbm>>
      tpu.enqueue_dma source(%dma_start3A_33 : memref<128xi32, #tpu.memory_space<hbm>>) target(%arg7 : memref<128xi32, #tpu.memory_space<vmem>>) target_semaphore(%arg14 : memref<!tpu.dma_semaphore, #tpu.memory_space<semaphore_mem>>)
      %scan3A_34 = arith.constant 0 : i32
      %scan3A_35 = arith.constant 55 : i32
      %scan3A_36 = arith.addi %scan3A_34, %scan3A_35 : i32
      %scan3A_37 = arith.constant 1 : i32
      scf.for %scan3A_50 = %scan3A_34 to %scan3A_36 step %scan3A_37  : i32 {
        %mul3A_51 = arith.constant 2 : i32
        %mul3A_52 = arith.muli %scan3A_50, %mul3A_51 : i32
        %add3A = arith.constant 0 : i32
        %add3A_53 = arith.addi %add3A, %mul3A_52 : i32
        %add3A_54 = arith.addi %mul3A_22, %add3A_53 : i32
        %add3A_55 = arith.constant 1 : i32
        %add3A_56 = arith.addi %add3A_54, %add3A_55 : i32
        %dma_start3A_57 = arith.constant 0 : i32
        %dma_start3A_58 = tpu.memref_slice %arg3[%add3A_56, %dma_start3A_57] : memref<2536x128xi32, #tpu.memory_space<hbm>> -> memref<1x128xi32, #tpu.memory_space<hbm>>
        %dma_start3A_59 = tpu.memref_squeeze %dma_start3A_58 : memref<1x128xi32, #tpu.memory_space<hbm>> -> memref<128xi32, #tpu.memory_space<hbm>>
        %dma_start3A_60 = arith.constant 0 : i32
        %dma_start3A_61 = tpu.memref_slice %arg3[%add3A_56, %dma_start3A_60] : memref<2536x128xi32, #tpu.memory_space<hbm>> -> memref<1x128xi32, #tpu.memory_space<hbm>>
        %dma_start3A_62 = tpu.memref_squeeze %dma_start3A_61 : memref<1x128xi32, #tpu.memory_space<hbm>> -> memref<128xi32, #tpu.memory_space<hbm>>
        tpu.enqueue_dma source(%dma_start3A_62 : memref<128xi32, #tpu.memory_space<hbm>>) target(%arg8 : memref<128xi32, #tpu.memory_space<vmem>>) target_semaphore(%arg15 : memref<!tpu.dma_semaphore, #tpu.memory_space<semaphore_mem>>)
        %add3A_63 = arith.addi %mul3A_22, %add3A_53 : i32
        %add3A_64 = arith.constant 1 : i32
        %add3A_65 = arith.addi %add3A_63, %add3A_64 : i32
        %dma_start3A_66 = arith.constant 0 : i32
        %dma_start3A_67 = tpu.memref_slice %arg4[%add3A_65, %dma_start3A_66] : memref<2536x128xi32, #tpu.memory_space<hbm>> -> memref<1x128xi32, #tpu.memory_space<hbm>>
        %dma_start3A_68 = tpu.memref_squeeze %dma_start3A_67 : memref<1x128xi32, #tpu.memory_space<hbm>> -> memref<128xi32, #tpu.memory_space<hbm>>
        %dma_start3A_69 = arith.constant 0 : i32
        %dma_start3A_70 = tpu.memref_slice %arg4[%add3A_65, %dma_start3A_69] : memref<2536x128xi32, #tpu.memory_space<hbm>> -> memref<1x128xi32, #tpu.memory_space<hbm>>
        %dma_start3A_71 = tpu.memref_squeeze %dma_start3A_70 : memref<1x128xi32, #tpu.memory_space<hbm>> -> memref<128xi32, #tpu.memory_space<hbm>>
        tpu.enqueue_dma source(%dma_start3A_71 : memref<128xi32, #tpu.memory_space<hbm>>) target(%arg9 : memref<128xi32, #tpu.memory_space<vmem>>) target_semaphore(%arg16 : memref<!tpu.dma_semaphore, #tpu.memory_space<semaphore_mem>>)
        %dma_wait3A_72 = arith.constant 0 : i32
        %dma_wait3A_73 = tpu.memref_slice %arg3[%mul3A_22, %dma_wait3A_72] : memref<2536x128xi32, #tpu.memory_space<hbm>> -> memref<1x128xi32, #tpu.memory_space<hbm>>
        %dma_wait3A_74 = tpu.memref_squeeze %dma_wait3A_73 : memref<1x128xi32, #tpu.memory_space<hbm>> -> memref<128xi32, #tpu.memory_space<hbm>>
        %dma_wait3A_75 = arith.constant 0 : i32
        %dma_wait3A_76 = tpu.memref_slice %arg3[%mul3A_22, %dma_wait3A_75] : memref<2536x128xi32, #tpu.memory_space<hbm>> -> memref<1x128xi32, #tpu.memory_space<hbm>>
        %dma_wait3A_77 = tpu.memref_squeeze %dma_wait3A_76 : memref<1x128xi32, #tpu.memory_space<hbm>> -> memref<128xi32, #tpu.memory_space<hbm>>
        tpu.wait_dma2 semaphore(%arg13 : memref<!tpu.dma_semaphore, #tpu.memory_space<semaphore_mem>>) src(%dma_wait3A_77 : memref<128xi32, #tpu.memory_space<hbm>>) dst(%arg6 : memref<128xi32, #tpu.memory_space<vmem>>)
        %dma_wait3A_78 = arith.constant 0 : i32
        %dma_wait3A_79 = tpu.memref_slice %arg4[%mul3A_22, %dma_wait3A_78] : memref<2536x128xi32, #tpu.memory_space<hbm>> -> memref<1x128xi32, #tpu.memory_space<hbm>>
        %dma_wait3A_80 = tpu.memref_squeeze %dma_wait3A_79 : memref<1x128xi32, #tpu.memory_space<hbm>> -> memref<128xi32, #tpu.memory_space<hbm>>
        %dma_wait3A_81 = arith.constant 0 : i32
        %dma_wait3A_82 = tpu.memref_slice %arg4[%mul3A_22, %dma_wait3A_81] : memref<2536x128xi32, #tpu.memory_space<hbm>> -> memref<1x128xi32, #tpu.memory_space<hbm>>
        %dma_wait3A_83 = tpu.memref_squeeze %dma_wait3A_82 : memref<1x128xi32, #tpu.memory_space<hbm>> -> memref<128xi32, #tpu.memory_space<hbm>>
        tpu.wait_dma2 semaphore(%arg14 : memref<!tpu.dma_semaphore, #tpu.memory_space<semaphore_mem>>) src(%dma_wait3A_83 : memref<128xi32, #tpu.memory_space<hbm>>) dst(%arg7 : memref<128xi32, #tpu.memory_space<vmem>>)
        %dma_start3A_84 = arith.constant 0 : i32
        %dma_start3A_85 = arith.constant 0 : i32
        %dma_start3A_86 = tpu.memref_slice %arg2[%dma_start3A_84, %dma_start3A_85] : memref<10000x128xf32, #tpu.memory_space<hbm>> -> memref<10000x128xf32, #tpu.memory_space<hbm>>
        tpu.enqueue_indirect_dma source(%dma_start3A_86 : memref<10000x128xf32, #tpu.memory_space<hbm>>) target(%arg10 : memref<128x128xf32, #tpu.memory_space<vmem>>) offsets(%arg6 : memref<128xi32, #tpu.memory_space<vmem>>) semaphore(%arg12 : memref<!tpu.dma_semaphore, #tpu.memory_space<semaphore_mem>>)
        %dma_wait3A_87 = arith.constant 0 : i32
        %dma_wait3A_88 = arith.constant 0 : i32
        %dma_wait3A_89 = tpu.memref_slice %arg2[%dma_wait3A_87, %dma_wait3A_88] : memref<10000x128xf32, #tpu.memory_space<hbm>> -> memref<10000x128xf32, #tpu.memory_space<hbm>>
        tpu.wait_indirect_dma semaphore(%arg12 : memref<!tpu.dma_semaphore, #tpu.memory_space<semaphore_mem>>) src(%dma_wait3A_89 : memref<10000x128xf32, #tpu.memory_space<hbm>>) dst(%arg10 : memref<128x128xf32, #tpu.memory_space<vmem>>)
        "tpu.region"() ({
          %run_scoped3A = tpu.sem_alloc : memref<!tpu.dma_semaphore, #tpu.memory_space<semaphore_mem>>
          %dma_start3A_126 = arith.constant 0 : i32
          %dma_start3A_127 = arith.constant 0 : i32
          %dma_start3A_128 = tpu.memref_slice %arg11[%dma_start3A_126, %dma_start3A_127] : memref<10240x128xf32, #tpu.memory_space<vmem_shared>> -> memref<10240x128xf32, #tpu.memory_space<vmem_shared>>
          tpu.enqueue_indirect_dma source(%arg10 : memref<128x128xf32, #tpu.memory_space<vmem>>) target(%dma_start3A_128 : memref<10240x128xf32, #tpu.memory_space<vmem_shared>>) offsets(%arg7 : memref<128xi32, #tpu.memory_space<vmem>>) semaphore(%run_scoped3A : memref<!tpu.dma_semaphore, #tpu.memory_space<semaphore_mem>>) {add = true}
          %dma_wait3A_129 = arith.constant 0 : i32
          %dma_wait3A_130 = arith.constant 0 : i32
          %dma_wait3A_131 = tpu.memref_slice %arg11[%dma_wait3A_129, %dma_wait3A_130] : memref<10240x128xf32, #tpu.memory_space<vmem_shared>> -> memref<10240x128xf32, #tpu.memory_space<vmem_shared>>
          tpu.wait_indirect_dma semaphore(%run_scoped3A : memref<!tpu.dma_semaphore, #tpu.memory_space<semaphore_mem>>) src(%arg10 : memref<128x128xf32, #tpu.memory_space<vmem>>) dst(%dma_wait3A_131 : memref<10240x128xf32, #tpu.memory_space<vmem_shared>>)
          tpu.yield
        }) : () -> ()
        %add3A_90 = arith.addi %mul3A_22, %add3A_53 : i32
        %add3A_91 = arith.constant 2 : i32
        %add3A_92 = arith.addi %add3A_90, %add3A_91 : i32
        %dma_start3A_93 = arith.constant 0 : i32
        %dma_start3A_94 = tpu.memref_slice %arg3[%add3A_92, %dma_start3A_93] : memref<2536x128xi32, #tpu.memory_space<hbm>> -> memref<1x128xi32, #tpu.memory_space<hbm>>
        %dma_start3A_95 = tpu.memref_squeeze %dma_start3A_94 : memref<1x128xi32, #tpu.memory_space<hbm>> -> memref<128xi32, #tpu.memory_space<hbm>>
        %dma_start3A_96 = arith.constant 0 : i32
        %dma_start3A_97 = tpu.memref_slice %arg3[%add3A_92, %dma_start3A_96] : memref<2536x128xi32, #tpu.memory_space<hbm>> -> memref<1x128xi32, #tpu.memory_space<hbm>>
        %dma_start3A_98 = tpu.memref_squeeze %dma_start3A_97 : memref<1x128xi32, #tpu.memory_space<hbm>> -> memref<128xi32, #tpu.memory_space<hbm>>
        tpu.enqueue_dma source(%dma_start3A_98 : memref<128xi32, #tpu.memory_space<hbm>>) target(%arg6 : memref<128xi32, #tpu.memory_space<vmem>>) target_semaphore(%arg13 : memref<!tpu.dma_semaphore, #tpu.memory_space<semaphore_mem>>)
        %add3A_99 = arith.addi %mul3A_22, %add3A_53 : i32
        %add3A_100 = arith.constant 2 : i32
        %add3A_101 = arith.addi %add3A_99, %add3A_100 : i32
        %dma_start3A_102 = arith.constant 0 : i32
        %dma_start3A_103 = tpu.memref_slice %arg4[%add3A_101, %dma_start3A_102] : memref<2536x128xi32, #tpu.memory_space<hbm>> -> memref<1x128xi32, #tpu.memory_space<hbm>>
        %dma_start3A_104 = tpu.memref_squeeze %dma_start3A_103 : memref<1x128xi32, #tpu.memory_space<hbm>> -> memref<128xi32, #tpu.memory_space<hbm>>
        %dma_start3A_105 = arith.constant 0 : i32
        %dma_start3A_106 = tpu.memref_slice %arg4[%add3A_101, %dma_start3A_105] : memref<2536x128xi32, #tpu.memory_space<hbm>> -> memref<1x128xi32, #tpu.memory_space<hbm>>
        %dma_start3A_107 = tpu.memref_squeeze %dma_start3A_106 : memref<1x128xi32, #tpu.memory_space<hbm>> -> memref<128xi32, #tpu.memory_space<hbm>>
        tpu.enqueue_dma source(%dma_start3A_107 : memref<128xi32, #tpu.memory_space<hbm>>) target(%arg7 : memref<128xi32, #tpu.memory_space<vmem>>) target_semaphore(%arg14 : memref<!tpu.dma_semaphore, #tpu.memory_space<semaphore_mem>>)
        %dma_wait3A_108 = arith.constant 0 : i32
        %dma_wait3A_109 = tpu.memref_slice %arg3[%mul3A_22, %dma_wait3A_108] : memref<2536x128xi32, #tpu.memory_space<hbm>> -> memref<1x128xi32, #tpu.memory_space<hbm>>
        %dma_wait3A_110 = tpu.memref_squeeze %dma_wait3A_109 : memref<1x128xi32, #tpu.memory_space<hbm>> -> memref<128xi32, #tpu.memory_space<hbm>>
        %dma_wait3A_111 = arith.constant 0 : i32
        %dma_wait3A_112 = tpu.memref_slice %arg3[%mul3A_22, %dma_wait3A_111] : memref<2536x128xi32, #tpu.memory_space<hbm>> -> memref<1x128xi32, #tpu.memory_space<hbm>>
        %dma_wait3A_113 = tpu.memref_squeeze %dma_wait3A_112 : memref<1x128xi32, #tpu.memory_space<hbm>> -> memref<128xi32, #tpu.memory_space<hbm>>
        tpu.wait_dma2 semaphore(%arg15 : memref<!tpu.dma_semaphore, #tpu.memory_space<semaphore_mem>>) src(%dma_wait3A_113 : memref<128xi32, #tpu.memory_space<hbm>>) dst(%arg8 : memref<128xi32, #tpu.memory_space<vmem>>)
        %dma_wait3A_114 = arith.constant 0 : i32
        %dma_wait3A_115 = tpu.memref_slice %arg4[%mul3A_22, %dma_wait3A_114] : memref<2536x128xi32, #tpu.memory_space<hbm>> -> memref<1x128xi32, #tpu.memory_space<hbm>>
        %dma_wait3A_116 = tpu.memref_squeeze %dma_wait3A_115 : memref<1x128xi32, #tpu.memory_space<hbm>> -> memref<128xi32, #tpu.memory_space<hbm>>
        %dma_wait3A_117 = arith.constant 0 : i32
        %dma_wait3A_118 = tpu.memref_slice %arg4[%mul3A_22, %dma_wait3A_117] : memref<2536x128xi32, #tpu.memory_space<hbm>> -> memref<1x128xi32, #tpu.memory_space<hbm>>
        %dma_wait3A_119 = tpu.memref_squeeze %dma_wait3A_118 : memref<1x128xi32, #tpu.memory_space<hbm>> -> memref<128xi32, #tpu.memory_space<hbm>>
        tpu.wait_dma2 semaphore(%arg16 : memref<!tpu.dma_semaphore, #tpu.memory_space<semaphore_mem>>) src(%dma_wait3A_119 : memref<128xi32, #tpu.memory_space<hbm>>) dst(%arg9 : memref<128xi32, #tpu.memory_space<vmem>>)
        %dma_start3A_120 = arith.constant 0 : i32
        %dma_start3A_121 = arith.constant 0 : i32
        %dma_start3A_122 = tpu.memref_slice %arg2[%dma_start3A_120, %dma_start3A_121] : memref<10000x128xf32, #tpu.memory_space<hbm>> -> memref<10000x128xf32, #tpu.memory_space<hbm>>
        tpu.enqueue_indirect_dma source(%dma_start3A_122 : memref<10000x128xf32, #tpu.memory_space<hbm>>) target(%arg10 : memref<128x128xf32, #tpu.memory_space<vmem>>) offsets(%arg8 : memref<128xi32, #tpu.memory_space<vmem>>) semaphore(%arg12 : memref<!tpu.dma_semaphore, #tpu.memory_space<semaphore_mem>>)
        %dma_wait3A_123 = arith.constant 0 : i32
        %dma_wait3A_124 = arith.constant 0 : i32
        %dma_wait3A_125 = tpu.memref_slice %arg2[%dma_wait3A_123, %dma_wait3A_124] : memref<10000x128xf32, #tpu.memory_space<hbm>> -> memref<10000x128xf32, #tpu.memory_space<hbm>>
        tpu.wait_indirect_dma semaphore(%arg12 : memref<!tpu.dma_semaphore, #tpu.memory_space<semaphore_mem>>) src(%dma_wait3A_125 : memref<10000x128xf32, #tpu.memory_space<hbm>>) dst(%arg10 : memref<128x128xf32, #tpu.memory_space<vmem>>)
        "tpu.region"() ({
          %run_scoped3A = tpu.sem_alloc : memref<!tpu.dma_semaphore, #tpu.memory_space<semaphore_mem>>
          %dma_start3A_126 = arith.constant 0 : i32
          %dma_start3A_127 = arith.constant 0 : i32
          %dma_start3A_128 = tpu.memref_slice %arg11[%dma_start3A_126, %dma_start3A_127] : memref<10240x128xf32, #tpu.memory_space<vmem_shared>> -> memref<10240x128xf32, #tpu.memory_space<vmem_shared>>
          tpu.enqueue_indirect_dma source(%arg10 : memref<128x128xf32, #tpu.memory_space<vmem>>) target(%dma_start3A_128 : memref<10240x128xf32, #tpu.memory_space<vmem_shared>>) offsets(%arg9 : memref<128xi32, #tpu.memory_space<vmem>>) semaphore(%run_scoped3A : memref<!tpu.dma_semaphore, #tpu.memory_space<semaphore_mem>>) {add = true}
          %dma_wait3A_129 = arith.constant 0 : i32
          %dma_wait3A_130 = arith.constant 0 : i32
          %dma_wait3A_131 = tpu.memref_slice %arg11[%dma_wait3A_129, %dma_wait3A_130] : memref<10240x128xf32, #tpu.memory_space<vmem_shared>> -> memref<10240x128xf32, #tpu.memory_space<vmem_shared>>
          tpu.wait_indirect_dma semaphore(%run_scoped3A : memref<!tpu.dma_semaphore, #tpu.memory_space<semaphore_mem>>) src(%arg10 : memref<128x128xf32, #tpu.memory_space<vmem>>) dst(%dma_wait3A_131 : memref<10240x128xf32, #tpu.memory_space<vmem_shared>>)
          tpu.yield
        }) : () -> ()
      }
      %scan3A_38 = arith.constant 55 : i32
      %dma_wait3A = arith.constant 0 : i32
      %dma_wait3A_39 = tpu.memref_slice %arg3[%mul3A_22, %dma_wait3A] : memref<2536x128xi32, #tpu.memory_space<hbm>> -> memref<1x128xi32, #tpu.memory_space<hbm>>
      %dma_wait3A_40 = tpu.memref_squeeze %dma_wait3A_39 : memref<1x128xi32, #tpu.memory_space<hbm>> -> memref<128xi32, #tpu.memory_space<hbm>>
      %dma_wait3A_41 = arith.constant 0 : i32
      %dma_wait3A_42 = tpu.memref_slice %arg3[%mul3A_22, %dma_wait3A_41] : memref<2536x128xi32, #tpu.memory_space<hbm>> -> memref<1x128xi32, #tpu.memory_space<hbm>>
      %dma_wait3A_43 = tpu.memref_squeeze %dma_wait3A_42 : memref<1x128xi32, #tpu.memory_space<hbm>> -> memref<128xi32, #tpu.memory_space<hbm>>
      tpu.wait_dma2 semaphore(%arg13 : memref<!tpu.dma_semaphore, #tpu.memory_space<semaphore_mem>>) src(%dma_wait3A_43 : memref<128xi32, #tpu.memory_space<hbm>>) dst(%arg6 : memref<128xi32, #tpu.memory_space<vmem>>)
      %dma_wait3A_44 = arith.constant 0 : i32
      %dma_wait3A_45 = tpu.memref_slice %arg4[%mul3A_22, %dma_wait3A_44] : memref<2536x128xi32, #tpu.memory_space<hbm>> -> memref<1x128xi32, #tpu.memory_space<hbm>>
      %dma_wait3A_46 = tpu.memref_squeeze %dma_wait3A_45 : memref<1x128xi32, #tpu.memory_space<hbm>> -> memref<128xi32, #tpu.memory_space<hbm>>
      %dma_wait3A_47 = arith.constant 0 : i32
      %dma_wait3A_48 = tpu.memref_slice %arg4[%mul3A_22, %dma_wait3A_47] : memref<2536x128xi32, #tpu.memory_space<hbm>> -> memref<1x128xi32, #tpu.memory_space<hbm>>
      %dma_wait3A_49 = tpu.memref_squeeze %dma_wait3A_48 : memref<1x128xi32, #tpu.memory_space<hbm>> -> memref<128xi32, #tpu.memory_space<hbm>>
      tpu.wait_dma2 semaphore(%arg14 : memref<!tpu.dma_semaphore, #tpu.memory_space<semaphore_mem>>) src(%dma_wait3A_49 : memref<128xi32, #tpu.memory_space<hbm>>) dst(%arg7 : memref<128xi32, #tpu.memory_space<vmem>>)
    } else {
    }
    %eq3A_12 = arith.constant 1 : i32
    %eq3A_13 = arith.cmpi eq, %arg0, %eq3A_12 : i32
    %convert_element_type3A_14 = arith.extui %eq3A_13 : i1 to i32
    %cond3A_15 = arith.constant 0 : i32
    %cond3A_16 = arith.cmpi ne, %convert_element_type3A_14, %cond3A_15 : i32
    scf.if %cond3A_16 {
      %mul3A_21 = arith.constant 48 : i32
      %mul3A_22 = arith.muli %arg1, %mul3A_21 : i32
      %add3A = arith.constant 1760 : i32
      %add3A_23 = arith.addi %add3A, %mul3A_22 : i32
      %dma_start3A = arith.constant 0 : i32
      %dma_start3A_24 = tpu.memref_slice %arg3[%add3A_23, %dma_start3A] : memref<2536x128xi32, #tpu.memory_space<hbm>> -> memref<1x128xi32, #tpu.memory_space<hbm>>
      %dma_start3A_25 = tpu.memref_squeeze %dma_start3A_24 : memref<1x128xi32, #tpu.memory_space<hbm>> -> memref<128xi32, #tpu.memory_space<hbm>>
      %dma_start3A_26 = arith.constant 0 : i32
      %dma_start3A_27 = tpu.memref_slice %arg3[%add3A_23, %dma_start3A_26] : memref<2536x128xi32, #tpu.memory_space<hbm>> -> memref<1x128xi32, #tpu.memory_space<hbm>>
      %dma_start3A_28 = tpu.memref_squeeze %dma_start3A_27 : memref<1x128xi32, #tpu.memory_space<hbm>> -> memref<128xi32, #tpu.memory_space<hbm>>
      tpu.enqueue_dma source(%dma_start3A_28 : memref<128xi32, #tpu.memory_space<hbm>>) target(%arg6 : memref<128xi32, #tpu.memory_space<vmem>>) target_semaphore(%arg13 : memref<!tpu.dma_semaphore, #tpu.memory_space<semaphore_mem>>)
      %dma_start3A_29 = arith.constant 0 : i32
      %dma_start3A_30 = tpu.memref_slice %arg4[%add3A_23, %dma_start3A_29] : memref<2536x128xi32, #tpu.memory_space<hbm>> -> memref<1x128xi32, #tpu.memory_space<hbm>>
      %dma_start3A_31 = tpu.memref_squeeze %dma_start3A_30 : memref<1x128xi32, #tpu.memory_space<hbm>> -> memref<128xi32, #tpu.memory_space<hbm>>
      %dma_start3A_32 = arith.constant 0 : i32
      %dma_start3A_33 = tpu.memref_slice %arg4[%add3A_23, %dma_start3A_32] : memref<2536x128xi32, #tpu.memory_space<hbm>> -> memref<1x128xi32, #tpu.memory_space<hbm>>
      %dma_start3A_34 = tpu.memref_squeeze %dma_start3A_33 : memref<1x128xi32, #tpu.memory_space<hbm>> -> memref<128xi32, #tpu.memory_space<hbm>>
      tpu.enqueue_dma source(%dma_start3A_34 : memref<128xi32, #tpu.memory_space<hbm>>) target(%arg7 : memref<128xi32, #tpu.memory_space<vmem>>) target_semaphore(%arg14 : memref<!tpu.dma_semaphore, #tpu.memory_space<semaphore_mem>>)
      %scan3A_35 = arith.constant 0 : i32
      %scan3A_36 = arith.constant 24 : i32
      %scan3A_37 = arith.addi %scan3A_35, %scan3A_36 : i32
      %scan3A_38 = arith.constant 1 : i32
      scf.for %scan3A_51 = %scan3A_35 to %scan3A_37 step %scan3A_38  : i32 {
        %mul3A_52 = arith.constant 2 : i32
        %mul3A_53 = arith.muli %scan3A_51, %mul3A_52 : i32
        %add3A_54 = arith.constant 0 : i32
        %add3A_55 = arith.addi %add3A_54, %mul3A_53 : i32
        %add3A_56 = arith.addi %add3A_23, %add3A_55 : i32
        %add3A_57 = arith.constant 1 : i32
        %add3A_58 = arith.addi %add3A_56, %add3A_57 : i32
        %dma_start3A_59 = arith.constant 0 : i32
        %dma_start3A_60 = tpu.memref_slice %arg3[%add3A_58, %dma_start3A_59] : memref<2536x128xi32, #tpu.memory_space<hbm>> -> memref<1x128xi32, #tpu.memory_space<hbm>>
        %dma_start3A_61 = tpu.memref_squeeze %dma_start3A_60 : memref<1x128xi32, #tpu.memory_space<hbm>> -> memref<128xi32, #tpu.memory_space<hbm>>
        %dma_start3A_62 = arith.constant 0 : i32
        %dma_start3A_63 = tpu.memref_slice %arg3[%add3A_58, %dma_start3A_62] : memref<2536x128xi32, #tpu.memory_space<hbm>> -> memref<1x128xi32, #tpu.memory_space<hbm>>
        %dma_start3A_64 = tpu.memref_squeeze %dma_start3A_63 : memref<1x128xi32, #tpu.memory_space<hbm>> -> memref<128xi32, #tpu.memory_space<hbm>>
        tpu.enqueue_dma source(%dma_start3A_64 : memref<128xi32, #tpu.memory_space<hbm>>) target(%arg8 : memref<128xi32, #tpu.memory_space<vmem>>) target_semaphore(%arg15 : memref<!tpu.dma_semaphore, #tpu.memory_space<semaphore_mem>>)
        %add3A_65 = arith.addi %add3A_23, %add3A_55 : i32
        %add3A_66 = arith.constant 1 : i32
        %add3A_67 = arith.addi %add3A_65, %add3A_66 : i32
        %dma_start3A_68 = arith.constant 0 : i32
        %dma_start3A_69 = tpu.memref_slice %arg4[%add3A_67, %dma_start3A_68] : memref<2536x128xi32, #tpu.memory_space<hbm>> -> memref<1x128xi32, #tpu.memory_space<hbm>>
        %dma_start3A_70 = tpu.memref_squeeze %dma_start3A_69 : memref<1x128xi32, #tpu.memory_space<hbm>> -> memref<128xi32, #tpu.memory_space<hbm>>
        %dma_start3A_71 = arith.constant 0 : i32
        %dma_start3A_72 = tpu.memref_slice %arg4[%add3A_67, %dma_start3A_71] : memref<2536x128xi32, #tpu.memory_space<hbm>> -> memref<1x128xi32, #tpu.memory_space<hbm>>
        %dma_start3A_73 = tpu.memref_squeeze %dma_start3A_72 : memref<1x128xi32, #tpu.memory_space<hbm>> -> memref<128xi32, #tpu.memory_space<hbm>>
        tpu.enqueue_dma source(%dma_start3A_73 : memref<128xi32, #tpu.memory_space<hbm>>) target(%arg9 : memref<128xi32, #tpu.memory_space<vmem>>) target_semaphore(%arg16 : memref<!tpu.dma_semaphore, #tpu.memory_space<semaphore_mem>>)
        %dma_wait3A_74 = arith.constant 0 : i32
        %dma_wait3A_75 = tpu.memref_slice %arg3[%add3A_23, %dma_wait3A_74] : memref<2536x128xi32, #tpu.memory_space<hbm>> -> memref<1x128xi32, #tpu.memory_space<hbm>>
        %dma_wait3A_76 = tpu.memref_squeeze %dma_wait3A_75 : memref<1x128xi32, #tpu.memory_space<hbm>> -> memref<128xi32, #tpu.memory_space<hbm>>
        %dma_wait3A_77 = arith.constant 0 : i32
        %dma_wait3A_78 = tpu.memref_slice %arg3[%add3A_23, %dma_wait3A_77] : memref<2536x128xi32, #tpu.memory_space<hbm>> -> memref<1x128xi32, #tpu.memory_space<hbm>>
        %dma_wait3A_79 = tpu.memref_squeeze %dma_wait3A_78 : memref<1x128xi32, #tpu.memory_space<hbm>> -> memref<128xi32, #tpu.memory_space<hbm>>
        tpu.wait_dma2 semaphore(%arg13 : memref<!tpu.dma_semaphore, #tpu.memory_space<semaphore_mem>>) src(%dma_wait3A_79 : memref<128xi32, #tpu.memory_space<hbm>>) dst(%arg6 : memref<128xi32, #tpu.memory_space<vmem>>)
        %dma_wait3A_80 = arith.constant 0 : i32
        %dma_wait3A_81 = tpu.memref_slice %arg4[%add3A_23, %dma_wait3A_80] : memref<2536x128xi32, #tpu.memory_space<hbm>> -> memref<1x128xi32, #tpu.memory_space<hbm>>
        %dma_wait3A_82 = tpu.memref_squeeze %dma_wait3A_81 : memref<1x128xi32, #tpu.memory_space<hbm>> -> memref<128xi32, #tpu.memory_space<hbm>>
        %dma_wait3A_83 = arith.constant 0 : i32
        %dma_wait3A_84 = tpu.memref_slice %arg4[%add3A_23, %dma_wait3A_83] : memref<2536x128xi32, #tpu.memory_space<hbm>> -> memref<1x128xi32, #tpu.memory_space<hbm>>
        %dma_wait3A_85 = tpu.memref_squeeze %dma_wait3A_84 : memref<1x128xi32, #tpu.memory_space<hbm>> -> memref<128xi32, #tpu.memory_space<hbm>>
        tpu.wait_dma2 semaphore(%arg14 : memref<!tpu.dma_semaphore, #tpu.memory_space<semaphore_mem>>) src(%dma_wait3A_85 : memref<128xi32, #tpu.memory_space<hbm>>) dst(%arg7 : memref<128xi32, #tpu.memory_space<vmem>>)
        %dma_start3A_86 = arith.constant 0 : i32
        %dma_start3A_87 = arith.constant 0 : i32
        %dma_start3A_88 = tpu.memref_slice %arg2[%dma_start3A_86, %dma_start3A_87] : memref<10000x128xf32, #tpu.memory_space<hbm>> -> memref<10000x128xf32, #tpu.memory_space<hbm>>
        tpu.enqueue_indirect_dma source(%dma_start3A_88 : memref<10000x128xf32, #tpu.memory_space<hbm>>) target(%arg10 : memref<128x128xf32, #tpu.memory_space<vmem>>) offsets(%arg6 : memref<128xi32, #tpu.memory_space<vmem>>) semaphore(%arg12 : memref<!tpu.dma_semaphore, #tpu.memory_space<semaphore_mem>>)
        %dma_wait3A_89 = arith.constant 0 : i32
        %dma_wait3A_90 = arith.constant 0 : i32
        %dma_wait3A_91 = tpu.memref_slice %arg2[%dma_wait3A_89, %dma_wait3A_90] : memref<10000x128xf32, #tpu.memory_space<hbm>> -> memref<10000x128xf32, #tpu.memory_space<hbm>>
        tpu.wait_indirect_dma semaphore(%arg12 : memref<!tpu.dma_semaphore, #tpu.memory_space<semaphore_mem>>) src(%dma_wait3A_91 : memref<10000x128xf32, #tpu.memory_space<hbm>>) dst(%arg10 : memref<128x128xf32, #tpu.memory_space<vmem>>)
        "tpu.region"() ({
          %run_scoped3A = tpu.sem_alloc : memref<!tpu.dma_semaphore, #tpu.memory_space<semaphore_mem>>
          %dma_start3A_128 = arith.constant 0 : i32
          %dma_start3A_129 = arith.constant 0 : i32
          %dma_start3A_130 = tpu.memref_slice %arg11[%dma_start3A_128, %dma_start3A_129] : memref<10240x128xf32, #tpu.memory_space<vmem_shared>> -> memref<10240x128xf32, #tpu.memory_space<vmem_shared>>
          tpu.enqueue_indirect_dma source(%arg10 : memref<128x128xf32, #tpu.memory_space<vmem>>) target(%dma_start3A_130 : memref<10240x128xf32, #tpu.memory_space<vmem_shared>>) offsets(%arg7 : memref<128xi32, #tpu.memory_space<vmem>>) semaphore(%run_scoped3A : memref<!tpu.dma_semaphore, #tpu.memory_space<semaphore_mem>>) {add = true}
          %dma_wait3A_131 = arith.constant 0 : i32
          %dma_wait3A_132 = arith.constant 0 : i32
          %dma_wait3A_133 = tpu.memref_slice %arg11[%dma_wait3A_131, %dma_wait3A_132] : memref<10240x128xf32, #tpu.memory_space<vmem_shared>> -> memref<10240x128xf32, #tpu.memory_space<vmem_shared>>
          tpu.wait_indirect_dma semaphore(%run_scoped3A : memref<!tpu.dma_semaphore, #tpu.memory_space<semaphore_mem>>) src(%arg10 : memref<128x128xf32, #tpu.memory_space<vmem>>) dst(%dma_wait3A_133 : memref<10240x128xf32, #tpu.memory_space<vmem_shared>>)
          tpu.yield
        }) : () -> ()
        %add3A_92 = arith.addi %add3A_23, %add3A_55 : i32
        %add3A_93 = arith.constant 2 : i32
        %add3A_94 = arith.addi %add3A_92, %add3A_93 : i32
        %dma_start3A_95 = arith.constant 0 : i32
        %dma_start3A_96 = tpu.memref_slice %arg3[%add3A_94, %dma_start3A_95] : memref<2536x128xi32, #tpu.memory_space<hbm>> -> memref<1x128xi32, #tpu.memory_space<hbm>>
        %dma_start3A_97 = tpu.memref_squeeze %dma_start3A_96 : memref<1x128xi32, #tpu.memory_space<hbm>> -> memref<128xi32, #tpu.memory_space<hbm>>
        %dma_start3A_98 = arith.constant 0 : i32
        %dma_start3A_99 = tpu.memref_slice %arg3[%add3A_94, %dma_start3A_98] : memref<2536x128xi32, #tpu.memory_space<hbm>> -> memref<1x128xi32, #tpu.memory_space<hbm>>
        %dma_start3A_100 = tpu.memref_squeeze %dma_start3A_99 : memref<1x128xi32, #tpu.memory_space<hbm>> -> memref<128xi32, #tpu.memory_space<hbm>>
        tpu.enqueue_dma source(%dma_start3A_100 : memref<128xi32, #tpu.memory_space<hbm>>) target(%arg6 : memref<128xi32, #tpu.memory_space<vmem>>) target_semaphore(%arg13 : memref<!tpu.dma_semaphore, #tpu.memory_space<semaphore_mem>>)
        %add3A_101 = arith.addi %add3A_23, %add3A_55 : i32
        %add3A_102 = arith.constant 2 : i32
        %add3A_103 = arith.addi %add3A_101, %add3A_102 : i32
        %dma_start3A_104 = arith.constant 0 : i32
        %dma_start3A_105 = tpu.memref_slice %arg4[%add3A_103, %dma_start3A_104] : memref<2536x128xi32, #tpu.memory_space<hbm>> -> memref<1x128xi32, #tpu.memory_space<hbm>>
        %dma_start3A_106 = tpu.memref_squeeze %dma_start3A_105 : memref<1x128xi32, #tpu.memory_space<hbm>> -> memref<128xi32, #tpu.memory_space<hbm>>
        %dma_start3A_107 = arith.constant 0 : i32
        %dma_start3A_108 = tpu.memref_slice %arg4[%add3A_103, %dma_start3A_107] : memref<2536x128xi32, #tpu.memory_space<hbm>> -> memref<1x128xi32, #tpu.memory_space<hbm>>
        %dma_start3A_109 = tpu.memref_squeeze %dma_start3A_108 : memref<1x128xi32, #tpu.memory_space<hbm>> -> memref<128xi32, #tpu.memory_space<hbm>>
        tpu.enqueue_dma source(%dma_start3A_109 : memref<128xi32, #tpu.memory_space<hbm>>) target(%arg7 : memref<128xi32, #tpu.memory_space<vmem>>) target_semaphore(%arg14 : memref<!tpu.dma_semaphore, #tpu.memory_space<semaphore_mem>>)
        %dma_wait3A_110 = arith.constant 0 : i32
        %dma_wait3A_111 = tpu.memref_slice %arg3[%add3A_23, %dma_wait3A_110] : memref<2536x128xi32, #tpu.memory_space<hbm>> -> memref<1x128xi32, #tpu.memory_space<hbm>>
        %dma_wait3A_112 = tpu.memref_squeeze %dma_wait3A_111 : memref<1x128xi32, #tpu.memory_space<hbm>> -> memref<128xi32, #tpu.memory_space<hbm>>
        %dma_wait3A_113 = arith.constant 0 : i32
        %dma_wait3A_114 = tpu.memref_slice %arg3[%add3A_23, %dma_wait3A_113] : memref<2536x128xi32, #tpu.memory_space<hbm>> -> memref<1x128xi32, #tpu.memory_space<hbm>>
        %dma_wait3A_115 = tpu.memref_squeeze %dma_wait3A_114 : memref<1x128xi32, #tpu.memory_space<hbm>> -> memref<128xi32, #tpu.memory_space<hbm>>
        tpu.wait_dma2 semaphore(%arg15 : memref<!tpu.dma_semaphore, #tpu.memory_space<semaphore_mem>>) src(%dma_wait3A_115 : memref<128xi32, #tpu.memory_space<hbm>>) dst(%arg8 : memref<128xi32, #tpu.memory_space<vmem>>)
        %dma_wait3A_116 = arith.constant 0 : i32
        %dma_wait3A_117 = tpu.memref_slice %arg4[%add3A_23, %dma_wait3A_116] : memref<2536x128xi32, #tpu.memory_space<hbm>> -> memref<1x128xi32, #tpu.memory_space<hbm>>
        %dma_wait3A_118 = tpu.memref_squeeze %dma_wait3A_117 : memref<1x128xi32, #tpu.memory_space<hbm>> -> memref<128xi32, #tpu.memory_space<hbm>>
        %dma_wait3A_119 = arith.constant 0 : i32
        %dma_wait3A_120 = tpu.memref_slice %arg4[%add3A_23, %dma_wait3A_119] : memref<2536x128xi32, #tpu.memory_space<hbm>> -> memref<1x128xi32, #tpu.memory_space<hbm>>
        %dma_wait3A_121 = tpu.memref_squeeze %dma_wait3A_120 : memref<1x128xi32, #tpu.memory_space<hbm>> -> memref<128xi32, #tpu.memory_space<hbm>>
        tpu.wait_dma2 semaphore(%arg16 : memref<!tpu.dma_semaphore, #tpu.memory_space<semaphore_mem>>) src(%dma_wait3A_121 : memref<128xi32, #tpu.memory_space<hbm>>) dst(%arg9 : memref<128xi32, #tpu.memory_space<vmem>>)
        %dma_start3A_122 = arith.constant 0 : i32
        %dma_start3A_123 = arith.constant 0 : i32
        %dma_start3A_124 = tpu.memref_slice %arg2[%dma_start3A_122, %dma_start3A_123] : memref<10000x128xf32, #tpu.memory_space<hbm>> -> memref<10000x128xf32, #tpu.memory_space<hbm>>
        tpu.enqueue_indirect_dma source(%dma_start3A_124 : memref<10000x128xf32, #tpu.memory_space<hbm>>) target(%arg10 : memref<128x128xf32, #tpu.memory_space<vmem>>) offsets(%arg8 : memref<128xi32, #tpu.memory_space<vmem>>) semaphore(%arg12 : memref<!tpu.dma_semaphore, #tpu.memory_space<semaphore_mem>>)
        %dma_wait3A_125 = arith.constant 0 : i32
        %dma_wait3A_126 = arith.constant 0 : i32
        %dma_wait3A_127 = tpu.memref_slice %arg2[%dma_wait3A_125, %dma_wait3A_126] : memref<10000x128xf32, #tpu.memory_space<hbm>> -> memref<10000x128xf32, #tpu.memory_space<hbm>>
        tpu.wait_indirect_dma semaphore(%arg12 : memref<!tpu.dma_semaphore, #tpu.memory_space<semaphore_mem>>) src(%dma_wait3A_127 : memref<10000x128xf32, #tpu.memory_space<hbm>>) dst(%arg10 : memref<128x128xf32, #tpu.memory_space<vmem>>)
        "tpu.region"() ({
          %run_scoped3A = tpu.sem_alloc : memref<!tpu.dma_semaphore, #tpu.memory_space<semaphore_mem>>
          %dma_start3A_128 = arith.constant 0 : i32
          %dma_start3A_129 = arith.constant 0 : i32
          %dma_start3A_130 = tpu.memref_slice %arg11[%dma_start3A_128, %dma_start3A_129] : memref<10240x128xf32, #tpu.memory_space<vmem_shared>> -> memref<10240x128xf32, #tpu.memory_space<vmem_shared>>
          tpu.enqueue_indirect_dma source(%arg10 : memref<128x128xf32, #tpu.memory_space<vmem>>) target(%dma_start3A_130 : memref<10240x128xf32, #tpu.memory_space<vmem_shared>>) offsets(%arg9 : memref<128xi32, #tpu.memory_space<vmem>>) semaphore(%run_scoped3A : memref<!tpu.dma_semaphore, #tpu.memory_space<semaphore_mem>>) {add = true}
          %dma_wait3A_131 = arith.constant 0 : i32
          %dma_wait3A_132 = arith.constant 0 : i32
          %dma_wait3A_133 = tpu.memref_slice %arg11[%dma_wait3A_131, %dma_wait3A_132] : memref<10240x128xf32, #tpu.memory_space<vmem_shared>> -> memref<10240x128xf32, #tpu.memory_space<vmem_shared>>
          tpu.wait_indirect_dma semaphore(%run_scoped3A : memref<!tpu.dma_semaphore, #tpu.memory_space<semaphore_mem>>) src(%arg10 : memref<128x128xf32, #tpu.memory_space<vmem>>) dst(%dma_wait3A_133 : memref<10240x128xf32, #tpu.memory_space<vmem_shared>>)
          tpu.yield
        }) : () -> ()
      }
      %scan3A_39 = arith.constant 24 : i32
      %dma_wait3A = arith.constant 0 : i32
      %dma_wait3A_40 = tpu.memref_slice %arg3[%add3A_23, %dma_wait3A] : memref<2536x128xi32, #tpu.memory_space<hbm>> -> memref<1x128xi32, #tpu.memory_space<hbm>>
      %dma_wait3A_41 = tpu.memref_squeeze %dma_wait3A_40 : memref<1x128xi32, #tpu.memory_space<hbm>> -> memref<128xi32, #tpu.memory_space<hbm>>
      %dma_wait3A_42 = arith.constant 0 : i32
      %dma_wait3A_43 = tpu.memref_slice %arg3[%add3A_23, %dma_wait3A_42] : memref<2536x128xi32, #tpu.memory_space<hbm>> -> memref<1x128xi32, #tpu.memory_space<hbm>>
      %dma_wait3A_44 = tpu.memref_squeeze %dma_wait3A_43 : memref<1x128xi32, #tpu.memory_space<hbm>> -> memref<128xi32, #tpu.memory_space<hbm>>
      tpu.wait_dma2 semaphore(%arg13 : memref<!tpu.dma_semaphore, #tpu.memory_space<semaphore_mem>>) src(%dma_wait3A_44 : memref<128xi32, #tpu.memory_space<hbm>>) dst(%arg6 : memref<128xi32, #tpu.memory_space<vmem>>)
      %dma_wait3A_45 = arith.constant 0 : i32
      %dma_wait3A_46 = tpu.memref_slice %arg4[%add3A_23, %dma_wait3A_45] : memref<2536x128xi32, #tpu.memory_space<hbm>> -> memref<1x128xi32, #tpu.memory_space<hbm>>
      %dma_wait3A_47 = tpu.memref_squeeze %dma_wait3A_46 : memref<1x128xi32, #tpu.memory_space<hbm>> -> memref<128xi32, #tpu.memory_space<hbm>>
      %dma_wait3A_48 = arith.constant 0 : i32
      %dma_wait3A_49 = tpu.memref_slice %arg4[%add3A_23, %dma_wait3A_48] : memref<2536x128xi32, #tpu.memory_space<hbm>> -> memref<1x128xi32, #tpu.memory_space<hbm>>
      %dma_wait3A_50 = tpu.memref_squeeze %dma_wait3A_49 : memref<1x128xi32, #tpu.memory_space<hbm>> -> memref<128xi32, #tpu.memory_space<hbm>>
      tpu.wait_dma2 semaphore(%arg14 : memref<!tpu.dma_semaphore, #tpu.memory_space<semaphore_mem>>) src(%dma_wait3A_50 : memref<128xi32, #tpu.memory_space<hbm>>) dst(%arg7 : memref<128xi32, #tpu.memory_space<vmem>>)
    } else {
    }
    %barrier3A_17 = arith.constant 0 : index
    tpu.barrier barrier_id(%barrier3A_17)
    %mul3A = arith.constant 640 : i32
    %mul3A_18 = arith.muli %arg1, %mul3A : i32
    %mul3A_19 = arith.constant 640 : i32
    %mul3A_20 = arith.muli %arg1, %mul3A_19 : i32
    "tpu.region"() ({
      %run_scoped3A = tpu.sem_alloc : memref<!tpu.dma_semaphore, #tpu.memory_space<semaphore_mem>>
      %dma_start3A = arith.constant 0 : i32
      %dma_start3A_21 = tpu.memref_slice %arg5[%arg0, %mul3A_20, %dma_start3A] : memref<2x10240x128xf32, #tpu.memory_space<hbm>> -> memref<1x640x128xf32, #tpu.memory_space<hbm>>
      %dma_start3A_22 = tpu.memref_squeeze %dma_start3A_21 : memref<1x640x128xf32, #tpu.memory_space<hbm>> -> memref<640x128xf32, #tpu.memory_space<hbm>>
      %dma_start3A_23 = arith.constant 0 : i32
      %dma_start3A_24 = tpu.memref_slice %arg11[%mul3A_18, %dma_start3A_23] : memref<10240x128xf32, #tpu.memory_space<vmem_shared>> -> memref<640x128xf32, #tpu.memory_space<vmem_shared>>
      tpu.enqueue_dma source(%dma_start3A_24 : memref<640x128xf32, #tpu.memory_space<vmem_shared>>) target(%dma_start3A_22 : memref<640x128xf32, #tpu.memory_space<hbm>>) target_semaphore(%run_scoped3A : memref<!tpu.dma_semaphore, #tpu.memory_space<semaphore_mem>>)
      %dma_wait3A = arith.constant 0 : i32
      %dma_wait3A_25 = tpu.memref_slice %arg5[%arg0, %mul3A_20, %dma_wait3A] : memref<2x10240x128xf32, #tpu.memory_space<hbm>> -> memref<1x640x128xf32, #tpu.memory_space<hbm>>
      %dma_wait3A_26 = tpu.memref_squeeze %dma_wait3A_25 : memref<1x640x128xf32, #tpu.memory_space<hbm>> -> memref<640x128xf32, #tpu.memory_space<hbm>>
      %dma_wait3A_27 = arith.constant 0 : i32
      %dma_wait3A_28 = tpu.memref_slice %arg11[%mul3A_18, %dma_wait3A_27] : memref<10240x128xf32, #tpu.memory_space<vmem_shared>> -> memref<640x128xf32, #tpu.memory_space<vmem_shared>>
      tpu.wait_dma2 semaphore(%run_scoped3A : memref<!tpu.dma_semaphore, #tpu.memory_space<semaphore_mem>>) src(%dma_wait3A_28 : memref<640x128xf32, #tpu.memory_space<vmem_shared>>) dst(%dma_wait3A_26 : memref<640x128xf32, #tpu.memory_space<hbm>>)
      tpu.yield
    }) : () -> ()
    return
  }
}

#map = affine_map<(d0, d1) -> (0, 0)>
#map1 = affine_map<(d0, d1) -> (0, 0, 0)>
module attributes {stable_mosaic.version = 14 : i64} {
  func.func @sc_segsum(%arg0: i32, %arg1: i32, %arg2: memref<10000x128xf32, #tpu.memory_space<hbm>>, %arg3: memref<2536x128xi32, #tpu.memory_space<hbm>>, %arg4: memref<2536x128xi32, #tpu.memory_space<hbm>>, %arg5: memref<2x10240x128xf32, #tpu.memory_space<hbm>>, %arg6: memref<128xi32, #tpu.memory_space<vmem>>, %arg7: memref<128xi32, #tpu.memory_space<vmem>>, %arg8: memref<128xi32, #tpu.memory_space<vmem>>, %arg9: memref<128xi32, #tpu.memory_space<vmem>>, %arg10: memref<128x128xf32, #tpu.memory_space<vmem>>, %arg11: memref<10240x128xf32, #tpu.memory_space<vmem_shared>>, %arg12: memref<!tpu.dma_semaphore, #tpu.memory_space<semaphore_mem>>, %arg13: memref<!tpu.dma_semaphore, #tpu.memory_space<semaphore_mem>>, %arg14: memref<!tpu.dma_semaphore, #tpu.memory_space<semaphore_mem>>, %arg15: memref<!tpu.dma_semaphore, #tpu.memory_space<semaphore_mem>>, %arg16: memref<!tpu.dma_semaphore, #tpu.memory_space<semaphore_mem>>) attributes {dimension_semantics = [#tpu.dimension_semantics<core_parallel>, #tpu.dimension_semantics<subcore_parallel>], iteration_bounds = array<i64: 2, 16>, scalar_prefetch = 0 : i64, scratch_operands = 11 : i64, tpu.core_type = #tpu.core_type<sc_vector_subcore>, window_params = [{transform_indices = #map}, {transform_indices = #map}, {transform_indices = #map}, {transform_indices = #map1}]} {
    %broadcast_in_dim3A = arith.constant 0.000000e+00 : f32
    %broadcast_in_dim3A_0 = vector.broadcast %broadcast_in_dim3A : f32 to vector<16xf32>
    %scan3A = arith.constant 0 : i32
    %scan3A_1 = arith.constant 128 : i32
    %scan3A_2 = arith.addi %scan3A, %scan3A_1 : i32
    %scan3A_3 = arith.constant 1 : i32
    scf.for %scan3A_21 = %scan3A to %scan3A_2 step %scan3A_3  : i32 {
      %mul3A_22 = arith.constant 1 : i32
      %mul3A_23 = arith.muli %scan3A_21, %mul3A_22 : i32
      %add3A = arith.constant 0 : i32
      %add3A_24 = arith.addi %add3A, %mul3A_23 : i32
      %scan3A_25 = arith.constant 0 : i32
      %scan3A_26 = arith.constant 8 : i32
      %scan3A_27 = arith.addi %scan3A_25, %scan3A_26 : i32
      %scan3A_28 = arith.constant 1 : i32
      scf.for %scan3A_30 = %scan3A_25 to %scan3A_27 step %scan3A_28  : i32 {
        %mul3A_31 = arith.constant 16 : i32
        %mul3A_32 = arith.muli %scan3A_30, %mul3A_31 : i32
        %add3A_33 = arith.constant 0 : i32
        %add3A_34 = arith.addi %add3A_33, %mul3A_32 : i32
        %swap3A = arith.index_cast %add3A_24 : i32 to index
        %swap3A_35 = arith.index_cast %add3A_34 : i32 to index
        %swap3A_36 = tpu.vector_load %arg10[%swap3A, %swap3A_35] {strides = array<i32>} : memref<128x128xf32, #tpu.memory_space<vmem>>, vector<16xf32>,
        tpu.vector_store %arg10[%swap3A, %swap3A_35], %broadcast_in_dim3A_0 {strides = array<i32>} : memref<128x128xf32, #tpu.memory_space<vmem>>, vector<16xf32>,
      }
      %scan3A_29 = arith.constant 8 : i32
    }
    %scan3A_4 = arith.constant 128 : i32
    %scan3A_5 = arith.constant 0 : i32
    %scan3A_6 = arith.constant 5 : i32
    %scan3A_7 = arith.addi %scan3A_5, %scan3A_6 : i32
    %scan3A_8 = arith.constant 1 : i32
    scf.for %scan3A_21 = %scan3A_5 to %scan3A_7 step %scan3A_8  : i32 {
      %mul3A_22 = arith.constant 1 : i32
      %mul3A_23 = arith.muli %scan3A_21, %mul3A_22 : i32
      %add3A = arith.constant 0 : i32
      %add3A_24 = arith.addi %add3A, %mul3A_23 : i32
      %mul3A_25 = arith.constant 640 : i32
      %mul3A_26 = arith.muli %arg1, %mul3A_25 : i32
      %mul3A_27 = arith.constant 128 : i32
      %mul3A_28 = arith.muli %add3A_24, %mul3A_27 : i32
      %add3A_29 = arith.addi %mul3A_26, %mul3A_28 : i32
      "tpu.region"() ({
        %run_scoped3A = tpu.sem_alloc : memref<!tpu.dma_semaphore, #tpu.memory_space<semaphore_mem>>
        %dma_start3A = arith.constant 0 : i32
        %dma_start3A_30 = tpu.memref_slice %arg11[%add3A_29, %dma_start3A] : memref<10240x128xf32, #tpu.memory_space<vmem_shared>> -> memref<128x128xf32, #tpu.memory_space<vmem_shared>>
        %dma_start3A_31 = arith.constant 0 : i32
        %dma_start3A_32 = tpu.memref_slice %arg11[%add3A_29, %dma_start3A_31] : memref<10240x128xf32, #tpu.memory_space<vmem_shared>> -> memref<128x128xf32, #tpu.memory_space<vmem_shared>>
        tpu.enqueue_dma source(%arg10 : memref<128x128xf32, #tpu.memory_space<vmem>>) target(%dma_start3A_32 : memref<128x128xf32, #tpu.memory_space<vmem_shared>>) target_semaphore(%run_scoped3A : memref<!tpu.dma_semaphore, #tpu.memory_space<semaphore_mem>>)
        %dma_wait3A = arith.constant 0 : i32
        %dma_wait3A_33 = tpu.memref_slice %arg11[%add3A_29, %dma_wait3A] : memref<10240x128xf32, #tpu.memory_space<vmem_shared>> -> memref<128x128xf32, #tpu.memory_space<vmem_shared>>
        %dma_wait3A_34 = arith.constant 0 : i32
        %dma_wait3A_35 = tpu.memref_slice %arg11[%add3A_29, %dma_wait3A_34] : memref<10240x128xf32, #tpu.memory_space<vmem_shared>> -> memref<128x128xf32, #tpu.memory_space<vmem_shared>>
        tpu.wait_dma2 semaphore(%run_scoped3A : memref<!tpu.dma_semaphore, #tpu.memory_space<semaphore_mem>>) src(%arg10 : memref<128x128xf32, #tpu.memory_space<vmem>>) dst(%dma_wait3A_35 : memref<128x128xf32, #tpu.memory_space<vmem_shared>>)
        tpu.yield
      }) : () -> ()
    }
    %scan3A_9 = arith.constant 5 : i32
    %barrier3A = arith.constant 0 : index
    tpu.barrier barrier_id(%barrier3A)
    %eq3A = arith.constant 0 : i32
    %eq3A_10 = arith.cmpi eq, %arg0, %eq3A : i32
    %convert_element_type3A = arith.extui %eq3A_10 : i1 to i32
    %cond3A = arith.constant 0 : i32
    %cond3A_11 = arith.cmpi ne, %convert_element_type3A, %cond3A : i32
    scf.if %cond3A_11 {
      %mul3A_21 = arith.constant 110 : i32
      %mul3A_22 = arith.muli %arg1, %mul3A_21 : i32
      %dma_start3A = arith.constant 0 : i32
      %dma_start3A_23 = tpu.memref_slice %arg3[%mul3A_22, %dma_start3A] : memref<2536x128xi32, #tpu.memory_space<hbm>> -> memref<1x128xi32, #tpu.memory_space<hbm>>
      %dma_start3A_24 = tpu.memref_squeeze %dma_start3A_23 : memref<1x128xi32, #tpu.memory_space<hbm>> -> memref<128xi32, #tpu.memory_space<hbm>>
      %dma_start3A_25 = arith.constant 0 : i32
      %dma_start3A_26 = tpu.memref_slice %arg3[%mul3A_22, %dma_start3A_25] : memref<2536x128xi32, #tpu.memory_space<hbm>> -> memref<1x128xi32, #tpu.memory_space<hbm>>
      %dma_start3A_27 = tpu.memref_squeeze %dma_start3A_26 : memref<1x128xi32, #tpu.memory_space<hbm>> -> memref<128xi32, #tpu.memory_space<hbm>>
      tpu.enqueue_dma source(%dma_start3A_27 : memref<128xi32, #tpu.memory_space<hbm>>) target(%arg6 : memref<128xi32, #tpu.memory_space<vmem>>) target_semaphore(%arg13 : memref<!tpu.dma_semaphore, #tpu.memory_space<semaphore_mem>>)
      %dma_start3A_28 = arith.constant 0 : i32
      %dma_start3A_29 = tpu.memref_slice %arg4[%mul3A_22, %dma_start3A_28] : memref<2536x128xi32, #tpu.memory_space<hbm>> -> memref<1x128xi32, #tpu.memory_space<hbm>>
      %dma_start3A_30 = tpu.memref_squeeze %dma_start3A_29 : memref<1x128xi32, #tpu.memory_space<hbm>> -> memref<128xi32, #tpu.memory_space<hbm>>
      %dma_start3A_31 = arith.constant 0 : i32
      %dma_start3A_32 = tpu.memref_slice %arg4[%mul3A_22, %dma_start3A_31] : memref<2536x128xi32, #tpu.memory_space<hbm>> -> memref<1x128xi32, #tpu.memory_space<hbm>>
      %dma_start3A_33 = tpu.memref_squeeze %dma_start3A_32 : memref<1x128xi32, #tpu.memory_space<hbm>> -> memref<128xi32, #tpu.memory_space<hbm>>
      tpu.enqueue_dma source(%dma_start3A_33 : memref<128xi32, #tpu.memory_space<hbm>>) target(%arg7 : memref<128xi32, #tpu.memory_space<vmem>>) target_semaphore(%arg14 : memref<!tpu.dma_semaphore, #tpu.memory_space<semaphore_mem>>)
      %scan3A_34 = arith.constant 0 : i32
      %scan3A_35 = arith.constant 55 : i32
      %scan3A_36 = arith.addi %scan3A_34, %scan3A_35 : i32
      %scan3A_37 = arith.constant 1 : i32
      scf.for %scan3A_50 = %scan3A_34 to %scan3A_36 step %scan3A_37  : i32 {
        %mul3A_51 = arith.constant 2 : i32
        %mul3A_52 = arith.muli %scan3A_50, %mul3A_51 : i32
        %add3A = arith.constant 0 : i32
        %add3A_53 = arith.addi %add3A, %mul3A_52 : i32
        %add3A_54 = arith.addi %mul3A_22, %add3A_53 : i32
        %add3A_55 = arith.constant 1 : i32
        %add3A_56 = arith.addi %add3A_54, %add3A_55 : i32
        %dma_start3A_57 = arith.constant 0 : i32
        %dma_start3A_58 = tpu.memref_slice %arg3[%add3A_56, %dma_start3A_57] : memref<2536x128xi32, #tpu.memory_space<hbm>> -> memref<1x128xi32, #tpu.memory_space<hbm>>
        %dma_start3A_59 = tpu.memref_squeeze %dma_start3A_58 : memref<1x128xi32, #tpu.memory_space<hbm>> -> memref<128xi32, #tpu.memory_space<hbm>>
        %dma_start3A_60 = arith.constant 0 : i32
        %dma_start3A_61 = tpu.memref_slice %arg3[%add3A_56, %dma_start3A_60] : memref<2536x128xi32, #tpu.memory_space<hbm>> -> memref<1x128xi32, #tpu.memory_space<hbm>>
        %dma_start3A_62 = tpu.memref_squeeze %dma_start3A_61 : memref<1x128xi32, #tpu.memory_space<hbm>> -> memref<128xi32, #tpu.memory_space<hbm>>
        tpu.enqueue_dma source(%dma_start3A_62 : memref<128xi32, #tpu.memory_space<hbm>>) target(%arg8 : memref<128xi32, #tpu.memory_space<vmem>>) target_semaphore(%arg15 : memref<!tpu.dma_semaphore, #tpu.memory_space<semaphore_mem>>)
        %add3A_63 = arith.addi %mul3A_22, %add3A_53 : i32
        %add3A_64 = arith.constant 1 : i32
        %add3A_65 = arith.addi %add3A_63, %add3A_64 : i32
        %dma_start3A_66 = arith.constant 0 : i32
        %dma_start3A_67 = tpu.memref_slice %arg4[%add3A_65, %dma_start3A_66] : memref<2536x128xi32, #tpu.memory_space<hbm>> -> memref<1x128xi32, #tpu.memory_space<hbm>>
        %dma_start3A_68 = tpu.memref_squeeze %dma_start3A_67 : memref<1x128xi32, #tpu.memory_space<hbm>> -> memref<128xi32, #tpu.memory_space<hbm>>
        %dma_start3A_69 = arith.constant 0 : i32
        %dma_start3A_70 = tpu.memref_slice %arg4[%add3A_65, %dma_start3A_69] : memref<2536x128xi32, #tpu.memory_space<hbm>> -> memref<1x128xi32, #tpu.memory_space<hbm>>
        %dma_start3A_71 = tpu.memref_squeeze %dma_start3A_70 : memref<1x128xi32, #tpu.memory_space<hbm>> -> memref<128xi32, #tpu.memory_space<hbm>>
        tpu.enqueue_dma source(%dma_start3A_71 : memref<128xi32, #tpu.memory_space<hbm>>) target(%arg9 : memref<128xi32, #tpu.memory_space<vmem>>) target_semaphore(%arg16 : memref<!tpu.dma_semaphore, #tpu.memory_space<semaphore_mem>>)
        %dma_wait3A_72 = arith.constant 0 : i32
        %dma_wait3A_73 = tpu.memref_slice %arg3[%mul3A_22, %dma_wait3A_72] : memref<2536x128xi32, #tpu.memory_space<hbm>> -> memref<1x128xi32, #tpu.memory_space<hbm>>
        %dma_wait3A_74 = tpu.memref_squeeze %dma_wait3A_73 : memref<1x128xi32, #tpu.memory_space<hbm>> -> memref<128xi32, #tpu.memory_space<hbm>>
        %dma_wait3A_75 = arith.constant 0 : i32
        %dma_wait3A_76 = tpu.memref_slice %arg3[%mul3A_22, %dma_wait3A_75] : memref<2536x128xi32, #tpu.memory_space<hbm>> -> memref<1x128xi32, #tpu.memory_space<hbm>>
        %dma_wait3A_77 = tpu.memref_squeeze %dma_wait3A_76 : memref<1x128xi32, #tpu.memory_space<hbm>> -> memref<128xi32, #tpu.memory_space<hbm>>
        tpu.wait_dma2 semaphore(%arg13 : memref<!tpu.dma_semaphore, #tpu.memory_space<semaphore_mem>>) src(%dma_wait3A_77 : memref<128xi32, #tpu.memory_space<hbm>>) dst(%arg6 : memref<128xi32, #tpu.memory_space<vmem>>)
        %dma_wait3A_78 = arith.constant 0 : i32
        %dma_wait3A_79 = tpu.memref_slice %arg4[%mul3A_22, %dma_wait3A_78] : memref<2536x128xi32, #tpu.memory_space<hbm>> -> memref<1x128xi32, #tpu.memory_space<hbm>>
        %dma_wait3A_80 = tpu.memref_squeeze %dma_wait3A_79 : memref<1x128xi32, #tpu.memory_space<hbm>> -> memref<128xi32, #tpu.memory_space<hbm>>
        %dma_wait3A_81 = arith.constant 0 : i32
        %dma_wait3A_82 = tpu.memref_slice %arg4[%mul3A_22, %dma_wait3A_81] : memref<2536x128xi32, #tpu.memory_space<hbm>> -> memref<1x128xi32, #tpu.memory_space<hbm>>
        %dma_wait3A_83 = tpu.memref_squeeze %dma_wait3A_82 : memref<1x128xi32, #tpu.memory_space<hbm>> -> memref<128xi32, #tpu.memory_space<hbm>>
        tpu.wait_dma2 semaphore(%arg14 : memref<!tpu.dma_semaphore, #tpu.memory_space<semaphore_mem>>) src(%dma_wait3A_83 : memref<128xi32, #tpu.memory_space<hbm>>) dst(%arg7 : memref<128xi32, #tpu.memory_space<vmem>>)
        %dma_start3A_84 = arith.constant 0 : i32
        %dma_start3A_85 = arith.constant 0 : i32
        %dma_start3A_86 = tpu.memref_slice %arg2[%dma_start3A_84, %dma_start3A_85] : memref<10000x128xf32, #tpu.memory_space<hbm>> -> memref<10000x128xf32, #tpu.memory_space<hbm>>
        tpu.enqueue_indirect_dma source(%dma_start3A_86 : memref<10000x128xf32, #tpu.memory_space<hbm>>) target(%arg10 : memref<128x128xf32, #tpu.memory_space<vmem>>) offsets(%arg6 : memref<128xi32, #tpu.memory_space<vmem>>) semaphore(%arg12 : memref<!tpu.dma_semaphore, #tpu.memory_space<semaphore_mem>>)
        %dma_wait3A_87 = arith.constant 0 : i32
        %dma_wait3A_88 = arith.constant 0 : i32
        %dma_wait3A_89 = tpu.memref_slice %arg2[%dma_wait3A_87, %dma_wait3A_88] : memref<10000x128xf32, #tpu.memory_space<hbm>> -> memref<10000x128xf32, #tpu.memory_space<hbm>>
        tpu.wait_indirect_dma semaphore(%arg12 : memref<!tpu.dma_semaphore, #tpu.memory_space<semaphore_mem>>) src(%dma_wait3A_89 : memref<10000x128xf32, #tpu.memory_space<hbm>>) dst(%arg10 : memref<128x128xf32, #tpu.memory_space<vmem>>)
        "tpu.region"() ({
          %run_scoped3A = tpu.sem_alloc : memref<!tpu.dma_semaphore, #tpu.memory_space<semaphore_mem>>
          %dma_start3A_126 = arith.constant 0 : i32
          %dma_start3A_127 = arith.constant 0 : i32
          %dma_start3A_128 = tpu.memref_slice %arg11[%dma_start3A_126, %dma_start3A_127] : memref<10240x128xf32, #tpu.memory_space<vmem_shared>> -> memref<10240x128xf32, #tpu.memory_space<vmem_shared>>
          tpu.enqueue_indirect_dma source(%arg10 : memref<128x128xf32, #tpu.memory_space<vmem>>) target(%dma_start3A_128 : memref<10240x128xf32, #tpu.memory_space<vmem_shared>>) offsets(%arg7 : memref<128xi32, #tpu.memory_space<vmem>>) semaphore(%run_scoped3A : memref<!tpu.dma_semaphore, #tpu.memory_space<semaphore_mem>>) {add = true}
          %dma_wait3A_129 = arith.constant 0 : i32
          %dma_wait3A_130 = arith.constant 0 : i32
          %dma_wait3A_131 = tpu.memref_slice %arg11[%dma_wait3A_129, %dma_wait3A_130] : memref<10240x128xf32, #tpu.memory_space<vmem_shared>> -> memref<10240x128xf32, #tpu.memory_space<vmem_shared>>
          tpu.wait_indirect_dma semaphore(%run_scoped3A : memref<!tpu.dma_semaphore, #tpu.memory_space<semaphore_mem>>) src(%arg10 : memref<128x128xf32, #tpu.memory_space<vmem>>) dst(%dma_wait3A_131 : memref<10240x128xf32, #tpu.memory_space<vmem_shared>>)
          tpu.yield
        }) : () -> ()
        %add3A_90 = arith.addi %mul3A_22, %add3A_53 : i32
        %add3A_91 = arith.constant 2 : i32
        %add3A_92 = arith.addi %add3A_90, %add3A_91 : i32
        %dma_start3A_93 = arith.constant 0 : i32
        %dma_start3A_94 = tpu.memref_slice %arg3[%add3A_92, %dma_start3A_93] : memref<2536x128xi32, #tpu.memory_space<hbm>> -> memref<1x128xi32, #tpu.memory_space<hbm>>
        %dma_start3A_95 = tpu.memref_squeeze %dma_start3A_94 : memref<1x128xi32, #tpu.memory_space<hbm>> -> memref<128xi32, #tpu.memory_space<hbm>>
        %dma_start3A_96 = arith.constant 0 : i32
        %dma_start3A_97 = tpu.memref_slice %arg3[%add3A_92, %dma_start3A_96] : memref<2536x128xi32, #tpu.memory_space<hbm>> -> memref<1x128xi32, #tpu.memory_space<hbm>>
        %dma_start3A_98 = tpu.memref_squeeze %dma_start3A_97 : memref<1x128xi32, #tpu.memory_space<hbm>> -> memref<128xi32, #tpu.memory_space<hbm>>
        tpu.enqueue_dma source(%dma_start3A_98 : memref<128xi32, #tpu.memory_space<hbm>>) target(%arg6 : memref<128xi32, #tpu.memory_space<vmem>>) target_semaphore(%arg13 : memref<!tpu.dma_semaphore, #tpu.memory_space<semaphore_mem>>)
        %add3A_99 = arith.addi %mul3A_22, %add3A_53 : i32
        %add3A_100 = arith.constant 2 : i32
        %add3A_101 = arith.addi %add3A_99, %add3A_100 : i32
        %dma_start3A_102 = arith.constant 0 : i32
        %dma_start3A_103 = tpu.memref_slice %arg4[%add3A_101, %dma_start3A_102] : memref<2536x128xi32, #tpu.memory_space<hbm>> -> memref<1x128xi32, #tpu.memory_space<hbm>>
        %dma_start3A_104 = tpu.memref_squeeze %dma_start3A_103 : memref<1x128xi32, #tpu.memory_space<hbm>> -> memref<128xi32, #tpu.memory_space<hbm>>
        %dma_start3A_105 = arith.constant 0 : i32
        %dma_start3A_106 = tpu.memref_slice %arg4[%add3A_101, %dma_start3A_105] : memref<2536x128xi32, #tpu.memory_space<hbm>> -> memref<1x128xi32, #tpu.memory_space<hbm>>
        %dma_start3A_107 = tpu.memref_squeeze %dma_start3A_106 : memref<1x128xi32, #tpu.memory_space<hbm>> -> memref<128xi32, #tpu.memory_space<hbm>>
        tpu.enqueue_dma source(%dma_start3A_107 : memref<128xi32, #tpu.memory_space<hbm>>) target(%arg7 : memref<128xi32, #tpu.memory_space<vmem>>) target_semaphore(%arg14 : memref<!tpu.dma_semaphore, #tpu.memory_space<semaphore_mem>>)
        %dma_wait3A_108 = arith.constant 0 : i32
        %dma_wait3A_109 = tpu.memref_slice %arg3[%mul3A_22, %dma_wait3A_108] : memref<2536x128xi32, #tpu.memory_space<hbm>> -> memref<1x128xi32, #tpu.memory_space<hbm>>
        %dma_wait3A_110 = tpu.memref_squeeze %dma_wait3A_109 : memref<1x128xi32, #tpu.memory_space<hbm>> -> memref<128xi32, #tpu.memory_space<hbm>>
        %dma_wait3A_111 = arith.constant 0 : i32
        %dma_wait3A_112 = tpu.memref_slice %arg3[%mul3A_22, %dma_wait3A_111] : memref<2536x128xi32, #tpu.memory_space<hbm>> -> memref<1x128xi32, #tpu.memory_space<hbm>>
        %dma_wait3A_113 = tpu.memref_squeeze %dma_wait3A_112 : memref<1x128xi32, #tpu.memory_space<hbm>> -> memref<128xi32, #tpu.memory_space<hbm>>
        tpu.wait_dma2 semaphore(%arg15 : memref<!tpu.dma_semaphore, #tpu.memory_space<semaphore_mem>>) src(%dma_wait3A_113 : memref<128xi32, #tpu.memory_space<hbm>>) dst(%arg8 : memref<128xi32, #tpu.memory_space<vmem>>)
        %dma_wait3A_114 = arith.constant 0 : i32
        %dma_wait3A_115 = tpu.memref_slice %arg4[%mul3A_22, %dma_wait3A_114] : memref<2536x128xi32, #tpu.memory_space<hbm>> -> memref<1x128xi32, #tpu.memory_space<hbm>>
        %dma_wait3A_116 = tpu.memref_squeeze %dma_wait3A_115 : memref<1x128xi32, #tpu.memory_space<hbm>> -> memref<128xi32, #tpu.memory_space<hbm>>
        %dma_wait3A_117 = arith.constant 0 : i32
        %dma_wait3A_118 = tpu.memref_slice %arg4[%mul3A_22, %dma_wait3A_117] : memref<2536x128xi32, #tpu.memory_space<hbm>> -> memref<1x128xi32, #tpu.memory_space<hbm>>
        %dma_wait3A_119 = tpu.memref_squeeze %dma_wait3A_118 : memref<1x128xi32, #tpu.memory_space<hbm>> -> memref<128xi32, #tpu.memory_space<hbm>>
        tpu.wait_dma2 semaphore(%arg16 : memref<!tpu.dma_semaphore, #tpu.memory_space<semaphore_mem>>) src(%dma_wait3A_119 : memref<128xi32, #tpu.memory_space<hbm>>) dst(%arg9 : memref<128xi32, #tpu.memory_space<vmem>>)
        %dma_start3A_120 = arith.constant 0 : i32
        %dma_start3A_121 = arith.constant 0 : i32
        %dma_start3A_122 = tpu.memref_slice %arg2[%dma_start3A_120, %dma_start3A_121] : memref<10000x128xf32, #tpu.memory_space<hbm>> -> memref<10000x128xf32, #tpu.memory_space<hbm>>
        tpu.enqueue_indirect_dma source(%dma_start3A_122 : memref<10000x128xf32, #tpu.memory_space<hbm>>) target(%arg10 : memref<128x128xf32, #tpu.memory_space<vmem>>) offsets(%arg8 : memref<128xi32, #tpu.memory_space<vmem>>) semaphore(%arg12 : memref<!tpu.dma_semaphore, #tpu.memory_space<semaphore_mem>>)
        %dma_wait3A_123 = arith.constant 0 : i32
        %dma_wait3A_124 = arith.constant 0 : i32
        %dma_wait3A_125 = tpu.memref_slice %arg2[%dma_wait3A_123, %dma_wait3A_124] : memref<10000x128xf32, #tpu.memory_space<hbm>> -> memref<10000x128xf32, #tpu.memory_space<hbm>>
        tpu.wait_indirect_dma semaphore(%arg12 : memref<!tpu.dma_semaphore, #tpu.memory_space<semaphore_mem>>) src(%dma_wait3A_125 : memref<10000x128xf32, #tpu.memory_space<hbm>>) dst(%arg10 : memref<128x128xf32, #tpu.memory_space<vmem>>)
        "tpu.region"() ({
          %run_scoped3A = tpu.sem_alloc : memref<!tpu.dma_semaphore, #tpu.memory_space<semaphore_mem>>
          %dma_start3A_126 = arith.constant 0 : i32
          %dma_start3A_127 = arith.constant 0 : i32
          %dma_start3A_128 = tpu.memref_slice %arg11[%dma_start3A_126, %dma_start3A_127] : memref<10240x128xf32, #tpu.memory_space<vmem_shared>> -> memref<10240x128xf32, #tpu.memory_space<vmem_shared>>
          tpu.enqueue_indirect_dma source(%arg10 : memref<128x128xf32, #tpu.memory_space<vmem>>) target(%dma_start3A_128 : memref<10240x128xf32, #tpu.memory_space<vmem_shared>>) offsets(%arg9 : memref<128xi32, #tpu.memory_space<vmem>>) semaphore(%run_scoped3A : memref<!tpu.dma_semaphore, #tpu.memory_space<semaphore_mem>>) {add = true}
          %dma_wait3A_129 = arith.constant 0 : i32
          %dma_wait3A_130 = arith.constant 0 : i32
          %dma_wait3A_131 = tpu.memref_slice %arg11[%dma_wait3A_129, %dma_wait3A_130] : memref<10240x128xf32, #tpu.memory_space<vmem_shared>> -> memref<10240x128xf32, #tpu.memory_space<vmem_shared>>
          tpu.wait_indirect_dma semaphore(%run_scoped3A : memref<!tpu.dma_semaphore, #tpu.memory_space<semaphore_mem>>) src(%arg10 : memref<128x128xf32, #tpu.memory_space<vmem>>) dst(%dma_wait3A_131 : memref<10240x128xf32, #tpu.memory_space<vmem_shared>>)
          tpu.yield
        }) : () -> ()
      }
      %scan3A_38 = arith.constant 55 : i32
      %dma_wait3A = arith.constant 0 : i32
      %dma_wait3A_39 = tpu.memref_slice %arg3[%mul3A_22, %dma_wait3A] : memref<2536x128xi32, #tpu.memory_space<hbm>> -> memref<1x128xi32, #tpu.memory_space<hbm>>
      %dma_wait3A_40 = tpu.memref_squeeze %dma_wait3A_39 : memref<1x128xi32, #tpu.memory_space<hbm>> -> memref<128xi32, #tpu.memory_space<hbm>>
      %dma_wait3A_41 = arith.constant 0 : i32
      %dma_wait3A_42 = tpu.memref_slice %arg3[%mul3A_22, %dma_wait3A_41] : memref<2536x128xi32, #tpu.memory_space<hbm>> -> memref<1x128xi32, #tpu.memory_space<hbm>>
      %dma_wait3A_43 = tpu.memref_squeeze %dma_wait3A_42 : memref<1x128xi32, #tpu.memory_space<hbm>> -> memref<128xi32, #tpu.memory_space<hbm>>
      tpu.wait_dma2 semaphore(%arg13 : memref<!tpu.dma_semaphore, #tpu.memory_space<semaphore_mem>>) src(%dma_wait3A_43 : memref<128xi32, #tpu.memory_space<hbm>>) dst(%arg6 : memref<128xi32, #tpu.memory_space<vmem>>)
      %dma_wait3A_44 = arith.constant 0 : i32
      %dma_wait3A_45 = tpu.memref_slice %arg4[%mul3A_22, %dma_wait3A_44] : memref<2536x128xi32, #tpu.memory_space<hbm>> -> memref<1x128xi32, #tpu.memory_space<hbm>>
      %dma_wait3A_46 = tpu.memref_squeeze %dma_wait3A_45 : memref<1x128xi32, #tpu.memory_space<hbm>> -> memref<128xi32, #tpu.memory_space<hbm>>
      %dma_wait3A_47 = arith.constant 0 : i32
      %dma_wait3A_48 = tpu.memref_slice %arg4[%mul3A_22, %dma_wait3A_47] : memref<2536x128xi32, #tpu.memory_space<hbm>> -> memref<1x128xi32, #tpu.memory_space<hbm>>
      %dma_wait3A_49 = tpu.memref_squeeze %dma_wait3A_48 : memref<1x128xi32, #tpu.memory_space<hbm>> -> memref<128xi32, #tpu.memory_space<hbm>>
      tpu.wait_dma2 semaphore(%arg14 : memref<!tpu.dma_semaphore, #tpu.memory_space<semaphore_mem>>) src(%dma_wait3A_49 : memref<128xi32, #tpu.memory_space<hbm>>) dst(%arg7 : memref<128xi32, #tpu.memory_space<vmem>>)
    } else {
    }
    %eq3A_12 = arith.constant 1 : i32
    %eq3A_13 = arith.cmpi eq, %arg0, %eq3A_12 : i32
    %convert_element_type3A_14 = arith.extui %eq3A_13 : i1 to i32
    %cond3A_15 = arith.constant 0 : i32
    %cond3A_16 = arith.cmpi ne, %convert_element_type3A_14, %cond3A_15 : i32
    scf.if %cond3A_16 {
      %mul3A_21 = arith.constant 48 : i32
      %mul3A_22 = arith.muli %arg1, %mul3A_21 : i32
      %add3A = arith.constant 1760 : i32
      %add3A_23 = arith.addi %add3A, %mul3A_22 : i32
      %dma_start3A = arith.constant 0 : i32
      %dma_start3A_24 = tpu.memref_slice %arg3[%add3A_23, %dma_start3A] : memref<2536x128xi32, #tpu.memory_space<hbm>> -> memref<1x128xi32, #tpu.memory_space<hbm>>
      %dma_start3A_25 = tpu.memref_squeeze %dma_start3A_24 : memref<1x128xi32, #tpu.memory_space<hbm>> -> memref<128xi32, #tpu.memory_space<hbm>>
      %dma_start3A_26 = arith.constant 0 : i32
      %dma_start3A_27 = tpu.memref_slice %arg3[%add3A_23, %dma_start3A_26] : memref<2536x128xi32, #tpu.memory_space<hbm>> -> memref<1x128xi32, #tpu.memory_space<hbm>>
      %dma_start3A_28 = tpu.memref_squeeze %dma_start3A_27 : memref<1x128xi32, #tpu.memory_space<hbm>> -> memref<128xi32, #tpu.memory_space<hbm>>
      tpu.enqueue_dma source(%dma_start3A_28 : memref<128xi32, #tpu.memory_space<hbm>>) target(%arg6 : memref<128xi32, #tpu.memory_space<vmem>>) target_semaphore(%arg13 : memref<!tpu.dma_semaphore, #tpu.memory_space<semaphore_mem>>)
      %dma_start3A_29 = arith.constant 0 : i32
      %dma_start3A_30 = tpu.memref_slice %arg4[%add3A_23, %dma_start3A_29] : memref<2536x128xi32, #tpu.memory_space<hbm>> -> memref<1x128xi32, #tpu.memory_space<hbm>>
      %dma_start3A_31 = tpu.memref_squeeze %dma_start3A_30 : memref<1x128xi32, #tpu.memory_space<hbm>> -> memref<128xi32, #tpu.memory_space<hbm>>
      %dma_start3A_32 = arith.constant 0 : i32
      %dma_start3A_33 = tpu.memref_slice %arg4[%add3A_23, %dma_start3A_32] : memref<2536x128xi32, #tpu.memory_space<hbm>> -> memref<1x128xi32, #tpu.memory_space<hbm>>
      %dma_start3A_34 = tpu.memref_squeeze %dma_start3A_33 : memref<1x128xi32, #tpu.memory_space<hbm>> -> memref<128xi32, #tpu.memory_space<hbm>>
      tpu.enqueue_dma source(%dma_start3A_34 : memref<128xi32, #tpu.memory_space<hbm>>) target(%arg7 : memref<128xi32, #tpu.memory_space<vmem>>) target_semaphore(%arg14 : memref<!tpu.dma_semaphore, #tpu.memory_space<semaphore_mem>>)
      %scan3A_35 = arith.constant 0 : i32
      %scan3A_36 = arith.constant 24 : i32
      %scan3A_37 = arith.addi %scan3A_35, %scan3A_36 : i32
      %scan3A_38 = arith.constant 1 : i32
      scf.for %scan3A_51 = %scan3A_35 to %scan3A_37 step %scan3A_38  : i32 {
        %mul3A_52 = arith.constant 2 : i32
        %mul3A_53 = arith.muli %scan3A_51, %mul3A_52 : i32
        %add3A_54 = arith.constant 0 : i32
        %add3A_55 = arith.addi %add3A_54, %mul3A_53 : i32
        %add3A_56 = arith.addi %add3A_23, %add3A_55 : i32
        %add3A_57 = arith.constant 1 : i32
        %add3A_58 = arith.addi %add3A_56, %add3A_57 : i32
        %dma_start3A_59 = arith.constant 0 : i32
        %dma_start3A_60 = tpu.memref_slice %arg3[%add3A_58, %dma_start3A_59] : memref<2536x128xi32, #tpu.memory_space<hbm>> -> memref<1x128xi32, #tpu.memory_space<hbm>>
        %dma_start3A_61 = tpu.memref_squeeze %dma_start3A_60 : memref<1x128xi32, #tpu.memory_space<hbm>> -> memref<128xi32, #tpu.memory_space<hbm>>
        %dma_start3A_62 = arith.constant 0 : i32
        %dma_start3A_63 = tpu.memref_slice %arg3[%add3A_58, %dma_start3A_62] : memref<2536x128xi32, #tpu.memory_space<hbm>> -> memref<1x128xi32, #tpu.memory_space<hbm>>
        %dma_start3A_64 = tpu.memref_squeeze %dma_start3A_63 : memref<1x128xi32, #tpu.memory_space<hbm>> -> memref<128xi32, #tpu.memory_space<hbm>>
        tpu.enqueue_dma source(%dma_start3A_64 : memref<128xi32, #tpu.memory_space<hbm>>) target(%arg8 : memref<128xi32, #tpu.memory_space<vmem>>) target_semaphore(%arg15 : memref<!tpu.dma_semaphore, #tpu.memory_space<semaphore_mem>>)
        %add3A_65 = arith.addi %add3A_23, %add3A_55 : i32
        %add3A_66 = arith.constant 1 : i32
        %add3A_67 = arith.addi %add3A_65, %add3A_66 : i32
        %dma_start3A_68 = arith.constant 0 : i32
        %dma_start3A_69 = tpu.memref_slice %arg4[%add3A_67, %dma_start3A_68] : memref<2536x128xi32, #tpu.memory_space<hbm>> -> memref<1x128xi32, #tpu.memory_space<hbm>>
        %dma_start3A_70 = tpu.memref_squeeze %dma_start3A_69 : memref<1x128xi32, #tpu.memory_space<hbm>> -> memref<128xi32, #tpu.memory_space<hbm>>
        %dma_start3A_71 = arith.constant 0 : i32
        %dma_start3A_72 = tpu.memref_slice %arg4[%add3A_67, %dma_start3A_71] : memref<2536x128xi32, #tpu.memory_space<hbm>> -> memref<1x128xi32, #tpu.memory_space<hbm>>
        %dma_start3A_73 = tpu.memref_squeeze %dma_start3A_72 : memref<1x128xi32, #tpu.memory_space<hbm>> -> memref<128xi32, #tpu.memory_space<hbm>>
        tpu.enqueue_dma source(%dma_start3A_73 : memref<128xi32, #tpu.memory_space<hbm>>) target(%arg9 : memref<128xi32, #tpu.memory_space<vmem>>) target_semaphore(%arg16 : memref<!tpu.dma_semaphore, #tpu.memory_space<semaphore_mem>>)
        %dma_wait3A_74 = arith.constant 0 : i32
        %dma_wait3A_75 = tpu.memref_slice %arg3[%add3A_23, %dma_wait3A_74] : memref<2536x128xi32, #tpu.memory_space<hbm>> -> memref<1x128xi32, #tpu.memory_space<hbm>>
        %dma_wait3A_76 = tpu.memref_squeeze %dma_wait3A_75 : memref<1x128xi32, #tpu.memory_space<hbm>> -> memref<128xi32, #tpu.memory_space<hbm>>
        %dma_wait3A_77 = arith.constant 0 : i32
        %dma_wait3A_78 = tpu.memref_slice %arg3[%add3A_23, %dma_wait3A_77] : memref<2536x128xi32, #tpu.memory_space<hbm>> -> memref<1x128xi32, #tpu.memory_space<hbm>>
        %dma_wait3A_79 = tpu.memref_squeeze %dma_wait3A_78 : memref<1x128xi32, #tpu.memory_space<hbm>> -> memref<128xi32, #tpu.memory_space<hbm>>
        tpu.wait_dma2 semaphore(%arg13 : memref<!tpu.dma_semaphore, #tpu.memory_space<semaphore_mem>>) src(%dma_wait3A_79 : memref<128xi32, #tpu.memory_space<hbm>>) dst(%arg6 : memref<128xi32, #tpu.memory_space<vmem>>)
        %dma_wait3A_80 = arith.constant 0 : i32
        %dma_wait3A_81 = tpu.memref_slice %arg4[%add3A_23, %dma_wait3A_80] : memref<2536x128xi32, #tpu.memory_space<hbm>> -> memref<1x128xi32, #tpu.memory_space<hbm>>
        %dma_wait3A_82 = tpu.memref_squeeze %dma_wait3A_81 : memref<1x128xi32, #tpu.memory_space<hbm>> -> memref<128xi32, #tpu.memory_space<hbm>>
        %dma_wait3A_83 = arith.constant 0 : i32
        %dma_wait3A_84 = tpu.memref_slice %arg4[%add3A_23, %dma_wait3A_83] : memref<2536x128xi32, #tpu.memory_space<hbm>> -> memref<1x128xi32, #tpu.memory_space<hbm>>
        %dma_wait3A_85 = tpu.memref_squeeze %dma_wait3A_84 : memref<1x128xi32, #tpu.memory_space<hbm>> -> memref<128xi32, #tpu.memory_space<hbm>>
        tpu.wait_dma2 semaphore(%arg14 : memref<!tpu.dma_semaphore, #tpu.memory_space<semaphore_mem>>) src(%dma_wait3A_85 : memref<128xi32, #tpu.memory_space<hbm>>) dst(%arg7 : memref<128xi32, #tpu.memory_space<vmem>>)
        %dma_start3A_86 = arith.constant 0 : i32
        %dma_start3A_87 = arith.constant 0 : i32
        %dma_start3A_88 = tpu.memref_slice %arg2[%dma_start3A_86, %dma_start3A_87] : memref<10000x128xf32, #tpu.memory_space<hbm>> -> memref<10000x128xf32, #tpu.memory_space<hbm>>
        tpu.enqueue_indirect_dma source(%dma_start3A_88 : memref<10000x128xf32, #tpu.memory_space<hbm>>) target(%arg10 : memref<128x128xf32, #tpu.memory_space<vmem>>) offsets(%arg6 : memref<128xi32, #tpu.memory_space<vmem>>) semaphore(%arg12 : memref<!tpu.dma_semaphore, #tpu.memory_space<semaphore_mem>>)
        %dma_wait3A_89 = arith.constant 0 : i32
        %dma_wait3A_90 = arith.constant 0 : i32
        %dma_wait3A_91 = tpu.memref_slice %arg2[%dma_wait3A_89, %dma_wait3A_90] : memref<10000x128xf32, #tpu.memory_space<hbm>> -> memref<10000x128xf32, #tpu.memory_space<hbm>>
        tpu.wait_indirect_dma semaphore(%arg12 : memref<!tpu.dma_semaphore, #tpu.memory_space<semaphore_mem>>) src(%dma_wait3A_91 : memref<10000x128xf32, #tpu.memory_space<hbm>>) dst(%arg10 : memref<128x128xf32, #tpu.memory_space<vmem>>)
        "tpu.region"() ({
          %run_scoped3A = tpu.sem_alloc : memref<!tpu.dma_semaphore, #tpu.memory_space<semaphore_mem>>
          %dma_start3A_128 = arith.constant 0 : i32
          %dma_start3A_129 = arith.constant 0 : i32
          %dma_start3A_130 = tpu.memref_slice %arg11[%dma_start3A_128, %dma_start3A_129] : memref<10240x128xf32, #tpu.memory_space<vmem_shared>> -> memref<10240x128xf32, #tpu.memory_space<vmem_shared>>
          tpu.enqueue_indirect_dma source(%arg10 : memref<128x128xf32, #tpu.memory_space<vmem>>) target(%dma_start3A_130 : memref<10240x128xf32, #tpu.memory_space<vmem_shared>>) offsets(%arg7 : memref<128xi32, #tpu.memory_space<vmem>>) semaphore(%run_scoped3A : memref<!tpu.dma_semaphore, #tpu.memory_space<semaphore_mem>>) {add = true}
          %dma_wait3A_131 = arith.constant 0 : i32
          %dma_wait3A_132 = arith.constant 0 : i32
          %dma_wait3A_133 = tpu.memref_slice %arg11[%dma_wait3A_131, %dma_wait3A_132] : memref<10240x128xf32, #tpu.memory_space<vmem_shared>> -> memref<10240x128xf32, #tpu.memory_space<vmem_shared>>
          tpu.wait_indirect_dma semaphore(%run_scoped3A : memref<!tpu.dma_semaphore, #tpu.memory_space<semaphore_mem>>) src(%arg10 : memref<128x128xf32, #tpu.memory_space<vmem>>) dst(%dma_wait3A_133 : memref<10240x128xf32, #tpu.memory_space<vmem_shared>>)
          tpu.yield
        }) : () -> ()
        %add3A_92 = arith.addi %add3A_23, %add3A_55 : i32
        %add3A_93 = arith.constant 2 : i32
        %add3A_94 = arith.addi %add3A_92, %add3A_93 : i32
        %dma_start3A_95 = arith.constant 0 : i32
        %dma_start3A_96 = tpu.memref_slice %arg3[%add3A_94, %dma_start3A_95] : memref<2536x128xi32, #tpu.memory_space<hbm>> -> memref<1x128xi32, #tpu.memory_space<hbm>>
        %dma_start3A_97 = tpu.memref_squeeze %dma_start3A_96 : memref<1x128xi32, #tpu.memory_space<hbm>> -> memref<128xi32, #tpu.memory_space<hbm>>
        %dma_start3A_98 = arith.constant 0 : i32
        %dma_start3A_99 = tpu.memref_slice %arg3[%add3A_94, %dma_start3A_98] : memref<2536x128xi32, #tpu.memory_space<hbm>> -> memref<1x128xi32, #tpu.memory_space<hbm>>
        %dma_start3A_100 = tpu.memref_squeeze %dma_start3A_99 : memref<1x128xi32, #tpu.memory_space<hbm>> -> memref<128xi32, #tpu.memory_space<hbm>>
        tpu.enqueue_dma source(%dma_start3A_100 : memref<128xi32, #tpu.memory_space<hbm>>) target(%arg6 : memref<128xi32, #tpu.memory_space<vmem>>) target_semaphore(%arg13 : memref<!tpu.dma_semaphore, #tpu.memory_space<semaphore_mem>>)
        %add3A_101 = arith.addi %add3A_23, %add3A_55 : i32
        %add3A_102 = arith.constant 2 : i32
        %add3A_103 = arith.addi %add3A_101, %add3A_102 : i32
        %dma_start3A_104 = arith.constant 0 : i32
        %dma_start3A_105 = tpu.memref_slice %arg4[%add3A_103, %dma_start3A_104] : memref<2536x128xi32, #tpu.memory_space<hbm>> -> memref<1x128xi32, #tpu.memory_space<hbm>>
        %dma_start3A_106 = tpu.memref_squeeze %dma_start3A_105 : memref<1x128xi32, #tpu.memory_space<hbm>> -> memref<128xi32, #tpu.memory_space<hbm>>
        %dma_start3A_107 = arith.constant 0 : i32
        %dma_start3A_108 = tpu.memref_slice %arg4[%add3A_103, %dma_start3A_107] : memref<2536x128xi32, #tpu.memory_space<hbm>> -> memref<1x128xi32, #tpu.memory_space<hbm>>
        %dma_start3A_109 = tpu.memref_squeeze %dma_start3A_108 : memref<1x128xi32, #tpu.memory_space<hbm>> -> memref<128xi32, #tpu.memory_space<hbm>>
        tpu.enqueue_dma source(%dma_start3A_109 : memref<128xi32, #tpu.memory_space<hbm>>) target(%arg7 : memref<128xi32, #tpu.memory_space<vmem>>) target_semaphore(%arg14 : memref<!tpu.dma_semaphore, #tpu.memory_space<semaphore_mem>>)
        %dma_wait3A_110 = arith.constant 0 : i32
        %dma_wait3A_111 = tpu.memref_slice %arg3[%add3A_23, %dma_wait3A_110] : memref<2536x128xi32, #tpu.memory_space<hbm>> -> memref<1x128xi32, #tpu.memory_space<hbm>>
        %dma_wait3A_112 = tpu.memref_squeeze %dma_wait3A_111 : memref<1x128xi32, #tpu.memory_space<hbm>> -> memref<128xi32, #tpu.memory_space<hbm>>
        %dma_wait3A_113 = arith.constant 0 : i32
        %dma_wait3A_114 = tpu.memref_slice %arg3[%add3A_23, %dma_wait3A_113] : memref<2536x128xi32, #tpu.memory_space<hbm>> -> memref<1x128xi32, #tpu.memory_space<hbm>>
        %dma_wait3A_115 = tpu.memref_squeeze %dma_wait3A_114 : memref<1x128xi32, #tpu.memory_space<hbm>> -> memref<128xi32, #tpu.memory_space<hbm>>
        tpu.wait_dma2 semaphore(%arg15 : memref<!tpu.dma_semaphore, #tpu.memory_space<semaphore_mem>>) src(%dma_wait3A_115 : memref<128xi32, #tpu.memory_space<hbm>>) dst(%arg8 : memref<128xi32, #tpu.memory_space<vmem>>)
        %dma_wait3A_116 = arith.constant 0 : i32
        %dma_wait3A_117 = tpu.memref_slice %arg4[%add3A_23, %dma_wait3A_116] : memref<2536x128xi32, #tpu.memory_space<hbm>> -> memref<1x128xi32, #tpu.memory_space<hbm>>
        %dma_wait3A_118 = tpu.memref_squeeze %dma_wait3A_117 : memref<1x128xi32, #tpu.memory_space<hbm>> -> memref<128xi32, #tpu.memory_space<hbm>>
        %dma_wait3A_119 = arith.constant 0 : i32
        %dma_wait3A_120 = tpu.memref_slice %arg4[%add3A_23, %dma_wait3A_119] : memref<2536x128xi32, #tpu.memory_space<hbm>> -> memref<1x128xi32, #tpu.memory_space<hbm>>
        %dma_wait3A_121 = tpu.memref_squeeze %dma_wait3A_120 : memref<1x128xi32, #tpu.memory_space<hbm>> -> memref<128xi32, #tpu.memory_space<hbm>>
        tpu.wait_dma2 semaphore(%arg16 : memref<!tpu.dma_semaphore, #tpu.memory_space<semaphore_mem>>) src(%dma_wait3A_121 : memref<128xi32, #tpu.memory_space<hbm>>) dst(%arg9 : memref<128xi32, #tpu.memory_space<vmem>>)
        %dma_start3A_122 = arith.constant 0 : i32
        %dma_start3A_123 = arith.constant 0 : i32
        %dma_start3A_124 = tpu.memref_slice %arg2[%dma_start3A_122, %dma_start3A_123] : memref<10000x128xf32, #tpu.memory_space<hbm>> -> memref<10000x128xf32, #tpu.memory_space<hbm>>
        tpu.enqueue_indirect_dma source(%dma_start3A_124 : memref<10000x128xf32, #tpu.memory_space<hbm>>) target(%arg10 : memref<128x128xf32, #tpu.memory_space<vmem>>) offsets(%arg8 : memref<128xi32, #tpu.memory_space<vmem>>) semaphore(%arg12 : memref<!tpu.dma_semaphore, #tpu.memory_space<semaphore_mem>>)
        %dma_wait3A_125 = arith.constant 0 : i32
        %dma_wait3A_126 = arith.constant 0 : i32
        %dma_wait3A_127 = tpu.memref_slice %arg2[%dma_wait3A_125, %dma_wait3A_126] : memref<10000x128xf32, #tpu.memory_space<hbm>> -> memref<10000x128xf32, #tpu.memory_space<hbm>>
        tpu.wait_indirect_dma semaphore(%arg12 : memref<!tpu.dma_semaphore, #tpu.memory_space<semaphore_mem>>) src(%dma_wait3A_127 : memref<10000x128xf32, #tpu.memory_space<hbm>>) dst(%arg10 : memref<128x128xf32, #tpu.memory_space<vmem>>)
        "tpu.region"() ({
          %run_scoped3A = tpu.sem_alloc : memref<!tpu.dma_semaphore, #tpu.memory_space<semaphore_mem>>
          %dma_start3A_128 = arith.constant 0 : i32
          %dma_start3A_129 = arith.constant 0 : i32
          %dma_start3A_130 = tpu.memref_slice %arg11[%dma_start3A_128, %dma_start3A_129] : memref<10240x128xf32, #tpu.memory_space<vmem_shared>> -> memref<10240x128xf32, #tpu.memory_space<vmem_shared>>
          tpu.enqueue_indirect_dma source(%arg10 : memref<128x128xf32, #tpu.memory_space<vmem>>) target(%dma_start3A_130 : memref<10240x128xf32, #tpu.memory_space<vmem_shared>>) offsets(%arg9 : memref<128xi32, #tpu.memory_space<vmem>>) semaphore(%run_scoped3A : memref<!tpu.dma_semaphore, #tpu.memory_space<semaphore_mem>>) {add = true}
          %dma_wait3A_131 = arith.constant 0 : i32
          %dma_wait3A_132 = arith.constant 0 : i32
          %dma_wait3A_133 = tpu.memref_slice %arg11[%dma_wait3A_131, %dma_wait3A_132] : memref<10240x128xf32, #tpu.memory_space<vmem_shared>> -> memref<10240x128xf32, #tpu.memory_space<vmem_shared>>
          tpu.wait_indirect_dma semaphore(%run_scoped3A : memref<!tpu.dma_semaphore, #tpu.memory_space<semaphore_mem>>) src(%arg10 : memref<128x128xf32, #tpu.memory_space<vmem>>) dst(%dma_wait3A_133 : memref<10240x128xf32, #tpu.memory_space<vmem_shared>>)
          tpu.yield
        }) : () -> ()
      }
      %scan3A_39 = arith.constant 24 : i32
      %dma_wait3A = arith.constant 0 : i32
      %dma_wait3A_40 = tpu.memref_slice %arg3[%add3A_23, %dma_wait3A] : memref<2536x128xi32, #tpu.memory_space<hbm>> -> memref<1x128xi32, #tpu.memory_space<hbm>>
      %dma_wait3A_41 = tpu.memref_squeeze %dma_wait3A_40 : memref<1x128xi32, #tpu.memory_space<hbm>> -> memref<128xi32, #tpu.memory_space<hbm>>
      %dma_wait3A_42 = arith.constant 0 : i32
      %dma_wait3A_43 = tpu.memref_slice %arg3[%add3A_23, %dma_wait3A_42] : memref<2536x128xi32, #tpu.memory_space<hbm>> -> memref<1x128xi32, #tpu.memory_space<hbm>>
      %dma_wait3A_44 = tpu.memref_squeeze %dma_wait3A_43 : memref<1x128xi32, #tpu.memory_space<hbm>> -> memref<128xi32, #tpu.memory_space<hbm>>
      tpu.wait_dma2 semaphore(%arg13 : memref<!tpu.dma_semaphore, #tpu.memory_space<semaphore_mem>>) src(%dma_wait3A_44 : memref<128xi32, #tpu.memory_space<hbm>>) dst(%arg6 : memref<128xi32, #tpu.memory_space<vmem>>)
      %dma_wait3A_45 = arith.constant 0 : i32
      %dma_wait3A_46 = tpu.memref_slice %arg4[%add3A_23, %dma_wait3A_45] : memref<2536x128xi32, #tpu.memory_space<hbm>> -> memref<1x128xi32, #tpu.memory_space<hbm>>
      %dma_wait3A_47 = tpu.memref_squeeze %dma_wait3A_46 : memref<1x128xi32, #tpu.memory_space<hbm>> -> memref<128xi32, #tpu.memory_space<hbm>>
      %dma_wait3A_48 = arith.constant 0 : i32
      %dma_wait3A_49 = tpu.memref_slice %arg4[%add3A_23, %dma_wait3A_48] : memref<2536x128xi32, #tpu.memory_space<hbm>> -> memref<1x128xi32, #tpu.memory_space<hbm>>
      %dma_wait3A_50 = tpu.memref_squeeze %dma_wait3A_49 : memref<1x128xi32, #tpu.memory_space<hbm>> -> memref<128xi32, #tpu.memory_space<hbm>>
      tpu.wait_dma2 semaphore(%arg14 : memref<!tpu.dma_semaphore, #tpu.memory_space<semaphore_mem>>) src(%dma_wait3A_50 : memref<128xi32, #tpu.memory_space<hbm>>) dst(%arg7 : memref<128xi32, #tpu.memory_space<vmem>>)
    } else {
    }
    %barrier3A_17 = arith.constant 0 : index
    tpu.barrier barrier_id(%barrier3A_17)
    %mul3A = arith.constant 640 : i32
    %mul3A_18 = arith.muli %arg1, %mul3A : i32
    %mul3A_19 = arith.constant 640 : i32
    %mul3A_20 = arith.muli %arg1, %mul3A_19 : i32
    "tpu.region"() ({
      %run_scoped3A = tpu.sem_alloc : memref<!tpu.dma_semaphore, #tpu.memory_space<semaphore_mem>>
      %dma_start3A = arith.constant 0 : i32
      %dma_start3A_21 = tpu.memref_slice %arg5[%arg0, %mul3A_20, %dma_start3A] : memref<2x10240x128xf32, #tpu.memory_space<hbm>> -> memref<1x640x128xf32, #tpu.memory_space<hbm>>
      %dma_start3A_22 = tpu.memref_squeeze %dma_start3A_21 : memref<1x640x128xf32, #tpu.memory_space<hbm>> -> memref<640x128xf32, #tpu.memory_space<hbm>>
      %dma_start3A_23 = arith.constant 0 : i32
      %dma_start3A_24 = tpu.memref_slice %arg11[%mul3A_18, %dma_start3A_23] : memref<10240x128xf32, #tpu.memory_space<vmem_shared>> -> memref<640x128xf32, #tpu.memory_space<vmem_shared>>
      tpu.enqueue_dma source(%dma_start3A_24 : memref<640x128xf32, #tpu.memory_space<vmem_shared>>) target(%dma_start3A_22 : memref<640x128xf32, #tpu.memory_space<hbm>>) target_semaphore(%run_scoped3A : memref<!tpu.dma_semaphore, #tpu.memory_space<semaphore_mem>>)
      %dma_wait3A = arith.constant 0 : i32
      %dma_wait3A_25 = tpu.memref_slice %arg5[%arg0, %mul3A_20, %dma_wait3A] : memref<2x10240x128xf32, #tpu.memory_space<hbm>> -> memref<1x640x128xf32, #tpu.memory_space<hbm>>
      %dma_wait3A_26 = tpu.memref_squeeze %dma_wait3A_25 : memref<1x640x128xf32, #tpu.memory_space<hbm>> -> memref<640x128xf32, #tpu.memory_space<hbm>>
      %dma_wait3A_27 = arith.constant 0 : i32
      %dma_wait3A_28 = tpu.memref_slice %arg11[%mul3A_18, %dma_wait3A_27] : memref<10240x128xf32, #tpu.memory_space<vmem_shared>> -> memref<640x128xf32, #tpu.memory_space<vmem_shared>>
      tpu.wait_dma2 semaphore(%run_scoped3A : memref<!tpu.dma_semaphore, #tpu.memory_space<semaphore_mem>>) src(%dma_wait3A_28 : memref<640x128xf32, #tpu.memory_space<vmem_shared>>) dst(%dma_wait3A_26 : memref<640x128xf32, #tpu.memory_space<hbm>>)
      tpu.yield
    }) : () -> ()
    return
  }
}

#map = affine_map<(d0, d1) -> (0, 0)>
#map1 = affine_map<(d0, d1) -> (0, 0, 0)>
module attributes {stable_mosaic.version = 14 : i64} {
  func.func @sc_segsum(%arg0: i32, %arg1: i32, %arg2: memref<10000x128xf32, #tpu.memory_space<hbm>>, %arg3: memref<2536x128xi32, #tpu.memory_space<hbm>>, %arg4: memref<2536x128xi32, #tpu.memory_space<hbm>>, %arg5: memref<2x10240x128xf32, #tpu.memory_space<hbm>>, %arg6: memref<128xi32, #tpu.memory_space<vmem>>, %arg7: memref<128xi32, #tpu.memory_space<vmem>>, %arg8: memref<128xi32, #tpu.memory_space<vmem>>, %arg9: memref<128xi32, #tpu.memory_space<vmem>>, %arg10: memref<128x128xf32, #tpu.memory_space<vmem>>, %arg11: memref<10240x128xf32, #tpu.memory_space<vmem_shared>>, %arg12: memref<!tpu.dma_semaphore, #tpu.memory_space<semaphore_mem>>, %arg13: memref<!tpu.dma_semaphore, #tpu.memory_space<semaphore_mem>>, %arg14: memref<!tpu.dma_semaphore, #tpu.memory_space<semaphore_mem>>, %arg15: memref<!tpu.dma_semaphore, #tpu.memory_space<semaphore_mem>>, %arg16: memref<!tpu.dma_semaphore, #tpu.memory_space<semaphore_mem>>) attributes {dimension_semantics = [#tpu.dimension_semantics<core_parallel>, #tpu.dimension_semantics<subcore_parallel>], iteration_bounds = array<i64: 2, 16>, scalar_prefetch = 0 : i64, scratch_operands = 11 : i64, tpu.core_type = #tpu.core_type<sc_vector_subcore>, window_params = [{transform_indices = #map}, {transform_indices = #map}, {transform_indices = #map}, {transform_indices = #map1}]} {
    %broadcast_in_dim3A = arith.constant 0.000000e+00 : f32
    %broadcast_in_dim3A_0 = vector.broadcast %broadcast_in_dim3A : f32 to vector<16xf32>
    %scan3A = arith.constant 0 : i32
    %scan3A_1 = arith.constant 128 : i32
    %scan3A_2 = arith.addi %scan3A, %scan3A_1 : i32
    %scan3A_3 = arith.constant 1 : i32
    scf.for %scan3A_21 = %scan3A to %scan3A_2 step %scan3A_3  : i32 {
      %mul3A_22 = arith.constant 1 : i32
      %mul3A_23 = arith.muli %scan3A_21, %mul3A_22 : i32
      %add3A = arith.constant 0 : i32
      %add3A_24 = arith.addi %add3A, %mul3A_23 : i32
      %scan3A_25 = arith.constant 0 : i32
      %scan3A_26 = arith.constant 8 : i32
      %scan3A_27 = arith.addi %scan3A_25, %scan3A_26 : i32
      %scan3A_28 = arith.constant 1 : i32
      scf.for %scan3A_30 = %scan3A_25 to %scan3A_27 step %scan3A_28  : i32 {
        %mul3A_31 = arith.constant 16 : i32
        %mul3A_32 = arith.muli %scan3A_30, %mul3A_31 : i32
        %add3A_33 = arith.constant 0 : i32
        %add3A_34 = arith.addi %add3A_33, %mul3A_32 : i32
        %swap3A = arith.index_cast %add3A_24 : i32 to index
        %swap3A_35 = arith.index_cast %add3A_34 : i32 to index
        %swap3A_36 = tpu.vector_load %arg10[%swap3A, %swap3A_35] {strides = array<i32>} : memref<128x128xf32, #tpu.memory_space<vmem>>, vector<16xf32>,
        tpu.vector_store %arg10[%swap3A, %swap3A_35], %broadcast_in_dim3A_0 {strides = array<i32>} : memref<128x128xf32, #tpu.memory_space<vmem>>, vector<16xf32>,
      }
      %scan3A_29 = arith.constant 8 : i32
    }
    %scan3A_4 = arith.constant 128 : i32
    %scan3A_5 = arith.constant 0 : i32
    %scan3A_6 = arith.constant 5 : i32
    %scan3A_7 = arith.addi %scan3A_5, %scan3A_6 : i32
    %scan3A_8 = arith.constant 1 : i32
    scf.for %scan3A_21 = %scan3A_5 to %scan3A_7 step %scan3A_8  : i32 {
      %mul3A_22 = arith.constant 1 : i32
      %mul3A_23 = arith.muli %scan3A_21, %mul3A_22 : i32
      %add3A = arith.constant 0 : i32
      %add3A_24 = arith.addi %add3A, %mul3A_23 : i32
      %mul3A_25 = arith.constant 640 : i32
      %mul3A_26 = arith.muli %arg1, %mul3A_25 : i32
      %mul3A_27 = arith.constant 128 : i32
      %mul3A_28 = arith.muli %add3A_24, %mul3A_27 : i32
      %add3A_29 = arith.addi %mul3A_26, %mul3A_28 : i32
      "tpu.region"() ({
        %run_scoped3A = tpu.sem_alloc : memref<!tpu.dma_semaphore, #tpu.memory_space<semaphore_mem>>
        %dma_start3A = arith.constant 0 : i32
        %dma_start3A_30 = tpu.memref_slice %arg11[%add3A_29, %dma_start3A] : memref<10240x128xf32, #tpu.memory_space<vmem_shared>> -> memref<128x128xf32, #tpu.memory_space<vmem_shared>>
        %dma_start3A_31 = arith.constant 0 : i32
        %dma_start3A_32 = tpu.memref_slice %arg11[%add3A_29, %dma_start3A_31] : memref<10240x128xf32, #tpu.memory_space<vmem_shared>> -> memref<128x128xf32, #tpu.memory_space<vmem_shared>>
        tpu.enqueue_dma source(%arg10 : memref<128x128xf32, #tpu.memory_space<vmem>>) target(%dma_start3A_32 : memref<128x128xf32, #tpu.memory_space<vmem_shared>>) target_semaphore(%run_scoped3A : memref<!tpu.dma_semaphore, #tpu.memory_space<semaphore_mem>>)
        %dma_wait3A = arith.constant 0 : i32
        %dma_wait3A_33 = tpu.memref_slice %arg11[%add3A_29, %dma_wait3A] : memref<10240x128xf32, #tpu.memory_space<vmem_shared>> -> memref<128x128xf32, #tpu.memory_space<vmem_shared>>
        %dma_wait3A_34 = arith.constant 0 : i32
        %dma_wait3A_35 = tpu.memref_slice %arg11[%add3A_29, %dma_wait3A_34] : memref<10240x128xf32, #tpu.memory_space<vmem_shared>> -> memref<128x128xf32, #tpu.memory_space<vmem_shared>>
        tpu.wait_dma2 semaphore(%run_scoped3A : memref<!tpu.dma_semaphore, #tpu.memory_space<semaphore_mem>>) src(%arg10 : memref<128x128xf32, #tpu.memory_space<vmem>>) dst(%dma_wait3A_35 : memref<128x128xf32, #tpu.memory_space<vmem_shared>>)
        tpu.yield
      }) : () -> ()
    }
    %scan3A_9 = arith.constant 5 : i32
    %barrier3A = arith.constant 0 : index
    tpu.barrier barrier_id(%barrier3A)
    %eq3A = arith.constant 0 : i32
    %eq3A_10 = arith.cmpi eq, %arg0, %eq3A : i32
    %convert_element_type3A = arith.extui %eq3A_10 : i1 to i32
    %cond3A = arith.constant 0 : i32
    %cond3A_11 = arith.cmpi ne, %convert_element_type3A, %cond3A : i32
    scf.if %cond3A_11 {
      %mul3A_21 = arith.constant 110 : i32
      %mul3A_22 = arith.muli %arg1, %mul3A_21 : i32
      %dma_start3A = arith.constant 0 : i32
      %dma_start3A_23 = tpu.memref_slice %arg3[%mul3A_22, %dma_start3A] : memref<2536x128xi32, #tpu.memory_space<hbm>> -> memref<1x128xi32, #tpu.memory_space<hbm>>
      %dma_start3A_24 = tpu.memref_squeeze %dma_start3A_23 : memref<1x128xi32, #tpu.memory_space<hbm>> -> memref<128xi32, #tpu.memory_space<hbm>>
      %dma_start3A_25 = arith.constant 0 : i32
      %dma_start3A_26 = tpu.memref_slice %arg3[%mul3A_22, %dma_start3A_25] : memref<2536x128xi32, #tpu.memory_space<hbm>> -> memref<1x128xi32, #tpu.memory_space<hbm>>
      %dma_start3A_27 = tpu.memref_squeeze %dma_start3A_26 : memref<1x128xi32, #tpu.memory_space<hbm>> -> memref<128xi32, #tpu.memory_space<hbm>>
      tpu.enqueue_dma source(%dma_start3A_27 : memref<128xi32, #tpu.memory_space<hbm>>) target(%arg6 : memref<128xi32, #tpu.memory_space<vmem>>) target_semaphore(%arg13 : memref<!tpu.dma_semaphore, #tpu.memory_space<semaphore_mem>>)
      %dma_start3A_28 = arith.constant 0 : i32
      %dma_start3A_29 = tpu.memref_slice %arg4[%mul3A_22, %dma_start3A_28] : memref<2536x128xi32, #tpu.memory_space<hbm>> -> memref<1x128xi32, #tpu.memory_space<hbm>>
      %dma_start3A_30 = tpu.memref_squeeze %dma_start3A_29 : memref<1x128xi32, #tpu.memory_space<hbm>> -> memref<128xi32, #tpu.memory_space<hbm>>
      %dma_start3A_31 = arith.constant 0 : i32
      %dma_start3A_32 = tpu.memref_slice %arg4[%mul3A_22, %dma_start3A_31] : memref<2536x128xi32, #tpu.memory_space<hbm>> -> memref<1x128xi32, #tpu.memory_space<hbm>>
      %dma_start3A_33 = tpu.memref_squeeze %dma_start3A_32 : memref<1x128xi32, #tpu.memory_space<hbm>> -> memref<128xi32, #tpu.memory_space<hbm>>
      tpu.enqueue_dma source(%dma_start3A_33 : memref<128xi32, #tpu.memory_space<hbm>>) target(%arg7 : memref<128xi32, #tpu.memory_space<vmem>>) target_semaphore(%arg14 : memref<!tpu.dma_semaphore, #tpu.memory_space<semaphore_mem>>)
      %scan3A_34 = arith.constant 0 : i32
      %scan3A_35 = arith.constant 55 : i32
      %scan3A_36 = arith.addi %scan3A_34, %scan3A_35 : i32
      %scan3A_37 = arith.constant 1 : i32
      scf.for %scan3A_50 = %scan3A_34 to %scan3A_36 step %scan3A_37  : i32 {
        %mul3A_51 = arith.constant 2 : i32
        %mul3A_52 = arith.muli %scan3A_50, %mul3A_51 : i32
        %add3A = arith.constant 0 : i32
        %add3A_53 = arith.addi %add3A, %mul3A_52 : i32
        %add3A_54 = arith.addi %mul3A_22, %add3A_53 : i32
        %add3A_55 = arith.constant 1 : i32
        %add3A_56 = arith.addi %add3A_54, %add3A_55 : i32
        %dma_start3A_57 = arith.constant 0 : i32
        %dma_start3A_58 = tpu.memref_slice %arg3[%add3A_56, %dma_start3A_57] : memref<2536x128xi32, #tpu.memory_space<hbm>> -> memref<1x128xi32, #tpu.memory_space<hbm>>
        %dma_start3A_59 = tpu.memref_squeeze %dma_start3A_58 : memref<1x128xi32, #tpu.memory_space<hbm>> -> memref<128xi32, #tpu.memory_space<hbm>>
        %dma_start3A_60 = arith.constant 0 : i32
        %dma_start3A_61 = tpu.memref_slice %arg3[%add3A_56, %dma_start3A_60] : memref<2536x128xi32, #tpu.memory_space<hbm>> -> memref<1x128xi32, #tpu.memory_space<hbm>>
        %dma_start3A_62 = tpu.memref_squeeze %dma_start3A_61 : memref<1x128xi32, #tpu.memory_space<hbm>> -> memref<128xi32, #tpu.memory_space<hbm>>
        tpu.enqueue_dma source(%dma_start3A_62 : memref<128xi32, #tpu.memory_space<hbm>>) target(%arg8 : memref<128xi32, #tpu.memory_space<vmem>>) target_semaphore(%arg15 : memref<!tpu.dma_semaphore, #tpu.memory_space<semaphore_mem>>)
        %add3A_63 = arith.addi %mul3A_22, %add3A_53 : i32
        %add3A_64 = arith.constant 1 : i32
        %add3A_65 = arith.addi %add3A_63, %add3A_64 : i32
        %dma_start3A_66 = arith.constant 0 : i32
        %dma_start3A_67 = tpu.memref_slice %arg4[%add3A_65, %dma_start3A_66] : memref<2536x128xi32, #tpu.memory_space<hbm>> -> memref<1x128xi32, #tpu.memory_space<hbm>>
        %dma_start3A_68 = tpu.memref_squeeze %dma_start3A_67 : memref<1x128xi32, #tpu.memory_space<hbm>> -> memref<128xi32, #tpu.memory_space<hbm>>
        %dma_start3A_69 = arith.constant 0 : i32
        %dma_start3A_70 = tpu.memref_slice %arg4[%add3A_65, %dma_start3A_69] : memref<2536x128xi32, #tpu.memory_space<hbm>> -> memref<1x128xi32, #tpu.memory_space<hbm>>
        %dma_start3A_71 = tpu.memref_squeeze %dma_start3A_70 : memref<1x128xi32, #tpu.memory_space<hbm>> -> memref<128xi32, #tpu.memory_space<hbm>>
        tpu.enqueue_dma source(%dma_start3A_71 : memref<128xi32, #tpu.memory_space<hbm>>) target(%arg9 : memref<128xi32, #tpu.memory_space<vmem>>) target_semaphore(%arg16 : memref<!tpu.dma_semaphore, #tpu.memory_space<semaphore_mem>>)
        %dma_wait3A_72 = arith.constant 0 : i32
        %dma_wait3A_73 = tpu.memref_slice %arg3[%mul3A_22, %dma_wait3A_72] : memref<2536x128xi32, #tpu.memory_space<hbm>> -> memref<1x128xi32, #tpu.memory_space<hbm>>
        %dma_wait3A_74 = tpu.memref_squeeze %dma_wait3A_73 : memref<1x128xi32, #tpu.memory_space<hbm>> -> memref<128xi32, #tpu.memory_space<hbm>>
        %dma_wait3A_75 = arith.constant 0 : i32
        %dma_wait3A_76 = tpu.memref_slice %arg3[%mul3A_22, %dma_wait3A_75] : memref<2536x128xi32, #tpu.memory_space<hbm>> -> memref<1x128xi32, #tpu.memory_space<hbm>>
        %dma_wait3A_77 = tpu.memref_squeeze %dma_wait3A_76 : memref<1x128xi32, #tpu.memory_space<hbm>> -> memref<128xi32, #tpu.memory_space<hbm>>
        tpu.wait_dma2 semaphore(%arg13 : memref<!tpu.dma_semaphore, #tpu.memory_space<semaphore_mem>>) src(%dma_wait3A_77 : memref<128xi32, #tpu.memory_space<hbm>>) dst(%arg6 : memref<128xi32, #tpu.memory_space<vmem>>)
        %dma_wait3A_78 = arith.constant 0 : i32
        %dma_wait3A_79 = tpu.memref_slice %arg4[%mul3A_22, %dma_wait3A_78] : memref<2536x128xi32, #tpu.memory_space<hbm>> -> memref<1x128xi32, #tpu.memory_space<hbm>>
        %dma_wait3A_80 = tpu.memref_squeeze %dma_wait3A_79 : memref<1x128xi32, #tpu.memory_space<hbm>> -> memref<128xi32, #tpu.memory_space<hbm>>
        %dma_wait3A_81 = arith.constant 0 : i32
        %dma_wait3A_82 = tpu.memref_slice %arg4[%mul3A_22, %dma_wait3A_81] : memref<2536x128xi32, #tpu.memory_space<hbm>> -> memref<1x128xi32, #tpu.memory_space<hbm>>
        %dma_wait3A_83 = tpu.memref_squeeze %dma_wait3A_82 : memref<1x128xi32, #tpu.memory_space<hbm>> -> memref<128xi32, #tpu.memory_space<hbm>>
        tpu.wait_dma2 semaphore(%arg14 : memref<!tpu.dma_semaphore, #tpu.memory_space<semaphore_mem>>) src(%dma_wait3A_83 : memref<128xi32, #tpu.memory_space<hbm>>) dst(%arg7 : memref<128xi32, #tpu.memory_space<vmem>>)
        %dma_start3A_84 = arith.constant 0 : i32
        %dma_start3A_85 = arith.constant 0 : i32
        %dma_start3A_86 = tpu.memref_slice %arg2[%dma_start3A_84, %dma_start3A_85] : memref<10000x128xf32, #tpu.memory_space<hbm>> -> memref<10000x128xf32, #tpu.memory_space<hbm>>
        tpu.enqueue_indirect_dma source(%dma_start3A_86 : memref<10000x128xf32, #tpu.memory_space<hbm>>) target(%arg10 : memref<128x128xf32, #tpu.memory_space<vmem>>) offsets(%arg6 : memref<128xi32, #tpu.memory_space<vmem>>) semaphore(%arg12 : memref<!tpu.dma_semaphore, #tpu.memory_space<semaphore_mem>>)
        %dma_wait3A_87 = arith.constant 0 : i32
        %dma_wait3A_88 = arith.constant 0 : i32
        %dma_wait3A_89 = tpu.memref_slice %arg2[%dma_wait3A_87, %dma_wait3A_88] : memref<10000x128xf32, #tpu.memory_space<hbm>> -> memref<10000x128xf32, #tpu.memory_space<hbm>>
        tpu.wait_indirect_dma semaphore(%arg12 : memref<!tpu.dma_semaphore, #tpu.memory_space<semaphore_mem>>) src(%dma_wait3A_89 : memref<10000x128xf32, #tpu.memory_space<hbm>>) dst(%arg10 : memref<128x128xf32, #tpu.memory_space<vmem>>)
        "tpu.region"() ({
          %run_scoped3A = tpu.sem_alloc : memref<!tpu.dma_semaphore, #tpu.memory_space<semaphore_mem>>
          %dma_start3A_126 = arith.constant 0 : i32
          %dma_start3A_127 = arith.constant 0 : i32
          %dma_start3A_128 = tpu.memref_slice %arg11[%dma_start3A_126, %dma_start3A_127] : memref<10240x128xf32, #tpu.memory_space<vmem_shared>> -> memref<10240x128xf32, #tpu.memory_space<vmem_shared>>
          tpu.enqueue_indirect_dma source(%arg10 : memref<128x128xf32, #tpu.memory_space<vmem>>) target(%dma_start3A_128 : memref<10240x128xf32, #tpu.memory_space<vmem_shared>>) offsets(%arg7 : memref<128xi32, #tpu.memory_space<vmem>>) semaphore(%run_scoped3A : memref<!tpu.dma_semaphore, #tpu.memory_space<semaphore_mem>>) {add = true}
          %dma_wait3A_129 = arith.constant 0 : i32
          %dma_wait3A_130 = arith.constant 0 : i32
          %dma_wait3A_131 = tpu.memref_slice %arg11[%dma_wait3A_129, %dma_wait3A_130] : memref<10240x128xf32, #tpu.memory_space<vmem_shared>> -> memref<10240x128xf32, #tpu.memory_space<vmem_shared>>
          tpu.wait_indirect_dma semaphore(%run_scoped3A : memref<!tpu.dma_semaphore, #tpu.memory_space<semaphore_mem>>) src(%arg10 : memref<128x128xf32, #tpu.memory_space<vmem>>) dst(%dma_wait3A_131 : memref<10240x128xf32, #tpu.memory_space<vmem_shared>>)
          tpu.yield
        }) : () -> ()
        %add3A_90 = arith.addi %mul3A_22, %add3A_53 : i32
        %add3A_91 = arith.constant 2 : i32
        %add3A_92 = arith.addi %add3A_90, %add3A_91 : i32
        %dma_start3A_93 = arith.constant 0 : i32
        %dma_start3A_94 = tpu.memref_slice %arg3[%add3A_92, %dma_start3A_93] : memref<2536x128xi32, #tpu.memory_space<hbm>> -> memref<1x128xi32, #tpu.memory_space<hbm>>
        %dma_start3A_95 = tpu.memref_squeeze %dma_start3A_94 : memref<1x128xi32, #tpu.memory_space<hbm>> -> memref<128xi32, #tpu.memory_space<hbm>>
        %dma_start3A_96 = arith.constant 0 : i32
        %dma_start3A_97 = tpu.memref_slice %arg3[%add3A_92, %dma_start3A_96] : memref<2536x128xi32, #tpu.memory_space<hbm>> -> memref<1x128xi32, #tpu.memory_space<hbm>>
        %dma_start3A_98 = tpu.memref_squeeze %dma_start3A_97 : memref<1x128xi32, #tpu.memory_space<hbm>> -> memref<128xi32, #tpu.memory_space<hbm>>
        tpu.enqueue_dma source(%dma_start3A_98 : memref<128xi32, #tpu.memory_space<hbm>>) target(%arg6 : memref<128xi32, #tpu.memory_space<vmem>>) target_semaphore(%arg13 : memref<!tpu.dma_semaphore, #tpu.memory_space<semaphore_mem>>)
        %add3A_99 = arith.addi %mul3A_22, %add3A_53 : i32
        %add3A_100 = arith.constant 2 : i32
        %add3A_101 = arith.addi %add3A_99, %add3A_100 : i32
        %dma_start3A_102 = arith.constant 0 : i32
        %dma_start3A_103 = tpu.memref_slice %arg4[%add3A_101, %dma_start3A_102] : memref<2536x128xi32, #tpu.memory_space<hbm>> -> memref<1x128xi32, #tpu.memory_space<hbm>>
        %dma_start3A_104 = tpu.memref_squeeze %dma_start3A_103 : memref<1x128xi32, #tpu.memory_space<hbm>> -> memref<128xi32, #tpu.memory_space<hbm>>
        %dma_start3A_105 = arith.constant 0 : i32
        %dma_start3A_106 = tpu.memref_slice %arg4[%add3A_101, %dma_start3A_105] : memref<2536x128xi32, #tpu.memory_space<hbm>> -> memref<1x128xi32, #tpu.memory_space<hbm>>
        %dma_start3A_107 = tpu.memref_squeeze %dma_start3A_106 : memref<1x128xi32, #tpu.memory_space<hbm>> -> memref<128xi32, #tpu.memory_space<hbm>>
        tpu.enqueue_dma source(%dma_start3A_107 : memref<128xi32, #tpu.memory_space<hbm>>) target(%arg7 : memref<128xi32, #tpu.memory_space<vmem>>) target_semaphore(%arg14 : memref<!tpu.dma_semaphore, #tpu.memory_space<semaphore_mem>>)
        %dma_wait3A_108 = arith.constant 0 : i32
        %dma_wait3A_109 = tpu.memref_slice %arg3[%mul3A_22, %dma_wait3A_108] : memref<2536x128xi32, #tpu.memory_space<hbm>> -> memref<1x128xi32, #tpu.memory_space<hbm>>
        %dma_wait3A_110 = tpu.memref_squeeze %dma_wait3A_109 : memref<1x128xi32, #tpu.memory_space<hbm>> -> memref<128xi32, #tpu.memory_space<hbm>>
        %dma_wait3A_111 = arith.constant 0 : i32
        %dma_wait3A_112 = tpu.memref_slice %arg3[%mul3A_22, %dma_wait3A_111] : memref<2536x128xi32, #tpu.memory_space<hbm>> -> memref<1x128xi32, #tpu.memory_space<hbm>>
        %dma_wait3A_113 = tpu.memref_squeeze %dma_wait3A_112 : memref<1x128xi32, #tpu.memory_space<hbm>> -> memref<128xi32, #tpu.memory_space<hbm>>
        tpu.wait_dma2 semaphore(%arg15 : memref<!tpu.dma_semaphore, #tpu.memory_space<semaphore_mem>>) src(%dma_wait3A_113 : memref<128xi32, #tpu.memory_space<hbm>>) dst(%arg8 : memref<128xi32, #tpu.memory_space<vmem>>)
        %dma_wait3A_114 = arith.constant 0 : i32
        %dma_wait3A_115 = tpu.memref_slice %arg4[%mul3A_22, %dma_wait3A_114] : memref<2536x128xi32, #tpu.memory_space<hbm>> -> memref<1x128xi32, #tpu.memory_space<hbm>>
        %dma_wait3A_116 = tpu.memref_squeeze %dma_wait3A_115 : memref<1x128xi32, #tpu.memory_space<hbm>> -> memref<128xi32, #tpu.memory_space<hbm>>
        %dma_wait3A_117 = arith.constant 0 : i32
        %dma_wait3A_118 = tpu.memref_slice %arg4[%mul3A_22, %dma_wait3A_117] : memref<2536x128xi32, #tpu.memory_space<hbm>> -> memref<1x128xi32, #tpu.memory_space<hbm>>
        %dma_wait3A_119 = tpu.memref_squeeze %dma_wait3A_118 : memref<1x128xi32, #tpu.memory_space<hbm>> -> memref<128xi32, #tpu.memory_space<hbm>>
        tpu.wait_dma2 semaphore(%arg16 : memref<!tpu.dma_semaphore, #tpu.memory_space<semaphore_mem>>) src(%dma_wait3A_119 : memref<128xi32, #tpu.memory_space<hbm>>) dst(%arg9 : memref<128xi32, #tpu.memory_space<vmem>>)
        %dma_start3A_120 = arith.constant 0 : i32
        %dma_start3A_121 = arith.constant 0 : i32
        %dma_start3A_122 = tpu.memref_slice %arg2[%dma_start3A_120, %dma_start3A_121] : memref<10000x128xf32, #tpu.memory_space<hbm>> -> memref<10000x128xf32, #tpu.memory_space<hbm>>
        tpu.enqueue_indirect_dma source(%dma_start3A_122 : memref<10000x128xf32, #tpu.memory_space<hbm>>) target(%arg10 : memref<128x128xf32, #tpu.memory_space<vmem>>) offsets(%arg8 : memref<128xi32, #tpu.memory_space<vmem>>) semaphore(%arg12 : memref<!tpu.dma_semaphore, #tpu.memory_space<semaphore_mem>>)
        %dma_wait3A_123 = arith.constant 0 : i32
        %dma_wait3A_124 = arith.constant 0 : i32
        %dma_wait3A_125 = tpu.memref_slice %arg2[%dma_wait3A_123, %dma_wait3A_124] : memref<10000x128xf32, #tpu.memory_space<hbm>> -> memref<10000x128xf32, #tpu.memory_space<hbm>>
        tpu.wait_indirect_dma semaphore(%arg12 : memref<!tpu.dma_semaphore, #tpu.memory_space<semaphore_mem>>) src(%dma_wait3A_125 : memref<10000x128xf32, #tpu.memory_space<hbm>>) dst(%arg10 : memref<128x128xf32, #tpu.memory_space<vmem>>)
        "tpu.region"() ({
          %run_scoped3A = tpu.sem_alloc : memref<!tpu.dma_semaphore, #tpu.memory_space<semaphore_mem>>
          %dma_start3A_126 = arith.constant 0 : i32
          %dma_start3A_127 = arith.constant 0 : i32
          %dma_start3A_128 = tpu.memref_slice %arg11[%dma_start3A_126, %dma_start3A_127] : memref<10240x128xf32, #tpu.memory_space<vmem_shared>> -> memref<10240x128xf32, #tpu.memory_space<vmem_shared>>
          tpu.enqueue_indirect_dma source(%arg10 : memref<128x128xf32, #tpu.memory_space<vmem>>) target(%dma_start3A_128 : memref<10240x128xf32, #tpu.memory_space<vmem_shared>>) offsets(%arg9 : memref<128xi32, #tpu.memory_space<vmem>>) semaphore(%run_scoped3A : memref<!tpu.dma_semaphore, #tpu.memory_space<semaphore_mem>>) {add = true}
          %dma_wait3A_129 = arith.constant 0 : i32
          %dma_wait3A_130 = arith.constant 0 : i32
          %dma_wait3A_131 = tpu.memref_slice %arg11[%dma_wait3A_129, %dma_wait3A_130] : memref<10240x128xf32, #tpu.memory_space<vmem_shared>> -> memref<10240x128xf32, #tpu.memory_space<vmem_shared>>
          tpu.wait_indirect_dma semaphore(%run_scoped3A : memref<!tpu.dma_semaphore, #tpu.memory_space<semaphore_mem>>) src(%arg10 : memref<128x128xf32, #tpu.memory_space<vmem>>) dst(%dma_wait3A_131 : memref<10240x128xf32, #tpu.memory_space<vmem_shared>>)
          tpu.yield
        }) : () -> ()
      }
      %scan3A_38 = arith.constant 55 : i32
      %dma_wait3A = arith.constant 0 : i32
      %dma_wait3A_39 = tpu.memref_slice %arg3[%mul3A_22, %dma_wait3A] : memref<2536x128xi32, #tpu.memory_space<hbm>> -> memref<1x128xi32, #tpu.memory_space<hbm>>
      %dma_wait3A_40 = tpu.memref_squeeze %dma_wait3A_39 : memref<1x128xi32, #tpu.memory_space<hbm>> -> memref<128xi32, #tpu.memory_space<hbm>>
      %dma_wait3A_41 = arith.constant 0 : i32
      %dma_wait3A_42 = tpu.memref_slice %arg3[%mul3A_22, %dma_wait3A_41] : memref<2536x128xi32, #tpu.memory_space<hbm>> -> memref<1x128xi32, #tpu.memory_space<hbm>>
      %dma_wait3A_43 = tpu.memref_squeeze %dma_wait3A_42 : memref<1x128xi32, #tpu.memory_space<hbm>> -> memref<128xi32, #tpu.memory_space<hbm>>
      tpu.wait_dma2 semaphore(%arg13 : memref<!tpu.dma_semaphore, #tpu.memory_space<semaphore_mem>>) src(%dma_wait3A_43 : memref<128xi32, #tpu.memory_space<hbm>>) dst(%arg6 : memref<128xi32, #tpu.memory_space<vmem>>)
      %dma_wait3A_44 = arith.constant 0 : i32
      %dma_wait3A_45 = tpu.memref_slice %arg4[%mul3A_22, %dma_wait3A_44] : memref<2536x128xi32, #tpu.memory_space<hbm>> -> memref<1x128xi32, #tpu.memory_space<hbm>>
      %dma_wait3A_46 = tpu.memref_squeeze %dma_wait3A_45 : memref<1x128xi32, #tpu.memory_space<hbm>> -> memref<128xi32, #tpu.memory_space<hbm>>
      %dma_wait3A_47 = arith.constant 0 : i32
      %dma_wait3A_48 = tpu.memref_slice %arg4[%mul3A_22, %dma_wait3A_47] : memref<2536x128xi32, #tpu.memory_space<hbm>> -> memref<1x128xi32, #tpu.memory_space<hbm>>
      %dma_wait3A_49 = tpu.memref_squeeze %dma_wait3A_48 : memref<1x128xi32, #tpu.memory_space<hbm>> -> memref<128xi32, #tpu.memory_space<hbm>>
      tpu.wait_dma2 semaphore(%arg14 : memref<!tpu.dma_semaphore, #tpu.memory_space<semaphore_mem>>) src(%dma_wait3A_49 : memref<128xi32, #tpu.memory_space<hbm>>) dst(%arg7 : memref<128xi32, #tpu.memory_space<vmem>>)
    } else {
    }
    %eq3A_12 = arith.constant 1 : i32
    %eq3A_13 = arith.cmpi eq, %arg0, %eq3A_12 : i32
    %convert_element_type3A_14 = arith.extui %eq3A_13 : i1 to i32
    %cond3A_15 = arith.constant 0 : i32
    %cond3A_16 = arith.cmpi ne, %convert_element_type3A_14, %cond3A_15 : i32
    scf.if %cond3A_16 {
      %mul3A_21 = arith.constant 48 : i32
      %mul3A_22 = arith.muli %arg1, %mul3A_21 : i32
      %add3A = arith.constant 1760 : i32
      %add3A_23 = arith.addi %add3A, %mul3A_22 : i32
      %dma_start3A = arith.constant 0 : i32
      %dma_start3A_24 = tpu.memref_slice %arg3[%add3A_23, %dma_start3A] : memref<2536x128xi32, #tpu.memory_space<hbm>> -> memref<1x128xi32, #tpu.memory_space<hbm>>
      %dma_start3A_25 = tpu.memref_squeeze %dma_start3A_24 : memref<1x128xi32, #tpu.memory_space<hbm>> -> memref<128xi32, #tpu.memory_space<hbm>>
      %dma_start3A_26 = arith.constant 0 : i32
      %dma_start3A_27 = tpu.memref_slice %arg3[%add3A_23, %dma_start3A_26] : memref<2536x128xi32, #tpu.memory_space<hbm>> -> memref<1x128xi32, #tpu.memory_space<hbm>>
      %dma_start3A_28 = tpu.memref_squeeze %dma_start3A_27 : memref<1x128xi32, #tpu.memory_space<hbm>> -> memref<128xi32, #tpu.memory_space<hbm>>
      tpu.enqueue_dma source(%dma_start3A_28 : memref<128xi32, #tpu.memory_space<hbm>>) target(%arg6 : memref<128xi32, #tpu.memory_space<vmem>>) target_semaphore(%arg13 : memref<!tpu.dma_semaphore, #tpu.memory_space<semaphore_mem>>)
      %dma_start3A_29 = arith.constant 0 : i32
      %dma_start3A_30 = tpu.memref_slice %arg4[%add3A_23, %dma_start3A_29] : memref<2536x128xi32, #tpu.memory_space<hbm>> -> memref<1x128xi32, #tpu.memory_space<hbm>>
      %dma_start3A_31 = tpu.memref_squeeze %dma_start3A_30 : memref<1x128xi32, #tpu.memory_space<hbm>> -> memref<128xi32, #tpu.memory_space<hbm>>
      %dma_start3A_32 = arith.constant 0 : i32
      %dma_start3A_33 = tpu.memref_slice %arg4[%add3A_23, %dma_start3A_32] : memref<2536x128xi32, #tpu.memory_space<hbm>> -> memref<1x128xi32, #tpu.memory_space<hbm>>
      %dma_start3A_34 = tpu.memref_squeeze %dma_start3A_33 : memref<1x128xi32, #tpu.memory_space<hbm>> -> memref<128xi32, #tpu.memory_space<hbm>>
      tpu.enqueue_dma source(%dma_start3A_34 : memref<128xi32, #tpu.memory_space<hbm>>) target(%arg7 : memref<128xi32, #tpu.memory_space<vmem>>) target_semaphore(%arg14 : memref<!tpu.dma_semaphore, #tpu.memory_space<semaphore_mem>>)
      %scan3A_35 = arith.constant 0 : i32
      %scan3A_36 = arith.constant 24 : i32
      %scan3A_37 = arith.addi %scan3A_35, %scan3A_36 : i32
      %scan3A_38 = arith.constant 1 : i32
      scf.for %scan3A_51 = %scan3A_35 to %scan3A_37 step %scan3A_38  : i32 {
        %mul3A_52 = arith.constant 2 : i32
        %mul3A_53 = arith.muli %scan3A_51, %mul3A_52 : i32
        %add3A_54 = arith.constant 0 : i32
        %add3A_55 = arith.addi %add3A_54, %mul3A_53 : i32
        %add3A_56 = arith.addi %add3A_23, %add3A_55 : i32
        %add3A_57 = arith.constant 1 : i32
        %add3A_58 = arith.addi %add3A_56, %add3A_57 : i32
        %dma_start3A_59 = arith.constant 0 : i32
        %dma_start3A_60 = tpu.memref_slice %arg3[%add3A_58, %dma_start3A_59] : memref<2536x128xi32, #tpu.memory_space<hbm>> -> memref<1x128xi32, #tpu.memory_space<hbm>>
        %dma_start3A_61 = tpu.memref_squeeze %dma_start3A_60 : memref<1x128xi32, #tpu.memory_space<hbm>> -> memref<128xi32, #tpu.memory_space<hbm>>
        %dma_start3A_62 = arith.constant 0 : i32
        %dma_start3A_63 = tpu.memref_slice %arg3[%add3A_58, %dma_start3A_62] : memref<2536x128xi32, #tpu.memory_space<hbm>> -> memref<1x128xi32, #tpu.memory_space<hbm>>
        %dma_start3A_64 = tpu.memref_squeeze %dma_start3A_63 : memref<1x128xi32, #tpu.memory_space<hbm>> -> memref<128xi32, #tpu.memory_space<hbm>>
        tpu.enqueue_dma source(%dma_start3A_64 : memref<128xi32, #tpu.memory_space<hbm>>) target(%arg8 : memref<128xi32, #tpu.memory_space<vmem>>) target_semaphore(%arg15 : memref<!tpu.dma_semaphore, #tpu.memory_space<semaphore_mem>>)
        %add3A_65 = arith.addi %add3A_23, %add3A_55 : i32
        %add3A_66 = arith.constant 1 : i32
        %add3A_67 = arith.addi %add3A_65, %add3A_66 : i32
        %dma_start3A_68 = arith.constant 0 : i32
        %dma_start3A_69 = tpu.memref_slice %arg4[%add3A_67, %dma_start3A_68] : memref<2536x128xi32, #tpu.memory_space<hbm>> -> memref<1x128xi32, #tpu.memory_space<hbm>>
        %dma_start3A_70 = tpu.memref_squeeze %dma_start3A_69 : memref<1x128xi32, #tpu.memory_space<hbm>> -> memref<128xi32, #tpu.memory_space<hbm>>
        %dma_start3A_71 = arith.constant 0 : i32
        %dma_start3A_72 = tpu.memref_slice %arg4[%add3A_67, %dma_start3A_71] : memref<2536x128xi32, #tpu.memory_space<hbm>> -> memref<1x128xi32, #tpu.memory_space<hbm>>
        %dma_start3A_73 = tpu.memref_squeeze %dma_start3A_72 : memref<1x128xi32, #tpu.memory_space<hbm>> -> memref<128xi32, #tpu.memory_space<hbm>>
        tpu.enqueue_dma source(%dma_start3A_73 : memref<128xi32, #tpu.memory_space<hbm>>) target(%arg9 : memref<128xi32, #tpu.memory_space<vmem>>) target_semaphore(%arg16 : memref<!tpu.dma_semaphore, #tpu.memory_space<semaphore_mem>>)
        %dma_wait3A_74 = arith.constant 0 : i32
        %dma_wait3A_75 = tpu.memref_slice %arg3[%add3A_23, %dma_wait3A_74] : memref<2536x128xi32, #tpu.memory_space<hbm>> -> memref<1x128xi32, #tpu.memory_space<hbm>>
        %dma_wait3A_76 = tpu.memref_squeeze %dma_wait3A_75 : memref<1x128xi32, #tpu.memory_space<hbm>> -> memref<128xi32, #tpu.memory_space<hbm>>
        %dma_wait3A_77 = arith.constant 0 : i32
        %dma_wait3A_78 = tpu.memref_slice %arg3[%add3A_23, %dma_wait3A_77] : memref<2536x128xi32, #tpu.memory_space<hbm>> -> memref<1x128xi32, #tpu.memory_space<hbm>>
        %dma_wait3A_79 = tpu.memref_squeeze %dma_wait3A_78 : memref<1x128xi32, #tpu.memory_space<hbm>> -> memref<128xi32, #tpu.memory_space<hbm>>
        tpu.wait_dma2 semaphore(%arg13 : memref<!tpu.dma_semaphore, #tpu.memory_space<semaphore_mem>>) src(%dma_wait3A_79 : memref<128xi32, #tpu.memory_space<hbm>>) dst(%arg6 : memref<128xi32, #tpu.memory_space<vmem>>)
        %dma_wait3A_80 = arith.constant 0 : i32
        %dma_wait3A_81 = tpu.memref_slice %arg4[%add3A_23, %dma_wait3A_80] : memref<2536x128xi32, #tpu.memory_space<hbm>> -> memref<1x128xi32, #tpu.memory_space<hbm>>
        %dma_wait3A_82 = tpu.memref_squeeze %dma_wait3A_81 : memref<1x128xi32, #tpu.memory_space<hbm>> -> memref<128xi32, #tpu.memory_space<hbm>>
        %dma_wait3A_83 = arith.constant 0 : i32
        %dma_wait3A_84 = tpu.memref_slice %arg4[%add3A_23, %dma_wait3A_83] : memref<2536x128xi32, #tpu.memory_space<hbm>> -> memref<1x128xi32, #tpu.memory_space<hbm>>
        %dma_wait3A_85 = tpu.memref_squeeze %dma_wait3A_84 : memref<1x128xi32, #tpu.memory_space<hbm>> -> memref<128xi32, #tpu.memory_space<hbm>>
        tpu.wait_dma2 semaphore(%arg14 : memref<!tpu.dma_semaphore, #tpu.memory_space<semaphore_mem>>) src(%dma_wait3A_85 : memref<128xi32, #tpu.memory_space<hbm>>) dst(%arg7 : memref<128xi32, #tpu.memory_space<vmem>>)
        %dma_start3A_86 = arith.constant 0 : i32
        %dma_start3A_87 = arith.constant 0 : i32
        %dma_start3A_88 = tpu.memref_slice %arg2[%dma_start3A_86, %dma_start3A_87] : memref<10000x128xf32, #tpu.memory_space<hbm>> -> memref<10000x128xf32, #tpu.memory_space<hbm>>
        tpu.enqueue_indirect_dma source(%dma_start3A_88 : memref<10000x128xf32, #tpu.memory_space<hbm>>) target(%arg10 : memref<128x128xf32, #tpu.memory_space<vmem>>) offsets(%arg6 : memref<128xi32, #tpu.memory_space<vmem>>) semaphore(%arg12 : memref<!tpu.dma_semaphore, #tpu.memory_space<semaphore_mem>>)
        %dma_wait3A_89 = arith.constant 0 : i32
        %dma_wait3A_90 = arith.constant 0 : i32
        %dma_wait3A_91 = tpu.memref_slice %arg2[%dma_wait3A_89, %dma_wait3A_90] : memref<10000x128xf32, #tpu.memory_space<hbm>> -> memref<10000x128xf32, #tpu.memory_space<hbm>>
        tpu.wait_indirect_dma semaphore(%arg12 : memref<!tpu.dma_semaphore, #tpu.memory_space<semaphore_mem>>) src(%dma_wait3A_91 : memref<10000x128xf32, #tpu.memory_space<hbm>>) dst(%arg10 : memref<128x128xf32, #tpu.memory_space<vmem>>)
        "tpu.region"() ({
          %run_scoped3A = tpu.sem_alloc : memref<!tpu.dma_semaphore, #tpu.memory_space<semaphore_mem>>
          %dma_start3A_128 = arith.constant 0 : i32
          %dma_start3A_129 = arith.constant 0 : i32
          %dma_start3A_130 = tpu.memref_slice %arg11[%dma_start3A_128, %dma_start3A_129] : memref<10240x128xf32, #tpu.memory_space<vmem_shared>> -> memref<10240x128xf32, #tpu.memory_space<vmem_shared>>
          tpu.enqueue_indirect_dma source(%arg10 : memref<128x128xf32, #tpu.memory_space<vmem>>) target(%dma_start3A_130 : memref<10240x128xf32, #tpu.memory_space<vmem_shared>>) offsets(%arg7 : memref<128xi32, #tpu.memory_space<vmem>>) semaphore(%run_scoped3A : memref<!tpu.dma_semaphore, #tpu.memory_space<semaphore_mem>>) {add = true}
          %dma_wait3A_131 = arith.constant 0 : i32
          %dma_wait3A_132 = arith.constant 0 : i32
          %dma_wait3A_133 = tpu.memref_slice %arg11[%dma_wait3A_131, %dma_wait3A_132] : memref<10240x128xf32, #tpu.memory_space<vmem_shared>> -> memref<10240x128xf32, #tpu.memory_space<vmem_shared>>
          tpu.wait_indirect_dma semaphore(%run_scoped3A : memref<!tpu.dma_semaphore, #tpu.memory_space<semaphore_mem>>) src(%arg10 : memref<128x128xf32, #tpu.memory_space<vmem>>) dst(%dma_wait3A_133 : memref<10240x128xf32, #tpu.memory_space<vmem_shared>>)
          tpu.yield
        }) : () -> ()
        %add3A_92 = arith.addi %add3A_23, %add3A_55 : i32
        %add3A_93 = arith.constant 2 : i32
        %add3A_94 = arith.addi %add3A_92, %add3A_93 : i32
        %dma_start3A_95 = arith.constant 0 : i32
        %dma_start3A_96 = tpu.memref_slice %arg3[%add3A_94, %dma_start3A_95] : memref<2536x128xi32, #tpu.memory_space<hbm>> -> memref<1x128xi32, #tpu.memory_space<hbm>>
        %dma_start3A_97 = tpu.memref_squeeze %dma_start3A_96 : memref<1x128xi32, #tpu.memory_space<hbm>> -> memref<128xi32, #tpu.memory_space<hbm>>
        %dma_start3A_98 = arith.constant 0 : i32
        %dma_start3A_99 = tpu.memref_slice %arg3[%add3A_94, %dma_start3A_98] : memref<2536x128xi32, #tpu.memory_space<hbm>> -> memref<1x128xi32, #tpu.memory_space<hbm>>
        %dma_start3A_100 = tpu.memref_squeeze %dma_start3A_99 : memref<1x128xi32, #tpu.memory_space<hbm>> -> memref<128xi32, #tpu.memory_space<hbm>>
        tpu.enqueue_dma source(%dma_start3A_100 : memref<128xi32, #tpu.memory_space<hbm>>) target(%arg6 : memref<128xi32, #tpu.memory_space<vmem>>) target_semaphore(%arg13 : memref<!tpu.dma_semaphore, #tpu.memory_space<semaphore_mem>>)
        %add3A_101 = arith.addi %add3A_23, %add3A_55 : i32
        %add3A_102 = arith.constant 2 : i32
        %add3A_103 = arith.addi %add3A_101, %add3A_102 : i32
        %dma_start3A_104 = arith.constant 0 : i32
        %dma_start3A_105 = tpu.memref_slice %arg4[%add3A_103, %dma_start3A_104] : memref<2536x128xi32, #tpu.memory_space<hbm>> -> memref<1x128xi32, #tpu.memory_space<hbm>>
        %dma_start3A_106 = tpu.memref_squeeze %dma_start3A_105 : memref<1x128xi32, #tpu.memory_space<hbm>> -> memref<128xi32, #tpu.memory_space<hbm>>
        %dma_start3A_107 = arith.constant 0 : i32
        %dma_start3A_108 = tpu.memref_slice %arg4[%add3A_103, %dma_start3A_107] : memref<2536x128xi32, #tpu.memory_space<hbm>> -> memref<1x128xi32, #tpu.memory_space<hbm>>
        %dma_start3A_109 = tpu.memref_squeeze %dma_start3A_108 : memref<1x128xi32, #tpu.memory_space<hbm>> -> memref<128xi32, #tpu.memory_space<hbm>>
        tpu.enqueue_dma source(%dma_start3A_109 : memref<128xi32, #tpu.memory_space<hbm>>) target(%arg7 : memref<128xi32, #tpu.memory_space<vmem>>) target_semaphore(%arg14 : memref<!tpu.dma_semaphore, #tpu.memory_space<semaphore_mem>>)
        %dma_wait3A_110 = arith.constant 0 : i32
        %dma_wait3A_111 = tpu.memref_slice %arg3[%add3A_23, %dma_wait3A_110] : memref<2536x128xi32, #tpu.memory_space<hbm>> -> memref<1x128xi32, #tpu.memory_space<hbm>>
        %dma_wait3A_112 = tpu.memref_squeeze %dma_wait3A_111 : memref<1x128xi32, #tpu.memory_space<hbm>> -> memref<128xi32, #tpu.memory_space<hbm>>
        %dma_wait3A_113 = arith.constant 0 : i32
        %dma_wait3A_114 = tpu.memref_slice %arg3[%add3A_23, %dma_wait3A_113] : memref<2536x128xi32, #tpu.memory_space<hbm>> -> memref<1x128xi32, #tpu.memory_space<hbm>>
        %dma_wait3A_115 = tpu.memref_squeeze %dma_wait3A_114 : memref<1x128xi32, #tpu.memory_space<hbm>> -> memref<128xi32, #tpu.memory_space<hbm>>
        tpu.wait_dma2 semaphore(%arg15 : memref<!tpu.dma_semaphore, #tpu.memory_space<semaphore_mem>>) src(%dma_wait3A_115 : memref<128xi32, #tpu.memory_space<hbm>>) dst(%arg8 : memref<128xi32, #tpu.memory_space<vmem>>)
        %dma_wait3A_116 = arith.constant 0 : i32
        %dma_wait3A_117 = tpu.memref_slice %arg4[%add3A_23, %dma_wait3A_116] : memref<2536x128xi32, #tpu.memory_space<hbm>> -> memref<1x128xi32, #tpu.memory_space<hbm>>
        %dma_wait3A_118 = tpu.memref_squeeze %dma_wait3A_117 : memref<1x128xi32, #tpu.memory_space<hbm>> -> memref<128xi32, #tpu.memory_space<hbm>>
        %dma_wait3A_119 = arith.constant 0 : i32
        %dma_wait3A_120 = tpu.memref_slice %arg4[%add3A_23, %dma_wait3A_119] : memref<2536x128xi32, #tpu.memory_space<hbm>> -> memref<1x128xi32, #tpu.memory_space<hbm>>
        %dma_wait3A_121 = tpu.memref_squeeze %dma_wait3A_120 : memref<1x128xi32, #tpu.memory_space<hbm>> -> memref<128xi32, #tpu.memory_space<hbm>>
        tpu.wait_dma2 semaphore(%arg16 : memref<!tpu.dma_semaphore, #tpu.memory_space<semaphore_mem>>) src(%dma_wait3A_121 : memref<128xi32, #tpu.memory_space<hbm>>) dst(%arg9 : memref<128xi32, #tpu.memory_space<vmem>>)
        %dma_start3A_122 = arith.constant 0 : i32
        %dma_start3A_123 = arith.constant 0 : i32
        %dma_start3A_124 = tpu.memref_slice %arg2[%dma_start3A_122, %dma_start3A_123] : memref<10000x128xf32, #tpu.memory_space<hbm>> -> memref<10000x128xf32, #tpu.memory_space<hbm>>
        tpu.enqueue_indirect_dma source(%dma_start3A_124 : memref<10000x128xf32, #tpu.memory_space<hbm>>) target(%arg10 : memref<128x128xf32, #tpu.memory_space<vmem>>) offsets(%arg8 : memref<128xi32, #tpu.memory_space<vmem>>) semaphore(%arg12 : memref<!tpu.dma_semaphore, #tpu.memory_space<semaphore_mem>>)
        %dma_wait3A_125 = arith.constant 0 : i32
        %dma_wait3A_126 = arith.constant 0 : i32
        %dma_wait3A_127 = tpu.memref_slice %arg2[%dma_wait3A_125, %dma_wait3A_126] : memref<10000x128xf32, #tpu.memory_space<hbm>> -> memref<10000x128xf32, #tpu.memory_space<hbm>>
        tpu.wait_indirect_dma semaphore(%arg12 : memref<!tpu.dma_semaphore, #tpu.memory_space<semaphore_mem>>) src(%dma_wait3A_127 : memref<10000x128xf32, #tpu.memory_space<hbm>>) dst(%arg10 : memref<128x128xf32, #tpu.memory_space<vmem>>)
        "tpu.region"() ({
          %run_scoped3A = tpu.sem_alloc : memref<!tpu.dma_semaphore, #tpu.memory_space<semaphore_mem>>
          %dma_start3A_128 = arith.constant 0 : i32
          %dma_start3A_129 = arith.constant 0 : i32
          %dma_start3A_130 = tpu.memref_slice %arg11[%dma_start3A_128, %dma_start3A_129] : memref<10240x128xf32, #tpu.memory_space<vmem_shared>> -> memref<10240x128xf32, #tpu.memory_space<vmem_shared>>
          tpu.enqueue_indirect_dma source(%arg10 : memref<128x128xf32, #tpu.memory_space<vmem>>) target(%dma_start3A_130 : memref<10240x128xf32, #tpu.memory_space<vmem_shared>>) offsets(%arg9 : memref<128xi32, #tpu.memory_space<vmem>>) semaphore(%run_scoped3A : memref<!tpu.dma_semaphore, #tpu.memory_space<semaphore_mem>>) {add = true}
          %dma_wait3A_131 = arith.constant 0 : i32
          %dma_wait3A_132 = arith.constant 0 : i32
          %dma_wait3A_133 = tpu.memref_slice %arg11[%dma_wait3A_131, %dma_wait3A_132] : memref<10240x128xf32, #tpu.memory_space<vmem_shared>> -> memref<10240x128xf32, #tpu.memory_space<vmem_shared>>
          tpu.wait_indirect_dma semaphore(%run_scoped3A : memref<!tpu.dma_semaphore, #tpu.memory_space<semaphore_mem>>) src(%arg10 : memref<128x128xf32, #tpu.memory_space<vmem>>) dst(%dma_wait3A_133 : memref<10240x128xf32, #tpu.memory_space<vmem_shared>>)
          tpu.yield
        }) : () -> ()
      }
      %scan3A_39 = arith.constant 24 : i32
      %dma_wait3A = arith.constant 0 : i32
      %dma_wait3A_40 = tpu.memref_slice %arg3[%add3A_23, %dma_wait3A] : memref<2536x128xi32, #tpu.memory_space<hbm>> -> memref<1x128xi32, #tpu.memory_space<hbm>>
      %dma_wait3A_41 = tpu.memref_squeeze %dma_wait3A_40 : memref<1x128xi32, #tpu.memory_space<hbm>> -> memref<128xi32, #tpu.memory_space<hbm>>
      %dma_wait3A_42 = arith.constant 0 : i32
      %dma_wait3A_43 = tpu.memref_slice %arg3[%add3A_23, %dma_wait3A_42] : memref<2536x128xi32, #tpu.memory_space<hbm>> -> memref<1x128xi32, #tpu.memory_space<hbm>>
      %dma_wait3A_44 = tpu.memref_squeeze %dma_wait3A_43 : memref<1x128xi32, #tpu.memory_space<hbm>> -> memref<128xi32, #tpu.memory_space<hbm>>
      tpu.wait_dma2 semaphore(%arg13 : memref<!tpu.dma_semaphore, #tpu.memory_space<semaphore_mem>>) src(%dma_wait3A_44 : memref<128xi32, #tpu.memory_space<hbm>>) dst(%arg6 : memref<128xi32, #tpu.memory_space<vmem>>)
      %dma_wait3A_45 = arith.constant 0 : i32
      %dma_wait3A_46 = tpu.memref_slice %arg4[%add3A_23, %dma_wait3A_45] : memref<2536x128xi32, #tpu.memory_space<hbm>> -> memref<1x128xi32, #tpu.memory_space<hbm>>
      %dma_wait3A_47 = tpu.memref_squeeze %dma_wait3A_46 : memref<1x128xi32, #tpu.memory_space<hbm>> -> memref<128xi32, #tpu.memory_space<hbm>>
      %dma_wait3A_48 = arith.constant 0 : i32
      %dma_wait3A_49 = tpu.memref_slice %arg4[%add3A_23, %dma_wait3A_48] : memref<2536x128xi32, #tpu.memory_space<hbm>> -> memref<1x128xi32, #tpu.memory_space<hbm>>
      %dma_wait3A_50 = tpu.memref_squeeze %dma_wait3A_49 : memref<1x128xi32, #tpu.memory_space<hbm>> -> memref<128xi32, #tpu.memory_space<hbm>>
      tpu.wait_dma2 semaphore(%arg14 : memref<!tpu.dma_semaphore, #tpu.memory_space<semaphore_mem>>) src(%dma_wait3A_50 : memref<128xi32, #tpu.memory_space<hbm>>) dst(%arg7 : memref<128xi32, #tpu.memory_space<vmem>>)
    } else {
    }
    %barrier3A_17 = arith.constant 0 : index
    tpu.barrier barrier_id(%barrier3A_17)
    %mul3A = arith.constant 640 : i32
    %mul3A_18 = arith.muli %arg1, %mul3A : i32
    %mul3A_19 = arith.constant 640 : i32
    %mul3A_20 = arith.muli %arg1, %mul3A_19 : i32
    "tpu.region"() ({
      %run_scoped3A = tpu.sem_alloc : memref<!tpu.dma_semaphore, #tpu.memory_space<semaphore_mem>>
      %dma_start3A = arith.constant 0 : i32
      %dma_start3A_21 = tpu.memref_slice %arg5[%arg0, %mul3A_20, %dma_start3A] : memref<2x10240x128xf32, #tpu.memory_space<hbm>> -> memref<1x640x128xf32, #tpu.memory_space<hbm>>
      %dma_start3A_22 = tpu.memref_squeeze %dma_start3A_21 : memref<1x640x128xf32, #tpu.memory_space<hbm>> -> memref<640x128xf32, #tpu.memory_space<hbm>>
      %dma_start3A_23 = arith.constant 0 : i32
      %dma_start3A_24 = tpu.memref_slice %arg11[%mul3A_18, %dma_start3A_23] : memref<10240x128xf32, #tpu.memory_space<vmem_shared>> -> memref<640x128xf32, #tpu.memory_space<vmem_shared>>
      tpu.enqueue_dma source(%dma_start3A_24 : memref<640x128xf32, #tpu.memory_space<vmem_shared>>) target(%dma_start3A_22 : memref<640x128xf32, #tpu.memory_space<hbm>>) target_semaphore(%run_scoped3A : memref<!tpu.dma_semaphore, #tpu.memory_space<semaphore_mem>>)
      %dma_wait3A = arith.constant 0 : i32
      %dma_wait3A_25 = tpu.memref_slice %arg5[%arg0, %mul3A_20, %dma_wait3A] : memref<2x10240x128xf32, #tpu.memory_space<hbm>> -> memref<1x640x128xf32, #tpu.memory_space<hbm>>
      %dma_wait3A_26 = tpu.memref_squeeze %dma_wait3A_25 : memref<1x640x128xf32, #tpu.memory_space<hbm>> -> memref<640x128xf32, #tpu.memory_space<hbm>>
      %dma_wait3A_27 = arith.constant 0 : i32
      %dma_wait3A_28 = tpu.memref_slice %arg11[%mul3A_18, %dma_wait3A_27] : memref<10240x128xf32, #tpu.memory_space<vmem_shared>> -> memref<640x128xf32, #tpu.memory_space<vmem_shared>>
      tpu.wait_dma2 semaphore(%run_scoped3A : memref<!tpu.dma_semaphore, #tpu.memory_space<semaphore_mem>>) src(%dma_wait3A_28 : memref<640x128xf32, #tpu.memory_space<vmem_shared>>) dst(%dma_wait3A_26 : memref<640x128xf32, #tpu.memory_space<hbm>>)
      tpu.yield
    }) : () -> ()
    return
  }
}

module attributes {stable_mosaic.version = 14 : i64} {
  func.func @_root_body(%arg0: i32, %arg1: memref<1024x128xf32, #tpu.memory_space<vmem>>, %arg2: memref<128x128xf32, #tpu.memory_space<vmem>>, %arg3: memref<1024x128xf32, #tpu.memory_space<vmem>>) attributes {dimension_semantics = [#tpu.dimension_semantics<arbitrary>], iteration_bounds = array<i64: 10>, scalar_prefetch = 0 : i64, scratch_operands = 0 : i64, tpu.core_type = #tpu.core_type<tc>, window_params = [{transform_indices = @transform_0, window_bounds = array<i64: 1024, 128>}, {pipeline_mode = #tpu.pipeline_mode<synchronous>, transform_indices = @transform_1, window_bounds = array<i64: 128, 128>}, {transform_indices = @transform_2, window_bounds = array<i64: 1024, 128>}]} {
    %get3A = arith.constant 0 : index
    %get3A_0 = arith.constant 0 : index
    %get3A_1 = vector.load %arg1[%get3A, %get3A_0] : memref<1024x128xf32, #tpu.memory_space<vmem>>, vector<1024x128xf32>
    %get3A_2 = arith.constant 0 : index
    %get3A_3 = arith.constant 0 : index
    %get3A_4 = vector.load %arg2[%get3A_2, %get3A_3] : memref<128x128xf32, #tpu.memory_space<vmem>>, vector<128x128xf32>
    %dot_general3A = arith.constant dense<0.000000e+00> : vector<1024x128xf32>
    %dot_general3A_5 = tpu.matmul %get3A_1, %get3A_4, %dot_general3A {dimension_numbers = #tpu.dot_dimension_numbers<[1], [1], [0], [0], [0, 0, 1, 0], [], []>, precision = #tpu.contract_precision<fp32>, transpose_lhs_hint = false} : vector<1024x128xf32>, vector<128x128xf32>, vector<1024x128xf32> -> vector<1024x128xf32>
    %swap3A = arith.constant 0 : index
    %swap3A_6 = arith.constant 0 : index
    %swap3A_7 = vector.load %arg3[%swap3A, %swap3A_6] : memref<1024x128xf32, #tpu.memory_space<vmem>>, vector<1024x128xf32>
    tpu.vector_store %arg3[%swap3A, %swap3A_6], %dot_general3A_5 {strides = array<i32>} : memref<1024x128xf32, #tpu.memory_space<vmem>>, vector<1024x128xf32>,
    return
  }
  func.func @transform_0(%arg0: i32) -> (i32, i32) {
    %c0_i32 = arith.constant 0 : i32
    %c0_i32_0 = arith.constant 0 : i32
    return %arg0, %c0_i32 : i32, i32
  }
  func.func @transform_1(%arg0: i32) -> (i32, i32) {
    %c0_i32 = arith.constant 0 : i32
    %c0_i32_0 = arith.constant 0 : i32
    %c0_i32_1 = arith.constant 0 : i32
    return %c0_i32, %c0_i32_0 : i32, i32
  }
  func.func @transform_2(%arg0: i32) -> (i32, i32) {
    %c0_i32 = arith.constant 0 : i32
    %c0_i32_0 = arith.constant 0 : i32
    return %arg0, %c0_i32 : i32, i32
  }
}

module attributes {stable_mosaic.version = 14 : i64} {
  func.func @_combine_body(%arg0: i32, %arg1: memref<2x1024x128xf32, #tpu.memory_space<vmem>>, %arg2: memref<1024x1xf32, #tpu.memory_space<vmem>>, %arg3: memref<1024x128xf32, #tpu.memory_space<vmem>>, %arg4: memref<128x128xf32, #tpu.memory_space<vmem>>, %arg5: memref<1x128xf32, #tpu.memory_space<vmem>>, %arg6: memref<1024x128xf32, #tpu.memory_space<vmem>>) attributes {dimension_semantics = [#tpu.dimension_semantics<arbitrary>], iteration_bounds = array<i64: 10>, scalar_prefetch = 0 : i64, scratch_operands = 0 : i64, tpu.core_type = #tpu.core_type<tc>, window_params = [{transform_indices = @transform_0, window_bounds = array<i64: 2, 1024, 128>}, {transform_indices = @transform_1, window_bounds = array<i64: 1024, 1>}, {transform_indices = @transform_2, window_bounds = array<i64: 1024, 128>}, {pipeline_mode = #tpu.pipeline_mode<synchronous>, transform_indices = @transform_3, window_bounds = array<i64: 128, 128>}, {pipeline_mode = #tpu.pipeline_mode<synchronous>, transform_indices = @transform_4, window_bounds = array<i64: 1, 128>}, {transform_indices = @transform_5, window_bounds = array<i64: 1024, 128>}]} {
    %get3A = arith.constant 0 : index
    %get3A_0 = arith.constant 0 : index
    %get3A_1 = arith.constant 0 : index
    %get3A_2 = vector.load %arg1[%get3A, %get3A_0, %get3A_1] : memref<2x1024x128xf32, #tpu.memory_space<vmem>>, vector<1x1024x128xf32>
    %get3A_3 = vector.shape_cast %get3A_2 : vector<1x1024x128xf32> to vector<1024x128xf32>
    %get3A_4 = arith.constant 1 : index
    %get3A_5 = arith.constant 0 : index
    %get3A_6 = arith.constant 0 : index
    %get3A_7 = vector.load %arg1[%get3A_4, %get3A_5, %get3A_6] : memref<2x1024x128xf32, #tpu.memory_space<vmem>>, vector<1x1024x128xf32>
    %get3A_8 = vector.shape_cast %get3A_7 : vector<1x1024x128xf32> to vector<1024x128xf32>
    %add3A = arith.addf %get3A_3, %get3A_8 : vector<1024x128xf32>
    %get3A_9 = arith.constant 0 : index
    %get3A_10 = arith.constant 0 : index
    %get3A_11 = vector.load %arg2[%get3A_9, %get3A_10] : memref<1024x1xf32, #tpu.memory_space<vmem>>, vector<1024x1xf32>
    %max3A = arith.constant 1.000000e+00 : f32
    %max3A_12 = vector.broadcast %max3A : f32 to vector<1024x1xf32>
    %max3A_13 = arith.maximumf %get3A_11, %max3A_12 : vector<1024x1xf32>
    %div3A = vector.broadcast %max3A_13 : vector<1024x1xf32> to vector<1024x128xf32>
    %div3A_14 = arith.divf %add3A, %div3A : vector<1024x128xf32>
    %get3A_15 = arith.constant 0 : index
    %get3A_16 = arith.constant 0 : index
    %get3A_17 = vector.load %arg4[%get3A_15, %get3A_16] : memref<128x128xf32, #tpu.memory_space<vmem>>, vector<128x128xf32>
    %dot_general3A = arith.constant dense<0.000000e+00> : vector<1024x128xf32>
    %dot_general3A_18 = tpu.matmul %div3A_14, %get3A_17, %dot_general3A {dimension_numbers = #tpu.dot_dimension_numbers<[1], [1], [0], [0], [0, 0, 1, 0], [], []>, precision = #tpu.contract_precision<fp32>, transpose_lhs_hint = false} : vector<1024x128xf32>, vector<128x128xf32>, vector<1024x128xf32> -> vector<1024x128xf32>
    %get3A_19 = arith.constant 0 : index
    %get3A_20 = arith.constant 0 : index
    %get3A_21 = vector.load %arg5[%get3A_19, %get3A_20] : memref<1x128xf32, #tpu.memory_space<vmem>>, vector<1x128xf32>
    %add3A_22 = vector.broadcast %get3A_21 : vector<1x128xf32> to vector<1024x128xf32>
    %add3A_23 = arith.addf %dot_general3A_18, %add3A_22 : vector<1024x128xf32>
    %get3A_24 = arith.constant 0 : index
    %get3A_25 = arith.constant 0 : index
    %get3A_26 = vector.load %arg3[%get3A_24, %get3A_25] : memref<1024x128xf32, #tpu.memory_space<vmem>>, vector<1024x128xf32>
    %add3A_27 = arith.addf %add3A_23, %get3A_26 : vector<1024x128xf32>
    %max3A_28 = arith.constant 0.000000e+00 : f32
    %max3A_29 = vector.broadcast %max3A_28 : f32 to vector<1024x128xf32>
    %max3A_30 = arith.maximumf %add3A_27, %max3A_29 : vector<1024x128xf32>
    %swap3A = arith.constant 0 : index
    %swap3A_31 = arith.constant 0 : index
    %swap3A_32 = vector.load %arg6[%swap3A, %swap3A_31] : memref<1024x128xf32, #tpu.memory_space<vmem>>, vector<1024x128xf32>
    tpu.vector_store %arg6[%swap3A, %swap3A_31], %max3A_30 {strides = array<i32>} : memref<1024x128xf32, #tpu.memory_space<vmem>>, vector<1024x128xf32>,
    return
  }
  func.func @transform_0(%arg0: i32) -> (i32, i32, i32) {
    %c0_i32 = arith.constant 0 : i32
    %c0_i32_0 = arith.constant 0 : i32
    %c0_i32_1 = arith.constant 0 : i32
    return %c0_i32, %arg0, %c0_i32_0 : i32, i32, i32
  }
  func.func @transform_1(%arg0: i32) -> (i32, i32) {
    %c0_i32 = arith.constant 0 : i32
    %c0_i32_0 = arith.constant 0 : i32
    return %arg0, %c0_i32 : i32, i32
  }
  func.func @transform_2(%arg0: i32) -> (i32, i32) {
    %c0_i32 = arith.constant 0 : i32
    %c0_i32_0 = arith.constant 0 : i32
    return %arg0, %c0_i32 : i32, i32
  }
  func.func @transform_3(%arg0: i32) -> (i32, i32) {
    %c0_i32 = arith.constant 0 : i32
    %c0_i32_0 = arith.constant 0 : i32
    %c0_i32_1 = arith.constant 0 : i32
    return %c0_i32, %c0_i32_0 : i32, i32
  }
  func.func @transform_4(%arg0: i32) -> (i32, i32) {
    %c0_i32 = arith.constant 0 : i32
    %c0_i32_0 = arith.constant 0 : i32
    %c0_i32_1 = arith.constant 0 : i32
    return %c0_i32, %c0_i32_0 : i32, i32
  }
  func.func @transform_5(%arg0: i32) -> (i32, i32) {
    %c0_i32 = arith.constant 0 : i32
    %c0_i32_0 = arith.constant 0 : i32
    return %arg0, %c0_i32 : i32, i32
  }
}

module attributes {stable_mosaic.version = 14 : i64} {
  func.func @_combine_body(%arg0: i32, %arg1: memref<2x1024x128xf32, #tpu.memory_space<vmem>>, %arg2: memref<1024x1xf32, #tpu.memory_space<vmem>>, %arg3: memref<1024x128xf32, #tpu.memory_space<vmem>>, %arg4: memref<128x128xf32, #tpu.memory_space<vmem>>, %arg5: memref<1x128xf32, #tpu.memory_space<vmem>>, %arg6: memref<1024x128xf32, #tpu.memory_space<vmem>>) attributes {dimension_semantics = [#tpu.dimension_semantics<arbitrary>], iteration_bounds = array<i64: 10>, scalar_prefetch = 0 : i64, scratch_operands = 0 : i64, tpu.core_type = #tpu.core_type<tc>, window_params = [{transform_indices = @transform_0, window_bounds = array<i64: 2, 1024, 128>}, {transform_indices = @transform_1, window_bounds = array<i64: 1024, 1>}, {transform_indices = @transform_2, window_bounds = array<i64: 1024, 128>}, {pipeline_mode = #tpu.pipeline_mode<synchronous>, transform_indices = @transform_3, window_bounds = array<i64: 128, 128>}, {pipeline_mode = #tpu.pipeline_mode<synchronous>, transform_indices = @transform_4, window_bounds = array<i64: 1, 128>}, {transform_indices = @transform_5, window_bounds = array<i64: 1024, 128>}]} {
    %get3A = arith.constant 0 : index
    %get3A_0 = arith.constant 0 : index
    %get3A_1 = arith.constant 0 : index
    %get3A_2 = vector.load %arg1[%get3A, %get3A_0, %get3A_1] : memref<2x1024x128xf32, #tpu.memory_space<vmem>>, vector<1x1024x128xf32>
    %get3A_3 = vector.shape_cast %get3A_2 : vector<1x1024x128xf32> to vector<1024x128xf32>
    %get3A_4 = arith.constant 1 : index
    %get3A_5 = arith.constant 0 : index
    %get3A_6 = arith.constant 0 : index
    %get3A_7 = vector.load %arg1[%get3A_4, %get3A_5, %get3A_6] : memref<2x1024x128xf32, #tpu.memory_space<vmem>>, vector<1x1024x128xf32>
    %get3A_8 = vector.shape_cast %get3A_7 : vector<1x1024x128xf32> to vector<1024x128xf32>
    %add3A = arith.addf %get3A_3, %get3A_8 : vector<1024x128xf32>
    %get3A_9 = arith.constant 0 : index
    %get3A_10 = arith.constant 0 : index
    %get3A_11 = vector.load %arg2[%get3A_9, %get3A_10] : memref<1024x1xf32, #tpu.memory_space<vmem>>, vector<1024x1xf32>
    %max3A = arith.constant 1.000000e+00 : f32
    %max3A_12 = vector.broadcast %max3A : f32 to vector<1024x1xf32>
    %max3A_13 = arith.maximumf %get3A_11, %max3A_12 : vector<1024x1xf32>
    %div3A = vector.broadcast %max3A_13 : vector<1024x1xf32> to vector<1024x128xf32>
    %div3A_14 = arith.divf %add3A, %div3A : vector<1024x128xf32>
    %get3A_15 = arith.constant 0 : index
    %get3A_16 = arith.constant 0 : index
    %get3A_17 = vector.load %arg4[%get3A_15, %get3A_16] : memref<128x128xf32, #tpu.memory_space<vmem>>, vector<128x128xf32>
    %dot_general3A = arith.constant dense<0.000000e+00> : vector<1024x128xf32>
    %dot_general3A_18 = tpu.matmul %div3A_14, %get3A_17, %dot_general3A {dimension_numbers = #tpu.dot_dimension_numbers<[1], [1], [0], [0], [0, 0, 1, 0], [], []>, precision = #tpu.contract_precision<fp32>, transpose_lhs_hint = false} : vector<1024x128xf32>, vector<128x128xf32>, vector<1024x128xf32> -> vector<1024x128xf32>
    %get3A_19 = arith.constant 0 : index
    %get3A_20 = arith.constant 0 : index
    %get3A_21 = vector.load %arg5[%get3A_19, %get3A_20] : memref<1x128xf32, #tpu.memory_space<vmem>>, vector<1x128xf32>
    %add3A_22 = vector.broadcast %get3A_21 : vector<1x128xf32> to vector<1024x128xf32>
    %add3A_23 = arith.addf %dot_general3A_18, %add3A_22 : vector<1024x128xf32>
    %get3A_24 = arith.constant 0 : index
    %get3A_25 = arith.constant 0 : index
    %get3A_26 = vector.load %arg3[%get3A_24, %get3A_25] : memref<1024x128xf32, #tpu.memory_space<vmem>>, vector<1024x128xf32>
    %add3A_27 = arith.addf %add3A_23, %get3A_26 : vector<1024x128xf32>
    %swap3A = arith.constant 0 : index
    %swap3A_28 = arith.constant 0 : index
    %swap3A_29 = vector.load %arg6[%swap3A, %swap3A_28] : memref<1024x128xf32, #tpu.memory_space<vmem>>, vector<1024x128xf32>
    tpu.vector_store %arg6[%swap3A, %swap3A_28], %add3A_27 {strides = array<i32>} : memref<1024x128xf32, #tpu.memory_space<vmem>>, vector<1024x128xf32>,
    return
  }
  func.func @transform_0(%arg0: i32) -> (i32, i32, i32) {
    %c0_i32 = arith.constant 0 : i32
    %c0_i32_0 = arith.constant 0 : i32
    %c0_i32_1 = arith.constant 0 : i32
    return %c0_i32, %arg0, %c0_i32_0 : i32, i32, i32
  }
  func.func @transform_1(%arg0: i32) -> (i32, i32) {
    %c0_i32 = arith.constant 0 : i32
    %c0_i32_0 = arith.constant 0 : i32
    return %arg0, %c0_i32 : i32, i32
  }
  func.func @transform_2(%arg0: i32) -> (i32, i32) {
    %c0_i32 = arith.constant 0 : i32
    %c0_i32_0 = arith.constant 0 : i32
    return %arg0, %c0_i32 : i32, i32
  }
  func.func @transform_3(%arg0: i32) -> (i32, i32) {
    %c0_i32 = arith.constant 0 : i32
    %c0_i32_0 = arith.constant 0 : i32
    %c0_i32_1 = arith.constant 0 : i32
    return %c0_i32, %c0_i32_0 : i32, i32
  }
  func.func @transform_4(%arg0: i32) -> (i32, i32) {
    %c0_i32 = arith.constant 0 : i32
    %c0_i32_0 = arith.constant 0 : i32
    %c0_i32_1 = arith.constant 0 : i32
    return %c0_i32, %c0_i32_0 : i32, i32
  }
  func.func @transform_5(%arg0: i32) -> (i32, i32) {
    %c0_i32 = arith.constant 0 : i32
    %c0_i32_0 = arith.constant 0 : i32
    return %arg0, %c0_i32 : i32, i32
  }
}

</mosaic_0001>

<sc_bundles>
// kernel: sc_counts.3.cloned.1.call-start
scs
__scs_entry_jumppad:
0x0: {  	(pc) =	sbr.rel $0x88, $3  }
0x1: {  	(tag) =	ssettag $0x0;
	lr =	simm.s32 $0x1  }
0x2: {  	[smem:$0x3F96] =	sst lr;
	_ =	strace $0xD0000000  }
0x3: {  	_ = 	snop  }
0x4: {  	_ = 	snop  }
0x5: {  	_ = 	snop  }
0x6: {  	_ = 	snop  }
0x7: {  	_ = 	snop  }
__scs_overlays_trampoline_lowered:
0x8: {  	[smem:$0x3FA5] =	sst s0  }
0x9: {  	[smem:$0x3FA6] =	sst s1  }
0xa: {  	[smem:$0x3FA7] =	sst s2  }
0xb: {  	[smem:$0x3FA8] =	sst s3  }
0xc: {  	[smem:$0x3FA9] =	sst s4  }
0xd: {  	[smem:$0x3FAA] =	sst s5  }
0xe: {  	[smem:$0x3FAB] =	sst s6  }
0xf: {  	[smem:$0x3FAC] =	sst s7  }
0x10: {  	[smem:$0x3FAD] =	sst s8  }
0x11: {  	[smem:$0x3FAE] =	sst s9;
	s0 =	simm.s32 @!p0 $0x0  }
0x12: {  	s1 =	sld [smem:$0x3F94];
	s0 =	simm.s32 @p0 $0x1  }
0x13: {  	[smem:$0x3FAF] =	sst s0;
	s0 =	simm.s32 @!p1 $0x0  }
0x14: {  	s2 =	sld [smem:$0x3F93];
	s0 =	simm.s32 @p1 $0x1  }
0x15: {  	[smem:$0x3FB0] =	sst s0;
	s0 =	simm.s32 @!p2 $0x0  }
0x16: {  	s3 =	sld [smem:$0x3FDB];
	s0 =	simm.s32 @p2 $0x1  }
0x17: {  	s4 =	simm.s32 $0x1BF5;
	[smem:$0x3FB2] =	sst s0  }
0x18: {  	s0 =	sld [smem:$0x3F95];
	_ =	swait.ge [sflag:s4], $0x0  }
0x19: {  	s7 =	sld [smem:$0x3F96]  }
0x1a: {  	s8 =	sadd.s32 $0xFFFFE003, lr  }
0x1b: {  	s9 =	sadd.s32 $0xFFFFFEF7, lr;
	s5 =	simm.s32 $0xFFFFFFFF;
	p2 =	slt.u32 s8, $0xFFFFF086  }
0x1c: {  	p1 =	slt.u32 s9, $0xF7A;
	s5 =	simm.s32 @!p2 $0x0  }
0x1d: {  	s5 =	simm.s32 @p1 $0x1;
	p0 =	seq.s32 s7, s2  }
0x1e: {  	s7 =	smul.u32 @!p0 $0xF7A, s2;
	p2 =	seq.s32 @!p0 s5, $0x0  }
0x1f: {  	s9 =	smul.u32 $0xF7A, s1;
	s8 =	simm.s32 @!p0 $0x1BF5;
	p2 =	por !p2, p0  }
0x20: {  	[sflag:s8] =	ssyncset.s32 @!p0 $0xFFFFF086;
	s6 =	sadd.s32 @!p0 s3, s7;
	s7 =	simm.s32 @!p0 $0x108  }
0x21: {  	s3 =	sadd.s32 s3, s9;
	s6 =	sadd.s32 @!p0 $0x88, s6;
	s7 =	simm.s32 @p2 $0x1082  }
0x22: {  	[simem:s7], [sflag:s8] =	dma.local @!p0 [hbm:s6], $0xF7A  }
0x23: {  	s9 =	sor.u32 $0xD0000000, s2;
	s6 =	simm.s32 $0x108;
	_ =	swait.ge @!p0 [sflag:s8], $0x0  }
0x24: {  	s3 =	sadd.s32 $0x88, s3;
	s6 =	simm.s32 @!p1 $0x1082;
	[sflag:s4] =	ssyncset.s32 $0xFFFFF086  }
0x25: {  	[simem:s6], [sflag:s4] =	dma.local [hbm:s3], $0xF7A  }
0x26: {  	[smem:$0x3F96] =	sst s1;
	(tag) =	ssettag s2;
	_ =	strace s9  }
0x27: {  	s1 =	sld [smem:$0x3FA6]  }
0x28: {  	s2 =	sld [smem:$0x3FA7]  }
0x29: {  	s4 =	sld [smem:$0x3FA9]  }
0x2a: {  	p0 =	seq.s32 s5, $0x0;
	s5 =	sld [smem:$0x3FAA]  }
0x2b: {  	s6 =	sld [smem:$0x3FAB]  }
0x2c: {  	s7 =	sld [smem:$0x3FAC]  }
0x2d: {  	s3 =	simm.s32 $0x108;
	s8 =	sld [smem:$0x3FAD]  }
0x2e: {  	s3 =	simm.s32 @!p0 $0x1082;
	s9 =	sld [smem:$0x3FAE]  }
0x2f: {  	lr =	sadd.s32 s0, s3;
	s0 =	sld [smem:$0x3FA5]  }
0x30: {  	s3 =	sld [smem:$0x3FA8]  }
0x31: {  	[smem:$0x3FB1] =	sst s10  }
0x32: {  	s10 =	sld [smem:$0x3FAF];
	_ =	sdelay $0x3  }
0x33: {  	p0 =	seq.s32 s10, $0x1;
	s10 =	sld [smem:$0x3FB1];
	_ =	sdelay $0x3  }
0x34: {  	[smem:$0x3FB1] =	sst s10  }
0x35: {  	s10 =	sld [smem:$0x3FB0];
	_ =	sdelay $0x3  }
0x36: {  	p1 =	seq.s32 s10, $0x1;
	s10 =	sld [smem:$0x3FB1];
	_ =	sdelay $0x3  }
0x37: {  	[smem:$0x3FB1] =	sst s10  }
0x38: {  	s10 =	sld [smem:$0x3FB2]  }
0x39: {  	_ = 	snop;
	(pc) =	sbr.ind lr, $3  }
0x3a: {  	_ = 	snop  }
0x3b: {  	_ = 	snop  }
0x3c: {  	p2 =	seq.s32 s10, $0x1;
	s10 =	sld [smem:$0x3FB1]  }
0x3d: {  	_ =	shalt  }
0x3e: {  	_ =	shalt  }
0x3f: {  	_ =	shalt  }
0x40: {  	_ =	shalt  }
0x41: {  	_ =	shalt  }
0x42: {  	_ =	shalt  }
0x43: {  	_ =	shalt  }
0x44: {  	_ =	shalt  }
0x45: {  	_ =	shalt  }
0x46: {  	_ =	shalt  }
0x47: {  	_ =	shalt  }
0x48: {  	_ =	shalt  }
0x49: {  	_ =	shalt  }
0x4a: {  	_ =	shalt  }
0x4b: {  	_ =	shalt  }
0x4c: {  	_ =	shalt  }
0x4d: {  	_ =	shalt  }
0x4e: {  	_ =	shalt  }
0x4f: {  	_ =	shalt  }
0x50: {  	_ =	shalt  }
0x51: {  	_ =	shalt  }
0x52: {  	_ =	shalt  }
0x53: {  	_ =	shalt  }
0x54: {  	_ =	shalt  }
0x55: {  	_ =	shalt  }
0x56: {  	_ =	shalt  }
0x57: {  	_ =	shalt  }
0x58: {  	_ =	shalt  }
0x59: {  	_ =	shalt  }
0x5a: {  	_ =	shalt  }
0x5b: {  	_ =	shalt  }
0x5c: {  	_ =	shalt  }
0x5d: {  	_ =	shalt  }
0x5e: {  	_ =	shalt  }
0x5f: {  	_ =	shalt  }
0x60: {  	_ =	shalt  }
0x61: {  	_ =	shalt  }
0x62: {  	_ =	shalt  }
0x63: {  	_ =	shalt  }
0x64: {  	_ =	shalt  }
0x65: {  	_ =	shalt  }
0x66: {  	_ =	shalt  }
0x67: {  	_ =	shalt  }
0x68: {  	_ =	shalt  }
0x69: {  	_ =	shalt  }
0x6a: {  	_ =	shalt  }
0x6b: {  	_ =	shalt  }
0x6c: {  	_ =	shalt  }
0x6d: {  	_ =	shalt  }
0x6e: {  	_ =	shalt  }
0x6f: {  	_ =	shalt  }
0x70: {  	_ =	shalt  }
0x71: {  	_ =	shalt  }
0x72: {  	_ =	shalt  }
0x73: {  	_ =	shalt  }
0x74: {  	_ =	shalt  }
0x75: {  	_ =	shalt  }
0x76: {  	_ =	shalt  }
0x77: {  	_ =	shalt  }
0x78: {  	_ =	shalt  }
0x79: {  	_ =	shalt  }
0x7a: {  	_ =	shalt  }
0x7b: {  	_ =	shalt  }
0x7c: {  	_ =	shalt  }
0x7d: {  	_ =	shalt  }
0x7e: {  	_ =	shalt  }
0x7f: {  	_ =	shalt  }
0x80: {  	_ =	shalt  }
0x81: {  	_ =	shalt  }
0x82: {  	_ =	shalt  }
0x83: {  	_ =	shalt  }
0x84: {  	_ =	shalt  }
0x85: {  	_ =	shalt  }
0x86: {  	_ =	shalt  }
0x87: {  	_ =	shalt  }
.Lfunc_end0:
.L_simem_size_0:
called_computation_lowered:
.L_overlay_start_0:
0x88: {  	s2 =	sld [smem:$0x3FD9]  }
0x89: {  	s3 =	sld [smem:$0x3FFE];
	_ =	sdelay $0x1  }
0x8a: {  	s1 =	srdreg.scid  }
0x8b: {  	s0 =	sand.u32 $0x1, s1  }
0x8c: {  	s17 =	sshll.u32 s0, $0xA;
	s2 =	sadd.s32 s3, s2  }
0x8d: {  	s2 =	sadd.s32 s2, s17  }
0x8e: {  	[smem:$0x3FBD] =	sst s2  }
0x8f: {  	_ = 	snop  }
0x90: {  	s2 =	sld [smem:$0x3FD0];
	(tm) =	ssettm $0x1  }
0x91: {  	s18 =	sld [smem:$0x3FFB];
	_ =	sdelay $0x3  }
0x92: {  	_ =	strace s18  }
0x93: {  	s3 =	sld [smem:$0x3FFC];
	_ =	sdelay $0x3  }
0x94: {  	_ =	strace s3  }
0x95: {  	s3 =	sld [smem:$0x3FFD];
	_ =	sdelay $0x3  }
0x96: {  	_ =	strace s3  }
0x97: {  	_ =	strace $0x8FFFFFFF  }
0x98: {  	s19 =	sld [smem:$0x3FDB];
	_ =	sdelay $0x1  }
0x99: {  	s4 =	simm.s32 $_scs_section_size  }
0x9a: {  	s5 =	simm.s32 $_size__tile_overlayer_lowered;
	s6 =	simm.s32 $_tile_overlayer_lowered  }
0x9b: {  	s22 =	simm.s32 $0x1BFF;
	s21 =	sshll.u32 s6, $0x1;
	s3 =	sadd.s32 s4, s19  }
0x9c: {  	s7 =	simm.s32 $0x0;
	s20 =	sshll.u32 s5, $0x1;
	s5 =	sadd.s32 s21, s3  }
0x9d: {  	[timem:s7], [sflag:s22] =	dma.local [hbm:s5], s20  }
0x9e: {  	_ =	swait.ge [sflag:s22], s20  }
0x9f: {  	s4 =	ssub.s32 $0x0, s20;
	[sflag:s22] =	ssyncset.done $0x0  }
0xa0: {  	[sflag:s22] =	ssyncadd.s32 s4;
	_ =	sdelay $0x1  }
0xa1: {  	s23 =	simm.s32 $0x1B8B  }
0xa2: {  	_ =	swait.ge [sflag:s23], $0x1  }
0xa3: {  	[sflag:s23] =	ssyncset.done $0x0  }
0xa4: {  	s25 =	simm.s32 $0x1B8E;
	s24 =	sld [smem:$0x3FFE];
	[sflag:s23] =	ssyncadd.s32 $0xFFFFFFFF  }
0xa5: {  	s26 =	simm.s32 $execute0_lowered;
	[smem:$0x3FD2] =	sst s25  }
0xa6: {  	s5 =	sshll.u32 s26, $0x1;
	_ =	strace $0x80000046;
	[dreg:$0x1] =	wrdreg $0xFFFFFFFF  }
0xa7: {  	s28 =	simm.s32 $_size_execute0_lowered;
	s3 =	sadd.s32 s3, s5;
	[dreg:$0x0] =	wrdreg $0x0  }
0xa8: {  	s5 =	sshll.u32 s28, $0x1;
	[dreg:$0x2] =	wrdreg s3  }
0xa9: {  	[dreg:$0x3] =	wrdreg s5  }
0xaa: {  	[dreg:$0x4] =	wrdreg $0xC0  }
0xab: {  	_ =	task [dreg:s7], $0x5FFFF  }
0xac: {  	[dreg:$0x1] =	wrdreg $0xFFFFFFFF  }
0xad: {  	[dreg:$0x0] =	wrdreg $0x60  }
0xae: {  	[dreg:$0x2] =	wrdreg s2  }
0xaf: {  	[dreg:$0x3] =	wrdreg s24  }
0xb0: {  	[dreg:$0x4] =	wrdreg $0x50800  }
0xb1: {  	[dreg:$0x5] =	wrdreg $0x9  }
0xb2: {  	_ =	task.clear_ibuf [dreg:s7], $0x6FFFF;
	_ =	strace $0x90000046  }
0xb3: {  	s29 =	simm.s32 $0x9;
	_ =	strace $0x80000048  }
0xb4: {  	_ =	swait.ge [sflag:s29], $0x1  }
0xb5: {  	[sflag:s29] =	ssyncadd.s32 $0xFFFFFFFF  }
0xb6: {  	_ =	strace $0x90000048  }
0xb7: {  	_ =	sfence  }
0xb8: {  	s30 =	sld [smem:$0x0];
	_ =	sdelay $0x2  }
0xb9: {  	s31 =	sshll.u32 s1, $0xD;
	s1 =	sshrl.u32 s1, $0x2  }
0xba: {  	s3 =	sand.u32 $0x4000, s31;
	s1 =	sadd.s32 s1, s30  }
0xbb: {  	s0 =	sor.u32 s3, s0;
	s1 =	sshll.u32 s1, $0x11  }
0xbc: {  	s0 =	sor.u32 s1, s0  }
0xbd: {  	s0 =	sadd.s32 $0x8F2B, s0  }
0xbe: {  	[sflag:s0] =	ssyncadd.remote.s32 $0x1  }
0xbf: {  	_ =	sfence.sel $0xFFFF  }
0xc0: {  	[dreg:$0x0] =	wrdreg $0xFFFFFFFF;
	(pc) =	sbr.abs _section_cstart, $3  }
0xc1: {  	[dreg:$0x1] =	wrdreg $0xFFFFFFFF  }
0xc2: {  	_ =	task.clear_ibuf [dreg:s7], $0x2FFFF;
	_ =	strace $0x9FFFFFFF  }
0xc3: {  	(tm) =	ssettm $0x7FFFFFFF  }
tec
execute0_lowered:
.L_overlay_start_1:
0x0: {  	(tag) =	ssettag $0x1  }
0x1: {  	s4 =	rddreg [dreg:$0x0]  }
0x2: {  	s5 =	rddreg [dreg:$0x1]  }
0x3: {  	s2 =	rddreg [dreg:$0x2]  }
0x4: {  	s1 =	srdreg.scid;
	s0 =	rddreg [dreg:$0x3]  }
0x5: {  	s3 =	simm.s32 $0x0;
	s11 =	simm.s32 $0x5000;
	s12 =	simm.s32 $0x2  }
0x6: {  	s15 =	simm.s32 $0x0;
	s6 =	sand.u32 $0x1, s1;
	s1 =	stileid.u32  }
0x7: {  	[smem:$0x7FF] =	sst s3;
	s7 =	smul.u32 $0x2800, s6;
	s8 =	sshll.u32 s1, $0xA  }
0x8: {  	s9 =	sshll.u32 s6, $0x4;
	s6 =	ssub.s32 $0x2, s6;
	_ =	strace $0x80000047  }
0x9: {  	p0 =	sgt.u32 s1, $0x9;
	s9 =	sor.u32 s1, s9;
	s31 =	sshrl.u32 s6, $0x1  }
0xa: {  	s13 =	sshll.u32 @!p0 s1, $0x6;
	s7 =	sadd.s32 s8, s7;
	s9 =	smul.u32 $0x580, s9  }
0xb: {  	s10 =	ssub.s32 s6, s31;
	s13 =	sor.u32 @!p0 $0x1C02, s13;
	s7 =	sshrl.u32 s7, $0x3  }
0xc: {  	v0 =	vlaneseq.u32;
	s7 =	sadd.s32 s7, s5;
	s4 =	sadd.s32 s4, s9;
	s5 =	sadd.s32 s8, s2  }
0xd: {  	v1 =	vimm.f32 $0.0e+00;
	v6 =	vimm.f32 $1.000000000e+00;
	v2 =	vor.u32 $0x10, v0;
	s8 =	simm.s32 $0x1;
	s9 =	simm.s32 $0x2800;
	s6 =	sadd.s32 $0x2E00, s7  }
0xe: {  	v3 =	vor.u32 $0x20, v0;
	v4 =	vor.u32 $0x30, v0;
	v5 =	vor.u32 $0x40, v0;
	s7 =	smax.u32 s10, $0x1;
	s10 =	simm.s32 $0x50;
	s14 =	sshrl.u32 @!p0 s5, $0x3  }
.LBB2_1:
0xf: {  	[tilespmem:s3], [sflag:$0x1] =	stream.linear.gather [hbm4b:s4+s3], $0x2800, $0x38;
	[tilespmem:$0x5300] =	vst v63  }
0x10: {  	s16 =	simm.s32 $0x70;
	s17 =	simm.s32 $0x3C0  }
.LBB2_2:
0x11: {  	p1 =	sne.s32 s17, $0x9FC0;
	[tilespmem:s16+$0x2800] =	vst v1  }
0x12: {  	[tilespmem:s16+$0x2790] =	vst v1  }
0x13: {  	[tilespmem:s16+$0x27A0] =	vst v1  }
.Ltmp0:
0x14: {  	[tilespmem:s16+$0x27B0] =	vst v1;
	(pc) =	sbr.rel @p1 .LBB2_2-.Ltmp0, $4  }
0x15: {  	[tilespmem:s16+$0x27C0] =	vst v1  }
0x16: {  	[tilespmem:s16+$0x27D0] =	vst v1  }
0x17: {  	[tilespmem:s16+$0x27E0] =	vst v1  }
0x18: {  	[tilespmem:s16+$0x27F0] =	vst v1;
	s16 =	sshra.s32 s17, $0x2;
	s17 =	sadd.s32 $0x200, s17  }
0x19: {  	[tilespmem:s16+$0x2800] =	vst v1  }
0x1a: {  	[tilespmem:s16+$0x2790] =	vst v1  }
0x1b: {  	[tilespmem:s16+$0x27A0] =	vst v1  }
0x1c: {  	[tilespmem:s16+$0x27B0] =	vst v1  }
0x1d: {  	[tilespmem:s16+$0x27C0] =	vst v1  }
0x1e: {  	[tilespmem:s16+$0x27D0] =	vst v1  }
0x1f: {  	[tilespmem:s16+$0x27E0] =	vst v1  }
0x20: {  	[tilespmem:s16+$0x27F0] =	vst v1;
	s16 =	simm.s32 @!p0 $0x2800  }
0x21: {  	[spmem:s5] =	stream.linear.scatter @!p0 [tilespmem:s16], [sflag:$0x2], $0x400, $0x38;
	[tilespmem:$0x5300] =	vst v63  }
0x22: {  	s16 =	simm.s32 @!p0 $0x2  }
0x23: {  	_ =	swait.ge @!p0 [sflag:s16], $0x400  }
0x24: {  	[sflag:s16] =	ssyncset.done @!p0 $0x0  }
0x25: {  	[sflag:s16] =	ssyncadd.s32 @!p0 $0xFFFFFC00  }
0x26: {  	[tilespmem:$0x5000] =	vst v0  }
0x27: {  	[tilespmem:$0x5010] =	vst v2  }
0x28: {  	[tilespmem:$0x5020] =	vst v3  }
0x29: {  	[tilespmem:$0x5030] =	vst v4  }
0x2a: {  	[tilespmem:$0x5040] =	vst v5  }
0x2b: {  	_ =	swait.ge [sflag:s8], $0x2800  }
0x2c: {  	[sflag:s8] =	ssyncset.done $0x0  }
0x2d: {  	[sflag:s8] =	ssyncadd.s32 $0xFFFFD800  }
0x2e: {  	s16 =	simm.s32 $0x1C0;
	[bflag:$0x0] =	sbarrier.arrive $0xFFFF  }
.LBB2_4:
0x2f: {  	s17 =	sshra.s32 s16, $0x2  }
0x30: {  	v7 =	vld [tilespmem:s17+$0xFFFFFF90];
	_ =	sdelay $0x7  }
0x31: {  	[tilespmem:v7+s9+$0x0] =	vst.idx.add.f32.msk $0xffff, v6  }
0x32: {  	v7 =	vld [tilespmem:s17+$0xFFFFFFA0];
	_ =	sdelay $0x7  }
0x33: {  	[tilespmem:v7+s9+$0x0] =	vst.idx.add.f32.msk $0xffff, v6  }
0x34: {  	v7 =	vld [tilespmem:s17+$0xFFFFFFB0];
	_ =	sdelay $0x7  }
0x35: {  	[tilespmem:v7+s9+$0x0] =	vst.idx.add.f32.msk $0xffff, v6  }
0x36: {  	v7 =	vld [tilespmem:s17+$0xFFFFFFC0];
	_ =	sdelay $0x7  }
0x37: {  	[tilespmem:v7+s9+$0x0] =	vst.idx.add.f32.msk $0xffff, v6  }
0x38: {  	v7 =	vld [tilespmem:s17+$0xFFFFFFD0];
	_ =	sdelay $0x7  }
0x39: {  	[tilespmem:v7+s9+$0x0] =	vst.idx.add.f32.msk $0xffff, v6  }
0x3a: {  	v7 =	vld [tilespmem:s17+$0xFFFFFFE0];
	_ =	sdelay $0x7  }
0x3b: {  	[tilespmem:v7+s9+$0x0] =	vst.idx.add.f32.msk $0xffff, v6  }
0x3c: {  	v7 =	vld [tilespmem:s17+$0xFFFFFFF0];
	_ =	sdelay $0x7  }
0x3d: {  	[tilespmem:v7+s9+$0x0] =	vst.idx.add.f32.msk $0xffff, v6  }
0x3e: {  	v7 =	vld [tilespmem:s17+$0x0];
	_ =	sdelay $0x2  }
0x3f: {  	p1 =	sne.s32 s16, $0x9FC0  }
.Ltmp1:
0x40: {  	_ = 	snop;
	(pc) =	sbr.rel @p1 .LBB2_4-.Ltmp1, $2  }
0x41: {  	_ =	sdelay $0x2  }
0x42: {  	s16 =	sadd.s32 $0x200, s16;
	[tilespmem:v7+s9+$0x0] =	vst.idx.add.f32.msk $0xffff, v6  }
0x43: {  	[spmem:s2] =	stream.indirect.scatter.add.f32 [tilespmem:s9], [sflag:$0x2], $0x80, s11, s10, $0xb8;
	[tilespmem:$0x5300] =	vst v63  }
0x44: {  	_ =	swait.ge [sflag:s12], $0x2800  }
0x45: {  	s15 =	sadd.s32 $0x1, s15;
	[sflag:s12] =	ssyncset.done $0x0  }
0x46: {  	p1 =	sne.s32 s15, s7;
	[sflag:s12] =	ssyncadd.s32 $0xFFFFD800  }
.Ltmp2:
0x47: {  	s16 =	simm.s32 @!p0 $0x2;
	[bflag:$0x0] =	sbarrier.arrive $0xFFFF;
	(pc) =	sbr.rel @p1 .LBB2_1-.Ltmp2, $4  }
0x48: {  	[hbm:s6], [sflag:s13] =	dma.local @!p0 [spmem:s14], $0x80  }
0x49: {  	_ =	swait.ge @!p0 [sflag:s16], $0x80  }
0x4a: {  	[sflag:s16] =	ssyncset.done @!p0 $0x0  }
0x4b: {  	[sflag:s16] =	ssyncadd.s32 @!p0 $0xFFFFFF80  }
0x4c: {  	_ =	sfence.sel $0x180000  }
0x4d: {  	[bflag:$0x0] =	sbarrier.arrive $0xFFFF  }
0x4e: {  	p0 =	sne.s32 s1, $0x0;
	_ =	strace $0x90000047  }
0x4f: {  	s0 =	sadd.s32 @!p0 $0x100000, s0;
	[bflag:$0x2] =	sbarrier.arrive $0xFFFF  }
0x50: {  	[sflag:s0] =	ssyncadd.tile.s32 @!p0 $0x1;
	_ =	shalt  }
.Lfunc_end2:
_tile_overlayer_lowered:
.L_overlay_start_2:
0x51: {  	(tag) =	ssettag $0x2  }
0x52: {  	s0 =	rddreg [dreg:$0x0];
	s2 =	stileid.u32  }
0x53: {  	s1 =	rddreg [dreg:$0x1];
	p0 =	sne.s32 s2, $0x0  }
0x54: {  	s3 =	rddreg [dreg:$0x2];
	[bflag:$0x3] =	sbarrier.arrive $0xFFFF;
	s2 =	simm.s32 @!p0 $0x1C02  }
0x55: {  	[timem:s3], [sflag:s2] =	dma.local @!p0 [hbm:s0], s1  }
0x56: {  	s0 =	simm.s32 @!p0 $0x2  }
0x57: {  	_ =	swait.ge @!p0 [sflag:s0], s1  }
0x58: {  	s1 =	ssub.s32 @!p0 $0x0, s1;
	[sflag:s0] =	ssyncset.done @!p0 $0x0  }
0x59: {  	[sflag:s0] =	ssyncadd.s32 @!p0 s1  }
0x5a: {  	[bflag:$0x3] =	sbarrier.arrive $0xFFFF  }
0x5b: {  	_ =	shalt  }

// kernel: sc_segsum.11.cloned.1.call-start
scs
__scs_entry_jumppad:
0x0: {  	(pc) =	sbr.rel $0x88, $3  }
0x1: {  	(tag) =	ssettag $0x0;
	lr =	simm.s32 $0x1  }
0x2: {  	[smem:$0x3F96] =	sst lr;
	_ =	strace $0xD0000000  }
0x3: {  	_ = 	snop  }
0x4: {  	_ = 	snop  }
0x5: {  	_ = 	snop  }
0x6: {  	_ = 	snop  }
0x7: {  	_ = 	snop  }
__scs_overlays_trampoline_lowered:
0x8: {  	[smem:$0x3FA5] =	sst s0  }
0x9: {  	[smem:$0x3FA6] =	sst s1  }
0xa: {  	[smem:$0x3FA7] =	sst s2  }
0xb: {  	[smem:$0x3FA8] =	sst s3  }
0xc: {  	[smem:$0x3FA9] =	sst s4  }
0xd: {  	[smem:$0x3FAA] =	sst s5  }
0xe: {  	[smem:$0x3FAB] =	sst s6  }
0xf: {  	[smem:$0x3FAC] =	sst s7  }
0x10: {  	[smem:$0x3FAD] =	sst s8  }
0x11: {  	[smem:$0x3FAE] =	sst s9;
	s0 =	simm.s32 @!p0 $0x0  }
0x12: {  	s1 =	sld [smem:$0x3F94];
	s0 =	simm.s32 @p0 $0x1  }
0x13: {  	[smem:$0x3FAF] =	sst s0;
	s0 =	simm.s32 @!p1 $0x0  }
0x14: {  	s2 =	sld [smem:$0x3F93];
	s0 =	simm.s32 @p1 $0x1  }
0x15: {  	[smem:$0x3FB0] =	sst s0;
	s0 =	simm.s32 @!p2 $0x0  }
0x16: {  	s3 =	sld [smem:$0x3FDB];
	s0 =	simm.s32 @p2 $0x1  }
0x17: {  	s4 =	simm.s32 $0x1BF5;
	[smem:$0x3FB2] =	sst s0  }
0x18: {  	s0 =	sld [smem:$0x3F95];
	_ =	swait.ge [sflag:s4], $0x0  }
0x19: {  	s7 =	sld [smem:$0x3F96]  }
0x1a: {  	s8 =	sadd.s32 $0xFFFFE003, lr  }
0x1b: {  	s9 =	sadd.s32 $0xFFFFFEF7, lr;
	s5 =	simm.s32 $0xFFFFFFFF;
	p2 =	slt.u32 s8, $0xFFFFF086  }
0x1c: {  	p1 =	slt.u32 s9, $0xF7A;
	s5 =	simm.s32 @!p2 $0x0  }
0x1d: {  	s5 =	simm.s32 @p1 $0x1;
	p0 =	seq.s32 s7, s2  }
0x1e: {  	s7 =	smul.u32 @!p0 $0xF7A, s2;
	p2 =	seq.s32 @!p0 s5, $0x0  }
0x1f: {  	s9 =	smul.u32 $0xF7A, s1;
	s8 =	simm.s32 @!p0 $0x1BF5;
	p2 =	por !p2, p0  }
0x20: {  	[sflag:s8] =	ssyncset.s32 @!p0 $0xFFFFF086;
	s6 =	sadd.s32 @!p0 s3, s7;
	s7 =	simm.s32 @!p0 $0x108  }
0x21: {  	s3 =	sadd.s32 s3, s9;
	s6 =	sadd.s32 @!p0 $0x88, s6;
	s7 =	simm.s32 @p2 $0x1082  }
0x22: {  	[simem:s7], [sflag:s8] =	dma.local @!p0 [hbm:s6], $0xF7A  }
0x23: {  	s9 =	sor.u32 $0xD0000000, s2;
	s6 =	simm.s32 $0x108;
	_ =	swait.ge @!p0 [sflag:s8], $0x0  }
0x24: {  	s3 =	sadd.s32 $0x88, s3;
	s6 =	simm.s32 @!p1 $0x1082;
	[sflag:s4] =	ssyncset.s32 $0xFFFFF086  }
0x25: {  	[simem:s6], [sflag:s4] =	dma.local [hbm:s3], $0xF7A  }
0x26: {  	[smem:$0x3F96] =	sst s1;
	(tag) =	ssettag s2;
	_ =	strace s9  }
0x27: {  	s1 =	sld [smem:$0x3FA6]  }
0x28: {  	s2 =	sld [smem:$0x3FA7]  }
0x29: {  	s4 =	sld [smem:$0x3FA9]  }
0x2a: {  	p0 =	seq.s32 s5, $0x0;
	s5 =	sld [smem:$0x3FAA]  }
0x2b: {  	s6 =	sld [smem:$0x3FAB]  }
0x2c: {  	s7 =	sld [smem:$0x3FAC]  }
0x2d: {  	s3 =	simm.s32 $0x108;
	s8 =	sld [smem:$0x3FAD]  }
0x2e: {  	s3 =	simm.s32 @!p0 $0x1082;
	s9 =	sld [smem:$0x3FAE]  }
0x2f: {  	lr =	sadd.s32 s0, s3;
	s0 =	sld [smem:$0x3FA5]  }
0x30: {  	s3 =	sld [smem:$0x3FA8]  }
0x31: {  	[smem:$0x3FB1] =	sst s10  }
0x32: {  	s10 =	sld [smem:$0x3FAF];
	_ =	sdelay $0x3  }
0x33: {  	p0 =	seq.s32 s10, $0x1;
	s10 =	sld [smem:$0x3FB1];
	_ =	sdelay $0x3  }
0x34: {  	[smem:$0x3FB1] =	sst s10  }
0x35: {  	s10 =	sld [smem:$0x3FB0];
	_ =	sdelay $0x3  }
0x36: {  	p1 =	seq.s32 s10, $0x1;
	s10 =	sld [smem:$0x3FB1];
	_ =	sdelay $0x3  }
0x37: {  	[smem:$0x3FB1] =	sst s10  }
0x38: {  	s10 =	sld [smem:$0x3FB2]  }
0x39: {  	_ = 	snop;
	(pc) =	sbr.ind lr, $3  }
0x3a: {  	_ = 	snop  }
0x3b: {  	_ = 	snop  }
0x3c: {  	p2 =	seq.s32 s10, $0x1;
	s10 =	sld [smem:$0x3FB1]  }
0x3d: {  	_ =	shalt  }
0x3e: {  	_ =	shalt  }
0x3f: {  	_ =	shalt  }
0x40: {  	_ =	shalt  }
0x41: {  	_ =	shalt  }
0x42: {  	_ =	shalt  }
0x43: {  	_ =	shalt  }
0x44: {  	_ =	shalt  }
0x45: {  	_ =	shalt  }
0x46: {  	_ =	shalt  }
0x47: {  	_ =	shalt  }
0x48: {  	_ =	shalt  }
0x49: {  	_ =	shalt  }
0x4a: {  	_ =	shalt  }
0x4b: {  	_ =	shalt  }
0x4c: {  	_ =	shalt  }
0x4d: {  	_ =	shalt  }
0x4e: {  	_ =	shalt  }
0x4f: {  	_ =	shalt  }
0x50: {  	_ =	shalt  }
0x51: {  	_ =	shalt  }
0x52: {  	_ =	shalt  }
0x53: {  	_ =	shalt  }
0x54: {  	_ =	shalt  }
0x55: {  	_ =	shalt  }
0x56: {  	_ =	shalt  }
0x57: {  	_ =	shalt  }
0x58: {  	_ =	shalt  }
0x59: {  	_ =	shalt  }
0x5a: {  	_ =	shalt  }
0x5b: {  	_ =	shalt  }
0x5c: {  	_ =	shalt  }
0x5d: {  	_ =	shalt  }
0x5e: {  	_ =	shalt  }
0x5f: {  	_ =	shalt  }
0x60: {  	_ =	shalt  }
0x61: {  	_ =	shalt  }
0x62: {  	_ =	shalt  }
0x63: {  	_ =	shalt  }
0x64: {  	_ =	shalt  }
0x65: {  	_ =	shalt  }
0x66: {  	_ =	shalt  }
0x67: {  	_ =	shalt  }
0x68: {  	_ =	shalt  }
0x69: {  	_ =	shalt  }
0x6a: {  	_ =	shalt  }
0x6b: {  	_ =	shalt  }
0x6c: {  	_ =	shalt  }
0x6d: {  	_ =	shalt  }
0x6e: {  	_ =	shalt  }
0x6f: {  	_ =	shalt  }
0x70: {  	_ =	shalt  }
0x71: {  	_ =	shalt  }
0x72: {  	_ =	shalt  }
0x73: {  	_ =	shalt  }
0x74: {  	_ =	shalt  }
0x75: {  	_ =	shalt  }
0x76: {  	_ =	shalt  }
0x77: {  	_ =	shalt  }
0x78: {  	_ =	shalt  }
0x79: {  	_ =	shalt  }
0x7a: {  	_ =	shalt  }
0x7b: {  	_ =	shalt  }
0x7c: {  	_ =	shalt  }
0x7d: {  	_ =	shalt  }
0x7e: {  	_ =	shalt  }
0x7f: {  	_ =	shalt  }
0x80: {  	_ =	shalt  }
0x81: {  	_ =	shalt  }
0x82: {  	_ =	shalt  }
0x83: {  	_ =	shalt  }
0x84: {  	_ =	shalt  }
0x85: {  	_ =	shalt  }
0x86: {  	_ =	shalt  }
0x87: {  	_ =	shalt  }
.Lfunc_end0:
.L_simem_size_0:
called_computation.3_lowered:
.L_overlay_start_0:
0x88: {  	s2 =	sld [smem:$0x3FD9]  }
0x89: {  	s3 =	sld [smem:$0x3FFE];
	_ =	sdelay $0x1  }
0x8a: {  	s1 =	srdreg.scid  }
0x8b: {  	s0 =	sand.u32 $0x1, s1  }
0x8c: {  	s17 =	sshll.u32 s0, $0xA;
	s2 =	sadd.s32 s3, s2  }
0x8d: {  	s2 =	sadd.s32 s2, s17  }
0x8e: {  	[smem:$0x3FBD] =	sst s2  }
0x8f: {  	_ = 	snop  }
0x90: {  	s2 =	sld [smem:$0x3FD0];
	(tm) =	ssettm $0x1  }
0x91: {  	s18 =	sld [smem:$0x3FFB];
	_ =	sdelay $0x3  }
0x92: {  	_ =	strace s18  }
0x93: {  	s3 =	sld [smem:$0x3FFC];
	_ =	sdelay $0x3  }
0x94: {  	_ =	strace s3  }
0x95: {  	s3 =	sld [smem:$0x3FFD];
	_ =	sdelay $0x3  }
0x96: {  	_ =	strace s3  }
0x97: {  	_ =	strace $0x8FFFFFFF  }
0x98: {  	s19 =	sld [smem:$0x3FDB];
	_ =	sdelay $0x1  }
0x99: {  	s4 =	simm.s32 $_scs_section_size  }
0x9a: {  	s5 =	simm.s32 $_size__tile_overlayer_lowered;
	s6 =	simm.s32 $_tile_overlayer_lowered  }
0x9b: {  	s22 =	simm.s32 $0x1BFF;
	s21 =	sshll.u32 s6, $0x1;
	s3 =	sadd.s32 s4, s19  }
0x9c: {  	s7 =	simm.s32 $0x0;
	s20 =	sshll.u32 s5, $0x1;
	s5 =	sadd.s32 s21, s3  }
0x9d: {  	[timem:s7], [sflag:s22] =	dma.local [hbm:s5], s20  }
0x9e: {  	_ =	swait.ge [sflag:s22], s20  }
0x9f: {  	s4 =	ssub.s32 $0x0, s20;
	[sflag:s22] =	ssyncset.done $0x0  }
0xa0: {  	[sflag:s22] =	ssyncadd.s32 s4;
	_ =	sdelay $0x1  }
0xa1: {  	s23 =	simm.s32 $0x1B8B  }
0xa2: {  	_ =	swait.ge [sflag:s23], $0x1  }
0xa3: {  	[sflag:s23] =	ssyncset.done $0x0  }
0xa4: {  	s25 =	simm.s32 $0x1B8E;
	s24 =	sld [smem:$0x3FFE];
	[sflag:s23] =	ssyncadd.s32 $0xFFFFFFFF  }
0xa5: {  	s26 =	simm.s32 $execute0_lowered;
	[smem:$0x3FD2] =	sst s25  }
0xa6: {  	s5 =	sshll.u32 s26, $0x1;
	_ =	strace $0x8000004F;
	[dreg:$0x1] =	wrdreg $0xFFFFFFFF  }
0xa7: {  	s28 =	simm.s32 $_size_execute0_lowered;
	s3 =	sadd.s32 s3, s5;
	[dreg:$0x0] =	wrdreg $0x0  }
0xa8: {  	s5 =	sshll.u32 s28, $0x1;
	[dreg:$0x2] =	wrdreg s3  }
0xa9: {  	[dreg:$0x3] =	wrdreg s5  }
0xaa: {  	[dreg:$0x4] =	wrdreg $0xC0  }
0xab: {  	_ =	task [dreg:s7], $0x5FFFF  }
0xac: {  	[dreg:$0x1] =	wrdreg $0xFFFFFFFF  }
0xad: {  	[dreg:$0x0] =	wrdreg $0x60  }
0xae: {  	[dreg:$0x2] =	wrdreg s2  }
0xaf: {  	[dreg:$0x3] =	wrdreg s24  }
0xb0: {  	[dreg:$0x4] =	wrdreg $0x42000  }
0xb1: {  	[dreg:$0x5] =	wrdreg $0x9  }
0xb2: {  	_ =	task.clear_ibuf [dreg:s7], $0x6FFFF;
	_ =	strace $0x9000004F  }
0xb3: {  	s29 =	simm.s32 $0x9;
	_ =	strace $0x80000051  }
0xb4: {  	_ =	swait.ge [sflag:s29], $0x1  }
0xb5: {  	[sflag:s29] =	ssyncadd.s32 $0xFFFFFFFF  }
0xb6: {  	_ =	strace $0x90000051  }
0xb7: {  	_ =	sfence  }
0xb8: {  	s30 =	sld [smem:$0x0];
	_ =	sdelay $0x2  }
0xb9: {  	s31 =	sshll.u32 s1, $0xD;
	s1 =	sshrl.u32 s1, $0x2  }
0xba: {  	s3 =	sand.u32 $0x4000, s31;
	s1 =	sadd.s32 s1, s30  }
0xbb: {  	s0 =	sor.u32 s3, s0;
	s1 =	sshll.u32 s1, $0x11  }
0xbc: {  	s0 =	sor.u32 s1, s0  }
0xbd: {  	s0 =	sadd.s32 $0x8F2B, s0  }
0xbe: {  	[sflag:s0] =	ssyncadd.remote.s32 $0x1  }
0xbf: {  	_ =	sfence.sel $0xFFFF  }
0xc0: {  	[dreg:$0x0] =	wrdreg $0xFFFFFFFF;
	(pc) =	sbr.abs _section_cstart, $3  }
0xc1: {  	[dreg:$0x1] =	wrdreg $0xFFFFFFFF  }
0xc2: {  	_ =	task.clear_ibuf [dreg:s7], $0x2FFFF;
	_ =	strace $0x9FFFFFFF  }
0xc3: {  	(tm) =	ssettm $0x7FFFFFFF  }
tec
execute0_lowered:
.L_overlay_start_1:
0x0: {  	(tag) =	ssettag $0x1  }
0x1: {  	s0 =	rddreg [dreg:$0x0]  }
0x2: {  	s1 =	rddreg [dreg:$0x1];
	s13 =	stileid.u32  }
0x3: {  	s2 =	srdreg.scid;
	s6 =	smul.u32 $0x14000, s13  }
0x4: {  	s3 =	rddreg [dreg:$0x2];
	s4 =	simm.s32 $0x0;
	s7 =	smul.u32 $0x3700, s13  }
0x5: {  	s28 =	simm.s32 $0x180;
	s29 =	simm.s32 $0x2;
	s10 =	smul.u32 $0x300, s13  }
0x6: {  	s30 =	simm.s32 $0x3;
	s31 =	simm.s32 $0x1;
	s17 =	smul.u32 $0x50000, s13  }
0x7: {  	s2 =	sand.u32 $0x1, s2;
	[smem:$0x7FF] =	sst s4;
	s24 =	smul.u32 $0x6E0, s13  }
0x8: {  	s5 =	smul.u32 $0x140000, s2;
	_ =	strace $0x80000050;
	s9 =	ssub.s32 $0x2, s2  }
0x9: {  	p0 =	seq.s32 s2, $0x1;
	s7 =	sand.u32 $0x3FC00, s7;
	s11 =	sand.u32 $0x300, s10  }
0xa: {  	s12 =	sshrl.u32 s9, $0x1;
	s6 =	sadd.s32 s6, s5;
	s5 =	sadd.s32 $0xD800, s1  }
0xb: {  	s11 =	sor.u32 s11, s7;
	s12 =	ssub.s32 s9, s12;
	s9 =	sadd.s32 $0x6E00, s10  }
0xc: {  	s8 =	sshrl.u32 s6, $0x3;
	s6 =	sadd.s32 $0x3800, s1;
	s18 =	sshrl.u32 s11, $0x3  }
0xd: {  	s21 =	sadd.s32 s5, s9;
	s23 =	smax.u32 s12, $0x1;
	s25 =	sadd.s32 s10, s5  }
0xe: {  	s1 =	sadd.s32 s8, s1;
	s8 =	sshrl.u32 s17, $0x2;
	s19 =	sadd.s32 s5, s18  }
0xf: {  	s20 =	sadd.s32 s6, s18;
	[dreg:$0x6] =	wrdreg s21;
	s22 =	sadd.s32 s6, s9  }
0x10: {  	[dreg:$0x9] =	wrdreg s23;
	s21 =	sadd.s32 $0x6E20, s25;
	s26 =	sadd.s32 s10, s6  }
0x11: {  	s23 =	simm.s32 $0x200;
	s25 =	simm.s32 $0x80;
	[dreg:$0x4] =	wrdreg s19  }
0x12: {  	s10 =	simm.s32 $0x0;
	s7 =	sadd.s32 s8, s3;
	[dreg:$0x5] =	wrdreg s20  }
.Ltmp0:
0x13: {  	[dreg:$0x7] =	wrdreg s22;
	s1 =	sadd.s32 $0x17800, s1;
	(pc) =	sbr.rel .LBB2_1-.Ltmp0, $4  }
0x14: {  	s19 =	sadd.s32 s24, s6;
	s20 =	sadd.s32 s24, s5;
	s22 =	sadd.s32 $0x6E20, s26  }
0x15: {  	s24 =	simm.s32 $0x6;
	s26 =	simm.s32 $0x100;
	s8 =	simm.s32 $0x5  }
0x16: {  	[dreg:$0x8] =	wrdreg s1;
	s15 =	sadd.s32 $0x4000, s7;
	s16 =	sadd.s32 $0x8000, s7  }
0x17: {  	v0 =	vimm.f32 $0.0e+00;
	s17 =	sadd.s32 $0xC000, s7;
	s18 =	sadd.s32 $0x10000, s7;
	s1 =	simm.s32 $0x4  }
.LBB2_6:
0x18: {  	s12 =	sadd.s32 $0x6F0, s2;
	s11 =	sadd.s32 s11, s19;
	[sflag:s24] =	ssyncadd.s32 $0xFFFFC000  }
0x19: {  	[tilespmem:s26], [sflag:$0x4] =	stream.linear.gather [hbm4b:s12+s4], $0x80, $0x38;
	[tilespmem:$0x18200] =	vst v63  }
0x1a: {  	s14 =	sadd.s32 $0x6F0, s11  }
0x1b: {  	[tilespmem:s28], [sflag:$0x5] =	stream.linear.gather [hbm4b:s14+s4], $0x80, $0x38;
	[tilespmem:$0x18200] =	vst v63  }
0x1c: {  	_ =	swait.ge [sflag:s29], $0x80  }
0x1d: {  	[sflag:s29] =	ssyncset.done $0x0  }
0x1e: {  	[sflag:s29] =	ssyncadd.s32 $0xFFFFFF80  }
0x1f: {  	_ =	swait.ge [sflag:s30], $0x80  }
0x20: {  	[sflag:s30] =	ssyncset.done $0x0  }
0x21: {  	[sflag:s30] =	ssyncadd.s32 $0xFFFFFF80  }
0x22: {  	[tilespmem:s23], [sflag:$0x1] =	stream.indirect.gather [hbm4b:s0+s25], $0x80, s4, s25, $0xb8;
	[tilespmem:$0x18200] =	vst v63  }
0x23: {  	_ =	swait.ge [sflag:s31], $0x4000  }
0x24: {  	[sflag:s31] =	ssyncset.done $0x0  }
0x25: {  	[sflag:s31] =	ssyncadd.s32 $0xFFFFC000  }
0x26: {  	[spmem:s3] =	stream.indirect.scatter.add.f32 [tilespmem:s23], [sflag:$0x6], $0x80, s25, s25, $0xb8;
	[tilespmem:$0x18200] =	vst v63  }
0x27: {  	_ =	swait.ge [sflag:s24], $0x4000  }
0x28: {  	[sflag:s24] =	ssyncset.done $0x0  }
0x29: {  	s13 =	sadd.s32 $0x700, s2;
	[sflag:s24] =	ssyncadd.s32 $0xFFFFC000  }
0x2a: {  	[tilespmem:s4], [sflag:$0x2] =	stream.linear.gather [hbm4b:s13+s4], $0x80, $0x38;
	[tilespmem:$0x18200] =	vst v63  }
0x2b: {  	s14 =	sadd.s32 $0x700, s11  }
0x2c: {  	[tilespmem:s25], [sflag:$0x3] =	stream.linear.gather [hbm4b:s14+s4], $0x80, $0x38;
	[tilespmem:$0x18200] =	vst v63  }
0x2d: {  	_ =	swait.ge [sflag:s1], $0x80  }
0x2e: {  	[sflag:s1] =	ssyncset.done $0x0  }
0x2f: {  	[sflag:s1] =	ssyncadd.s32 $0xFFFFFF80  }
0x30: {  	_ =	swait.ge [sflag:s8], $0x80  }
0x31: {  	[sflag:s8] =	ssyncset.done $0x0  }
0x32: {  	[sflag:s8] =	ssyncadd.s32 $0xFFFFFF80  }
0x33: {  	[tilespmem:s23], [sflag:$0x1] =	stream.indirect.gather [hbm4b:s0+s25], $0x80, s26, s25, $0xb8;
	[tilespmem:$0x18200] =	vst v63  }
0x34: {  	_ =	swait.ge [sflag:s31], $0x4000  }
0x35: {  	[sflag:s31] =	ssyncset.done $0x0  }
0x36: {  	[sflag:s31] =	ssyncadd.s32 $0xFFFFC000  }
0x37: {  	[spmem:s3] =	stream.indirect.scatter.add.f32 [tilespmem:s23], [sflag:$0x6], $0x80, s28, s25, $0xb8;
	[tilespmem:$0x18200] =	vst v63  }
0x38: {  	_ =	swait.ge [sflag:s24], $0x4000  }
0x39: {  	[sflag:s24] =	ssyncset.done $0x0  }
0x3a: {  	[sflag:s24] =	ssyncadd.s32 $0xFFFFC000  }
.LBB2_10:
0x3b: {  	_ =	swait.ge [sflag:s29], $0x80  }
0x3c: {  	[sflag:s29] =	ssyncset.done $0x0  }
0x3d: {  	[sflag:s29] =	ssyncadd.s32 $0xFFFFFF80  }
0x3e: {  	_ =	swait.ge [sflag:s30], $0x80  }
0x3f: {  	[sflag:s30] =	ssyncset.done $0x0  }
0x40: {  	s2 =	stileid.u32;
	[sflag:s30] =	ssyncadd.s32 $0xFFFFFF80  }
0x41: {  	s2 =	sshll.u32 s2, $0x6;
	[bflag:$0x0] =	sbarrier.arrive $0xFFFF  }
0x42: {  	s11 =	sshrl.u32 s7, $0x3;
	s2 =	sor.u32 $0x1C06, s2;
	s12 =	rddreg [dreg:$0x8]  }
0x43: {  	[hbm:s12], [sflag:s2] =	dma.local [spmem:s11], $0x2800  }
0x44: {  	_ =	swait.ge [sflag:s24], $0x2800  }
0x45: {  	s10 =	sadd.s32 $0x1, s10;
	s14 =	rddreg [dreg:$0x9]  }
0x46: {  	p1 =	sne.s32 s10, s14  }
.Ltmp1:
0x47: {  	_ = 	snop;
	(pc) =	sbr.rel @!p1 .LBB2_11-.Ltmp1, $3  }
0x48: {  	_ =	sdelay $0x1  }
0x49: {  	[sflag:s24] =	ssyncset.done $0x0  }
0x4a: {  	[sflag:s24] =	ssyncadd.s32 $0xFFFFD800  }
.LBB2_1:
0x4b: {  	s2 =	simm.s32 $0x0;
	s11 =	simm.s32 $0x200  }
.LBB2_2:
0x4c: {  	p1 =	sne.s32 s11, $0xFE00;
	[tilespmem:s2+$0x270] =	vst v0  }
0x4d: {  	[tilespmem:s2+$0x200] =	vst v0  }
0x4e: {  	[tilespmem:s2+$0x210] =	vst v0  }
.Ltmp2:
0x4f: {  	[tilespmem:s2+$0x220] =	vst v0;
	(pc) =	sbr.rel @p1 .LBB2_2-.Ltmp2, $4  }
0x50: {  	[tilespmem:s2+$0x230] =	vst v0  }
0x51: {  	[tilespmem:s2+$0x240] =	vst v0  }
0x52: {  	[tilespmem:s2+$0x250] =	vst v0  }
0x53: {  	[tilespmem:s2+$0x260] =	vst v0;
	s2 =	sshra.s32 s11, $0x2;
	s11 =	sadd.s32 $0x200, s11  }
0x54: {  	[tilespmem:s2+$0x270] =	vst v0  }
0x55: {  	[tilespmem:s2+$0x200] =	vst v0  }
0x56: {  	[tilespmem:s2+$0x210] =	vst v0  }
0x57: {  	[tilespmem:s2+$0x220] =	vst v0  }
0x58: {  	[tilespmem:s2+$0x230] =	vst v0  }
0x59: {  	[tilespmem:s2+$0x240] =	vst v0  }
0x5a: {  	[tilespmem:s2+$0x250] =	vst v0  }
0x5b: {  	[tilespmem:s2+$0x260] =	vst v0  }
0x5c: {  	[spmem:s7] =	stream.linear.scatter [tilespmem:s23], [sflag:$0x6], $0x4000, $0x38;
	[tilespmem:$0x18200] =	vst v63  }
0x5d: {  	_ =	swait.ge [sflag:s24], $0x4000  }
0x5e: {  	[sflag:s24] =	ssyncset.done $0x0  }
0x5f: {  	[sflag:s24] =	ssyncadd.s32 $0xFFFFC000  }
0x60: {  	[spmem:s15] =	stream.linear.scatter [tilespmem:s23], [sflag:$0x6], $0x4000, $0x38;
	[tilespmem:$0x18200] =	vst v63  }
0x61: {  	_ =	swait.ge [sflag:s24], $0x4000  }
0x62: {  	[sflag:s24] =	ssyncset.done $0x0  }
0x63: {  	[sflag:s24] =	ssyncadd.s32 $0xFFFFC000  }
0x64: {  	[spmem:s16] =	stream.linear.scatter [tilespmem:s23], [sflag:$0x6], $0x4000, $0x38;
	[tilespmem:$0x18200] =	vst v63  }
0x65: {  	_ =	swait.ge [sflag:s24], $0x4000  }
0x66: {  	[sflag:s24] =	ssyncset.done $0x0  }
0x67: {  	[sflag:s24] =	ssyncadd.s32 $0xFFFFC000  }
0x68: {  	[spmem:s17] =	stream.linear.scatter [tilespmem:s23], [sflag:$0x6], $0x4000, $0x38;
	[tilespmem:$0x18200] =	vst v63  }
0x69: {  	_ =	swait.ge [sflag:s24], $0x4000  }
0x6a: {  	[sflag:s24] =	ssyncset.done $0x0  }
0x6b: {  	[sflag:s24] =	ssyncadd.s32 $0xFFFFC000  }
0x6c: {  	[spmem:s18] =	stream.linear.scatter [tilespmem:s23], [sflag:$0x6], $0x4000, $0x38;
	[tilespmem:$0x18200] =	vst v63  }
.Ltmp3:
0x6d: {  	_ =	swait.ge [sflag:s24], $0x4000;
	(pc) =	sbr.rel @!p0 .LBB2_4-.Ltmp3, $3  }
0x6e: {  	[sflag:s24] =	ssyncset.done $0x0  }
0x6f: {  	[sflag:s24] =	ssyncadd.s32 $0xFFFFC000  }
0x70: {  	[bflag:$0x0] =	sbarrier.arrive $0xFFFF;
	_ =	sdelay $0x1  }
0x71: {  	s2 =	simm.s32 $0x0;
	s11 =	rddreg [dreg:$0x6]  }
0x72: {  	[tilespmem:s2], [sflag:$0x2] =	stream.linear.gather [hbm4b:s11+s2], $0x80, $0x38;
	[tilespmem:$0x18200] =	vst v63  }
0x73: {  	s12 =	rddreg [dreg:$0x7];
	s13 =	sadd.s32 $0x0, s9  }
0x74: {  	[tilespmem:s25], [sflag:$0x3] =	stream.linear.gather [hbm4b:s12+s2], $0x80, $0x38;
	[tilespmem:$0x18200] =	vst v63  }
0x75: {  	s11 =	sand.u32 $0x1FF80, s13;
	s2 =	sand.u32 $0x60, s2  }
0x76: {  	s2 =	sor.u32 s11, s2  }
0x77: {  	s2 =	sor.u32 $0x10, s2  }
0x78: {  	s14 =	sadd.s32 s5, s2  }
0x79: {  	[tilespmem:s26], [sflag:$0x4] =	stream.linear.gather [hbm4b:s14+s4], $0x80, $0x38;
	[tilespmem:$0x18200] =	vst v63  }
0x7a: {  	s2 =	sadd.s32 s6, s2  }
0x7b: {  	[tilespmem:s28], [sflag:$0x5] =	stream.linear.gather [hbm4b:s2+s4], $0x80, $0x38;
	[tilespmem:$0x18200] =	vst v63  }
0x7c: {  	_ =	swait.ge [sflag:s29], $0x80  }
0x7d: {  	[sflag:s29] =	ssyncset.done $0x0  }
0x7e: {  	[sflag:s29] =	ssyncadd.s32 $0xFFFFFF80  }
0x7f: {  	_ =	swait.ge [sflag:s30], $0x80  }
0x80: {  	[sflag:s30] =	ssyncset.done $0x0  }
0x81: {  	[sflag:s30] =	ssyncadd.s32 $0xFFFFFF80  }
0x82: {  	[tilespmem:s23], [sflag:$0x1] =	stream.indirect.gather [hbm4b:s0+s25], $0x80, s4, s25, $0xb8;
	[tilespmem:$0x18200] =	vst v63  }
0x83: {  	_ =	swait.ge [sflag:s31], $0x4000  }
0x84: {  	[sflag:s31] =	ssyncset.done $0x0  }
0x85: {  	[sflag:s31] =	ssyncadd.s32 $0xFFFFC000  }
0x86: {  	[spmem:s3] =	stream.indirect.scatter.add.f32 [tilespmem:s23], [sflag:$0x6], $0x80, s25, s25, $0xb8;
	[tilespmem:$0x18200] =	vst v63  }
0x87: {  	_ =	swait.ge [sflag:s24], $0x4000  }
0x88: {  	[sflag:s24] =	ssyncset.done $0x0  }
0x89: {  	s12 =	sadd.s32 $0x0, s21;
	[sflag:s24] =	ssyncadd.s32 $0xFFFFC000  }
0x8a: {  	[tilespmem:s4], [sflag:$0x2] =	stream.linear.gather [hbm4b:s12+s4], $0x80, $0x38;
	[tilespmem:$0x18200] =	vst v63  }
0x8b: {  	s13 =	sadd.s32 $0x0, s22  }
0x8c: {  	[tilespmem:s25], [sflag:$0x3] =	stream.linear.gather [hbm4b:s13+s4], $0x80, $0x38;
	[tilespmem:$0x18200] =	vst v63  }
0x8d: {  	_ =	swait.ge [sflag:s1], $0x80  }
0x8e: {  	[sflag:s1] =	ssyncset.done $0x0  }
0x8f: {  	[sflag:s1] =	ssyncadd.s32 $0xFFFFFF80  }
0x90: {  	_ =	swait.ge [sflag:s8], $0x80  }
0x91: {  	[sflag:s8] =	ssyncset.done $0x0  }
0x92: {  	[sflag:s8] =	ssyncadd.s32 $0xFFFFFF80  }
0x93: {  	[tilespmem:s23], [sflag:$0x1] =	stream.indirect.gather [hbm4b:s0+s25], $0x80, s26, s25, $0xb8;
	[tilespmem:$0x18200] =	vst v63  }
0x94: {  	_ =	swait.ge [sflag:s31], $0x4000  }
0x95: {  	[sflag:s31] =	ssyncset.done $0x0  }
0x96: {  	s11 =	simm.s32 $0x20;
	s14 =	sadd.s32 $0x20, s9;
	[sflag:s31] =	ssyncadd.s32 $0xFFFFC000  }
0x97: {  	[spmem:s3] =	stream.indirect.scatter.add.f32 [tilespmem:s23], [sflag:$0x6], $0x80, s28, s25, $0xb8;
	[tilespmem:$0x18200] =	vst v63  }
0x98: {  	s12 =	sand.u32 $0x1FF80, s14;
	s13 =	sand.u32 $0x60, s11;
	_ =	swait.ge [sflag:s24], $0x4000  }
0x99: {  	s2 =	simm.s32 $0x40;
	s13 =	sor.u32 s12, s13;
	[sflag:s24] =	ssyncset.done $0x0  }
.LBB2_8:
0x9a: {  	s13 =	sor.u32 $0x10, s13  }
0x9b: {  	[sflag:s24] =	ssyncadd.s32 $0xFFFFC000;
	s14 =	smov.u32 s2;
	s12 =	sadd.s32 $0x20, s2  }
0x9c: {  	p1 =	sne.s32 s2, $0x2E0;
	s2 =	sadd.s32 s5, s13  }
0x9d: {  	[tilespmem:s26], [sflag:$0x4] =	stream.linear.gather [hbm4b:s2+s4], $0x80, $0x38;
	[tilespmem:$0x18200] =	vst v63  }
0x9e: {  	s2 =	sadd.s32 s6, s13  }
0x9f: {  	[tilespmem:s28], [sflag:$0x5] =	stream.linear.gather [hbm4b:s2+s4], $0x80, $0x38;
	[tilespmem:$0x18200] =	vst v63  }
0xa0: {  	_ =	swait.ge [sflag:s29], $0x80  }
0xa1: {  	[sflag:s29] =	ssyncset.done $0x0  }
0xa2: {  	[sflag:s29] =	ssyncadd.s32 $0xFFFFFF80  }
0xa3: {  	_ =	swait.ge [sflag:s30], $0x80  }
0xa4: {  	[sflag:s30] =	ssyncset.done $0x0  }
0xa5: {  	[sflag:s30] =	ssyncadd.s32 $0xFFFFFF80  }
0xa6: {  	[tilespmem:s23], [sflag:$0x1] =	stream.indirect.gather [hbm4b:s0+s25], $0x80, s4, s25, $0xb8;
	[tilespmem:$0x18200] =	vst v63  }
0xa7: {  	_ =	swait.ge [sflag:s31], $0x4000  }
0xa8: {  	[sflag:s31] =	ssyncset.done $0x0  }
0xa9: {  	[sflag:s31] =	ssyncadd.s32 $0xFFFFC000  }
0xaa: {  	[spmem:s3] =	stream.indirect.scatter.add.f32 [tilespmem:s23], [sflag:$0x6], $0x80, s25, s25, $0xb8;
	[tilespmem:$0x18200] =	vst v63  }
0xab: {  	_ =	swait.ge [sflag:s24], $0x4000  }
0xac: {  	[sflag:s24] =	ssyncset.done $0x0  }
0xad: {  	s2 =	sadd.s32 s11, s21;
	[sflag:s24] =	ssyncadd.s32 $0xFFFFC000  }
0xae: {  	[tilespmem:s4], [sflag:$0x2] =	stream.linear.gather [hbm4b:s2+s4], $0x80, $0x38;
	[tilespmem:$0x18200] =	vst v63  }
0xaf: {  	s2 =	sadd.s32 s11, s22;
	s11 =	smov.u32 s14  }
0xb0: {  	[tilespmem:s25], [sflag:$0x3] =	stream.linear.gather [hbm4b:s2+s4], $0x80, $0x38;
	[tilespmem:$0x18200] =	vst v63  }
0xb1: {  	_ =	swait.ge [sflag:s1], $0x80  }
0xb2: {  	[sflag:s1] =	ssyncset.done $0x0  }
0xb3: {  	[sflag:s1] =	ssyncadd.s32 $0xFFFFFF80  }
0xb4: {  	_ =	swait.ge [sflag:s8], $0x80  }
0xb5: {  	[sflag:s8] =	ssyncset.done $0x0  }
0xb6: {  	[sflag:s8] =	ssyncadd.s32 $0xFFFFFF80  }
0xb7: {  	[tilespmem:s23], [sflag:$0x1] =	stream.indirect.gather [hbm4b:s0+s25], $0x80, s26, s25, $0xb8;
	[tilespmem:$0x18200] =	vst v63  }
0xb8: {  	_ =	swait.ge [sflag:s31], $0x4000  }
.Ltmp4:
0xb9: {  	[sflag:s31] =	ssyncset.done $0x0;
	(pc) =	sbr.rel @p1 .LBB2_8-.Ltmp4, $4  }
0xba: {  	s2 =	sadd.s32 s11, s9;
	[sflag:s31] =	ssyncadd.s32 $0xFFFFC000  }
0xbb: {  	[spmem:s3] =	stream.indirect.scatter.add.f32 [tilespmem:s23], [sflag:$0x6], $0x80, s28, s25, $0xb8;
	[tilespmem:$0x18200] =	vst v63  }
0xbc: {  	s13 =	sand.u32 $0x60, s11;
	s2 =	sand.u32 $0x1FF80, s2;
	_ =	swait.ge [sflag:s24], $0x4000  }
0xbd: {  	s13 =	sor.u32 s2, s13;
	s2 =	smov.u32 s12;
	[sflag:s24] =	ssyncset.done $0x0  }
0xbe: {  	s2 =	sor.u32 $0x10, s13  }
0xbf: {  	[sflag:s24] =	ssyncadd.s32 $0xFFFFC000;
	s12 =	sadd.s32 s5, s2  }
0xc0: {  	[tilespmem:s26], [sflag:$0x4] =	stream.linear.gather [hbm4b:s12+s4], $0x80, $0x38;
	[tilespmem:$0x18200] =	vst v63  }
0xc1: {  	s2 =	sadd.s32 s6, s2  }
0xc2: {  	[tilespmem:s28], [sflag:$0x5] =	stream.linear.gather [hbm4b:s2+s4], $0x80, $0x38;
	[tilespmem:$0x18200] =	vst v63  }
0xc3: {  	_ =	swait.ge [sflag:s29], $0x80  }
0xc4: {  	[sflag:s29] =	ssyncset.done $0x0  }
0xc5: {  	[sflag:s29] =	ssyncadd.s32 $0xFFFFFF80  }
0xc6: {  	_ =	swait.ge [sflag:s30], $0x80  }
0xc7: {  	[sflag:s30] =	ssyncset.done $0x0  }
0xc8: {  	[sflag:s30] =	ssyncadd.s32 $0xFFFFFF80  }
0xc9: {  	[tilespmem:s23], [sflag:$0x1] =	stream.indirect.gather [hbm4b:s0+s25], $0x80, s4, s25, $0xb8;
	[tilespmem:$0x18200] =	vst v63  }
0xca: {  	_ =	swait.ge [sflag:s31], $0x4000  }
0xcb: {  	[sflag:s31] =	ssyncset.done $0x0  }
0xcc: {  	[sflag:s31] =	ssyncadd.s32 $0xFFFFC000  }
0xcd: {  	[spmem:s3] =	stream.indirect.scatter.add.f32 [tilespmem:s23], [sflag:$0x6], $0x80, s25, s25, $0xb8;
	[tilespmem:$0x18200] =	vst v63  }
0xce: {  	_ =	swait.ge [sflag:s24], $0x4000  }
0xcf: {  	[sflag:s24] =	ssyncset.done $0x0  }
0xd0: {  	s13 =	sadd.s32 s11, s21;
	[sflag:s24] =	ssyncadd.s32 $0xFFFFC000  }
0xd1: {  	[tilespmem:s4], [sflag:$0x2] =	stream.linear.gather [hbm4b:s13+s4], $0x80, $0x38;
	[tilespmem:$0x18200] =	vst v63  }
0xd2: {  	s14 =	sadd.s32 s11, s22  }
0xd3: {  	[tilespmem:s25], [sflag:$0x3] =	stream.linear.gather [hbm4b:s14+s4], $0x80, $0x38;
	[tilespmem:$0x18200] =	vst v63  }
0xd4: {  	_ =	swait.ge [sflag:s1], $0x80  }
0xd5: {  	[sflag:s1] =	ssyncset.done $0x0  }
0xd6: {  	[sflag:s1] =	ssyncadd.s32 $0xFFFFFF80  }
0xd7: {  	_ =	swait.ge [sflag:s8], $0x80  }
0xd8: {  	[sflag:s8] =	ssyncset.done $0x0  }
0xd9: {  	[sflag:s8] =	ssyncadd.s32 $0xFFFFFF80  }
0xda: {  	[tilespmem:s23], [sflag:$0x1] =	stream.indirect.gather [hbm4b:s0+s25], $0x80, s26, s25, $0xb8;
	[tilespmem:$0x18200] =	vst v63  }
0xdb: {  	_ =	swait.ge [sflag:s31], $0x4000  }
0xdc: {  	[sflag:s31] =	ssyncset.done $0x0  }
.Ltmp5:
0xdd: {  	[sflag:s31] =	ssyncadd.s32 $0xFFFFC000;
	(pc) =	sbr.rel .LBB2_10-.Ltmp5, $4  }
0xde: {  	[spmem:s3] =	stream.indirect.scatter.add.f32 [tilespmem:s23], [sflag:$0x6], $0x80, s28, s25, $0xb8;
	[tilespmem:$0x18200] =	vst v63  }
0xdf: {  	_ =	swait.ge [sflag:s24], $0x4000  }
0xe0: {  	[sflag:s24] =	ssyncset.done $0x0  }
0xe1: {  	[sflag:s24] =	ssyncadd.s32 $0xFFFFC000  }
.LBB2_4:
0xe2: {  	s2 =	rddreg [dreg:$0x4]  }
0xe3: {  	[tilespmem:s4], [sflag:$0x2] =	stream.linear.gather [hbm4b:s2+s4], $0x80, $0x38;
	[tilespmem:$0x18200] =	vst v63  }
0xe4: {  	s13 =	rddreg [dreg:$0x5];
	s14 =	sadd.s32 $0xFFFFF920, s20  }
0xe5: {  	[tilespmem:s25], [sflag:$0x3] =	stream.linear.gather [hbm4b:s13+s4], $0x80, $0x38;
	[tilespmem:$0x18200] =	vst v63  }
0xe6: {  	s12 =	sadd.s32 $0xFFFFF920, s19;
	s11 =	sadd.s32 $0x6F0, s14  }
0xe7: {  	[tilespmem:s26], [sflag:$0x4] =	stream.linear.gather [hbm4b:s11+s4], $0x80, $0x38;
	[tilespmem:$0x18200] =	vst v63  }
0xe8: {  	s13 =	sadd.s32 $0x6F0, s12  }
0xe9: {  	[tilespmem:s28], [sflag:$0x5] =	stream.linear.gather [hbm4b:s13+s4], $0x80, $0x38;
	[tilespmem:$0x18200] =	vst v63  }
0xea: {  	_ =	swait.ge [sflag:s29], $0x80  }
0xeb: {  	[sflag:s29] =	ssyncset.done $0x0  }
0xec: {  	[sflag:s29] =	ssyncadd.s32 $0xFFFFFF80  }
0xed: {  	_ =	swait.ge [sflag:s30], $0x80  }
0xee: {  	[sflag:s30] =	ssyncset.done $0x0  }
0xef: {  	[sflag:s30] =	ssyncadd.s32 $0xFFFFFF80  }
0xf0: {  	[tilespmem:s23], [sflag:$0x1] =	stream.indirect.gather [hbm4b:s0+s25], $0x80, s4, s25, $0xb8;
	[tilespmem:$0x18200] =	vst v63  }
0xf1: {  	_ =	swait.ge [sflag:s31], $0x4000  }
0xf2: {  	[sflag:s31] =	ssyncset.done $0x0  }
0xf3: {  	[sflag:s31] =	ssyncadd.s32 $0xFFFFC000  }
0xf4: {  	[spmem:s3] =	stream.indirect.scatter.add.f32 [tilespmem:s23], [sflag:$0x6], $0x80, s25, s25, $0xb8;
	[tilespmem:$0x18200] =	vst v63  }
0xf5: {  	_ =	swait.ge [sflag:s24], $0x4000  }
0xf6: {  	[sflag:s24] =	ssyncset.done $0x0  }
0xf7: {  	s2 =	sadd.s32 $0x700, s14;
	[sflag:s24] =	ssyncadd.s32 $0xFFFFC000  }
0xf8: {  	[tilespmem:s4], [sflag:$0x2] =	stream.linear.gather [hbm4b:s2+s4], $0x80, $0x38;
	[tilespmem:$0x18200] =	vst v63  }
0xf9: {  	s14 =	sadd.s32 $0x700, s12  }
0xfa: {  	[tilespmem:s25], [sflag:$0x3] =	stream.linear.gather [hbm4b:s14+s4], $0x80, $0x38;
	[tilespmem:$0x18200] =	vst v63  }
0xfb: {  	_ =	swait.ge [sflag:s1], $0x80  }
0xfc: {  	[sflag:s1] =	ssyncset.done $0x0  }
0xfd: {  	[sflag:s1] =	ssyncadd.s32 $0xFFFFFF80  }
0xfe: {  	_ =	swait.ge [sflag:s8], $0x80  }
0xff: {  	[sflag:s8] =	ssyncset.done $0x0  }
0x100: {  	[sflag:s8] =	ssyncadd.s32 $0xFFFFFF80  }
0x101: {  	[tilespmem:s23], [sflag:$0x1] =	stream.indirect.gather [hbm4b:s0+s25], $0x80, s26, s25, $0xb8;
	[tilespmem:$0x18200] =	vst v63  }
0x102: {  	_ =	swait.ge [sflag:s31], $0x4000  }
0x103: {  	[sflag:s31] =	ssyncset.done $0x0  }
0x104: {  	[sflag:s31] =	ssyncadd.s32 $0xFFFFC000  }
0x105: {  	[spmem:s3] =	stream.indirect.scatter.add.f32 [tilespmem:s23], [sflag:$0x6], $0x80, s28, s25, $0xb8;
	[tilespmem:$0x18200] =	vst v63  }
0x106: {  	s12 =	simm.s32 $0xFFFFF960;
	_ =	swait.ge [sflag:s24], $0x4000  }
0x107: {  	s11 =	simm.s32 $0xFFFFF940;
	s2 =	sadd.s32 $0xFFFFF940, s20;
	[sflag:s24] =	ssyncset.done $0x0  }
.LBB2_5:
0x108: {  	s13 =	sadd.s32 $0x6F0, s2  }
0x109: {  	s14 =	sadd.s32 s11, s19;
	[sflag:s24] =	ssyncadd.s32 $0xFFFFC000;
	s11 =	smov.u32 s12  }
0x10a: {  	[tilespmem:s26], [sflag:$0x4] =	stream.linear.gather [hbm4b:s13+s4], $0x80, $0x38;
	[tilespmem:$0x18200] =	vst v63  }
0x10b: {  	p1 =	seq.s32 s12, $0xFFFFFFE0;
	s12 =	sadd.s32 $0x20, s12;
	s13 =	sadd.s32 $0x6F0, s14  }
0x10c: {  	[tilespmem:s28], [sflag:$0x5] =	stream.linear.gather [hbm4b:s13+s4], $0x80, $0x38;
	[tilespmem:$0x18200] =	vst v63  }
0x10d: {  	_ =	swait.ge [sflag:s29], $0x80  }
0x10e: {  	[sflag:s29] =	ssyncset.done $0x0  }
0x10f: {  	[sflag:s29] =	ssyncadd.s32 $0xFFFFFF80  }
0x110: {  	_ =	swait.ge [sflag:s30], $0x80  }
0x111: {  	[sflag:s30] =	ssyncset.done $0x0  }
0x112: {  	[sflag:s30] =	ssyncadd.s32 $0xFFFFFF80  }
0x113: {  	[tilespmem:s23], [sflag:$0x1] =	stream.indirect.gather [hbm4b:s0+s25], $0x80, s4, s25, $0xb8;
	[tilespmem:$0x18200] =	vst v63  }
0x114: {  	_ =	swait.ge [sflag:s31], $0x4000  }
0x115: {  	[sflag:s31] =	ssyncset.done $0x0  }
0x116: {  	[sflag:s31] =	ssyncadd.s32 $0xFFFFC000  }
0x117: {  	[spmem:s3] =	stream.indirect.scatter.add.f32 [tilespmem:s23], [sflag:$0x6], $0x80, s25, s25, $0xb8;
	[tilespmem:$0x18200] =	vst v63  }
0x118: {  	_ =	swait.ge [sflag:s24], $0x4000  }
0x119: {  	[sflag:s24] =	ssyncset.done $0x0  }
0x11a: {  	s2 =	sadd.s32 $0x700, s2;
	[sflag:s24] =	ssyncadd.s32 $0xFFFFC000  }
0x11b: {  	[tilespmem:s4], [sflag:$0x2] =	stream.linear.gather [hbm4b:s2+s4], $0x80, $0x38;
	[tilespmem:$0x18200] =	vst v63  }
0x11c: {  	s2 =	sadd.s32 $0x700, s14  }
0x11d: {  	[tilespmem:s25], [sflag:$0x3] =	stream.linear.gather [hbm4b:s2+s4], $0x80, $0x38;
	[tilespmem:$0x18200] =	vst v63  }
0x11e: {  	_ =	swait.ge [sflag:s1], $0x80  }
0x11f: {  	[sflag:s1] =	ssyncset.done $0x0  }
0x120: {  	[sflag:s1] =	ssyncadd.s32 $0xFFFFFF80  }
0x121: {  	_ =	swait.ge [sflag:s8], $0x80  }
0x122: {  	[sflag:s8] =	ssyncset.done $0x0  }
0x123: {  	[sflag:s8] =	ssyncadd.s32 $0xFFFFFF80  }
0x124: {  	[tilespmem:s23], [sflag:$0x1] =	stream.indirect.gather [hbm4b:s0+s25], $0x80, s26, s25, $0xb8;
	[tilespmem:$0x18200] =	vst v63  }
0x125: {  	_ =	swait.ge [sflag:s31], $0x4000  }
.Ltmp6:
0x126: {  	[sflag:s31] =	ssyncset.done $0x0;
	(pc) =	sbr.rel @!p1 .LBB2_5-.Ltmp6, $4  }
0x127: {  	[sflag:s31] =	ssyncadd.s32 $0xFFFFC000  }
0x128: {  	[spmem:s3] =	stream.indirect.scatter.add.f32 [tilespmem:s23], [sflag:$0x6], $0x80, s28, s25, $0xb8;
	[tilespmem:$0x18200] =	vst v63  }
0x129: {  	_ =	swait.ge [sflag:s24], $0x4000  }
0x12a: {  	s2 =	sadd.s32 s11, s20;
	[sflag:s24] =	ssyncset.done $0x0  }
.Ltmp7:
0x12b: {  	_ = 	snop;
	(pc) =	sbr.rel .LBB2_6-.Ltmp7, $1  }
0x12c: {  	_ =	sdelay $0x3  }
.LBB2_11:
0x12d: {  	_ =	sfence.sel $0x180000  }
0x12e: {  	[bflag:$0x0] =	sbarrier.arrive $0xFFFF  }
0x12f: {  	_ =	strace $0x90000050  }
0x130: {  	s0 =	stileid.u32;
	[bflag:$0x2] =	sbarrier.arrive $0xFFFF  }
0x131: {  	p0 =	sne.s32 s0, $0x0;
	s0 =	rddreg [dreg:$0x3]  }
0x132: {  	s0 =	sadd.s32 @!p0 $0x100000, s0  }
0x133: {  	[sflag:s0] =	ssyncadd.tile.s32 @!p0 $0x1;
	_ =	shalt  }
.Lfunc_end2:
_tile_overlayer_lowered:
.L_overlay_start_2:
0x134: {  	(tag) =	ssettag $0x2  }
0x135: {  	s0 =	rddreg [dreg:$0x0];
	s2 =	stileid.u32  }
0x136: {  	s1 =	rddreg [dreg:$0x1];
	p0 =	sne.s32 s2, $0x0  }
0x137: {  	s3 =	rddreg [dreg:$0x2];
	[bflag:$0x3] =	sbarrier.arrive $0xFFFF;
	s2 =	simm.s32 @!p0 $0x1C06  }
0x138: {  	[timem:s3], [sflag:s2] =	dma.local @!p0 [hbm:s0], s1  }
0x139: {  	s0 =	simm.s32 @!p0 $0x6  }
0x13a: {  	_ =	swait.ge @!p0 [sflag:s0], s1  }
0x13b: {  	s1 =	ssub.s32 @!p0 $0x0, s1;
	[sflag:s0] =	ssyncset.done @!p0 $0x0  }
0x13c: {  	[sflag:s0] =	ssyncadd.s32 @!p0 s1  }
0x13d: {  	[bflag:$0x3] =	sbarrier.arrive $0xFFFF  }
0x13e: {  	_ =	shalt  }

// kernel: sc_segsum.5.cloned.1.call-start
scs
__scs_entry_jumppad:
0x0: {  	(pc) =	sbr.rel $0x88, $3  }
0x1: {  	(tag) =	ssettag $0x0;
	lr =	simm.s32 $0x1  }
0x2: {  	[smem:$0x3F96] =	sst lr;
	_ =	strace $0xD0000000  }
0x3: {  	_ = 	snop  }
0x4: {  	_ = 	snop  }
0x5: {  	_ = 	snop  }
0x6: {  	_ = 	snop  }
0x7: {  	_ = 	snop  }
__scs_overlays_trampoline_lowered:
0x8: {  	[smem:$0x3FA5] =	sst s0  }
0x9: {  	[smem:$0x3FA6] =	sst s1  }
0xa: {  	[smem:$0x3FA7] =	sst s2  }
0xb: {  	[smem:$0x3FA8] =	sst s3  }
0xc: {  	[smem:$0x3FA9] =	sst s4  }
0xd: {  	[smem:$0x3FAA] =	sst s5  }
0xe: {  	[smem:$0x3FAB] =	sst s6  }
0xf: {  	[smem:$0x3FAC] =	sst s7  }
0x10: {  	[smem:$0x3FAD] =	sst s8  }
0x11: {  	[smem:$0x3FAE] =	sst s9;
	s0 =	simm.s32 @!p0 $0x0  }
0x12: {  	s1 =	sld [smem:$0x3F94];
	s0 =	simm.s32 @p0 $0x1  }
0x13: {  	[smem:$0x3FAF] =	sst s0;
	s0 =	simm.s32 @!p1 $0x0  }
0x14: {  	s2 =	sld [smem:$0x3F93];
	s0 =	simm.s32 @p1 $0x1  }
0x15: {  	[smem:$0x3FB0] =	sst s0;
	s0 =	simm.s32 @!p2 $0x0  }
0x16: {  	s3 =	sld [smem:$0x3FDB];
	s0 =	simm.s32 @p2 $0x1  }
0x17: {  	s4 =	simm.s32 $0x1BF5;
	[smem:$0x3FB2] =	sst s0  }
0x18: {  	s0 =	sld [smem:$0x3F95];
	_ =	swait.ge [sflag:s4], $0x0  }
0x19: {  	s7 =	sld [smem:$0x3F96]  }
0x1a: {  	s8 =	sadd.s32 $0xFFFFE003, lr  }
0x1b: {  	s9 =	sadd.s32 $0xFFFFFEF7, lr;
	s5 =	simm.s32 $0xFFFFFFFF;
	p2 =	slt.u32 s8, $0xFFFFF086  }
0x1c: {  	p1 =	slt.u32 s9, $0xF7A;
	s5 =	simm.s32 @!p2 $0x0  }
0x1d: {  	s5 =	simm.s32 @p1 $0x1;
	p0 =	seq.s32 s7, s2  }
0x1e: {  	s7 =	smul.u32 @!p0 $0xF7A, s2;
	p2 =	seq.s32 @!p0 s5, $0x0  }
0x1f: {  	s9 =	smul.u32 $0xF7A, s1;
	s8 =	simm.s32 @!p0 $0x1BF5;
	p2 =	por !p2, p0  }
0x20: {  	[sflag:s8] =	ssyncset.s32 @!p0 $0xFFFFF086;
	s6 =	sadd.s32 @!p0 s3, s7;
	s7 =	simm.s32 @!p0 $0x108  }
0x21: {  	s3 =	sadd.s32 s3, s9;
	s6 =	sadd.s32 @!p0 $0x88, s6;
	s7 =	simm.s32 @p2 $0x1082  }
0x22: {  	[simem:s7], [sflag:s8] =	dma.local @!p0 [hbm:s6], $0xF7A  }
0x23: {  	s9 =	sor.u32 $0xD0000000, s2;
	s6 =	simm.s32 $0x108;
	_ =	swait.ge @!p0 [sflag:s8], $0x0  }
0x24: {  	s3 =	sadd.s32 $0x88, s3;
	s6 =	simm.s32 @!p1 $0x1082;
	[sflag:s4] =	ssyncset.s32 $0xFFFFF086  }
0x25: {  	[simem:s6], [sflag:s4] =	dma.local [hbm:s3], $0xF7A  }
0x26: {  	[smem:$0x3F96] =	sst s1;
	(tag) =	ssettag s2;
	_ =	strace s9  }
0x27: {  	s1 =	sld [smem:$0x3FA6]  }
0x28: {  	s2 =	sld [smem:$0x3FA7]  }
0x29: {  	s4 =	sld [smem:$0x3FA9]  }
0x2a: {  	p0 =	seq.s32 s5, $0x0;
	s5 =	sld [smem:$0x3FAA]  }
0x2b: {  	s6 =	sld [smem:$0x3FAB]  }
0x2c: {  	s7 =	sld [smem:$0x3FAC]  }
0x2d: {  	s3 =	simm.s32 $0x108;
	s8 =	sld [smem:$0x3FAD]  }
0x2e: {  	s3 =	simm.s32 @!p0 $0x1082;
	s9 =	sld [smem:$0x3FAE]  }
0x2f: {  	lr =	sadd.s32 s0, s3;
	s0 =	sld [smem:$0x3FA5]  }
0x30: {  	s3 =	sld [smem:$0x3FA8]  }
0x31: {  	[smem:$0x3FB1] =	sst s10  }
0x32: {  	s10 =	sld [smem:$0x3FAF];
	_ =	sdelay $0x3  }
0x33: {  	p0 =	seq.s32 s10, $0x1;
	s10 =	sld [smem:$0x3FB1];
	_ =	sdelay $0x3  }
0x34: {  	[smem:$0x3FB1] =	sst s10  }
0x35: {  	s10 =	sld [smem:$0x3FB0];
	_ =	sdelay $0x3  }
0x36: {  	p1 =	seq.s32 s10, $0x1;
	s10 =	sld [smem:$0x3FB1];
	_ =	sdelay $0x3  }
0x37: {  	[smem:$0x3FB1] =	sst s10  }
0x38: {  	s10 =	sld [smem:$0x3FB2]  }
0x39: {  	_ = 	snop;
	(pc) =	sbr.ind lr, $3  }
0x3a: {  	_ = 	snop  }
0x3b: {  	_ = 	snop  }
0x3c: {  	p2 =	seq.s32 s10, $0x1;
	s10 =	sld [smem:$0x3FB1]  }
0x3d: {  	_ =	shalt  }
0x3e: {  	_ =	shalt  }
0x3f: {  	_ =	shalt  }
0x40: {  	_ =	shalt  }
0x41: {  	_ =	shalt  }
0x42: {  	_ =	shalt  }
0x43: {  	_ =	shalt  }
0x44: {  	_ =	shalt  }
0x45: {  	_ =	shalt  }
0x46: {  	_ =	shalt  }
0x47: {  	_ =	shalt  }
0x48: {  	_ =	shalt  }
0x49: {  	_ =	shalt  }
0x4a: {  	_ =	shalt  }
0x4b: {  	_ =	shalt  }
0x4c: {  	_ =	shalt  }
0x4d: {  	_ =	shalt  }
0x4e: {  	_ =	shalt  }
0x4f: {  	_ =	shalt  }
0x50: {  	_ =	shalt  }
0x51: {  	_ =	shalt  }
0x52: {  	_ =	shalt  }
0x53: {  	_ =	shalt  }
0x54: {  	_ =	shalt  }
0x55: {  	_ =	shalt  }
0x56: {  	_ =	shalt  }
0x57: {  	_ =	shalt  }
0x58: {  	_ =	shalt  }
0x59: {  	_ =	shalt  }
0x5a: {  	_ =	shalt  }
0x5b: {  	_ =	shalt  }
0x5c: {  	_ =	shalt  }
0x5d: {  	_ =	shalt  }
0x5e: {  	_ =	shalt  }
0x5f: {  	_ =	shalt  }
0x60: {  	_ =	shalt  }
0x61: {  	_ =	shalt  }
0x62: {  	_ =	shalt  }
0x63: {  	_ =	shalt  }
0x64: {  	_ =	shalt  }
0x65: {  	_ =	shalt  }
0x66: {  	_ =	shalt  }
0x67: {  	_ =	shalt  }
0x68: {  	_ =	shalt  }
0x69: {  	_ =	shalt  }
0x6a: {  	_ =	shalt  }
0x6b: {  	_ =	shalt  }
0x6c: {  	_ =	shalt  }
0x6d: {  	_ =	shalt  }
0x6e: {  	_ =	shalt  }
0x6f: {  	_ =	shalt  }
0x70: {  	_ =	shalt  }
0x71: {  	_ =	shalt  }
0x72: {  	_ =	shalt  }
0x73: {  	_ =	shalt  }
0x74: {  	_ =	shalt  }
0x75: {  	_ =	shalt  }
0x76: {  	_ =	shalt  }
0x77: {  	_ =	shalt  }
0x78: {  	_ =	shalt  }
0x79: {  	_ =	shalt  }
0x7a: {  	_ =	shalt  }
0x7b: {  	_ =	shalt  }
0x7c: {  	_ =	shalt  }
0x7d: {  	_ =	shalt  }
0x7e: {  	_ =	shalt  }
0x7f: {  	_ =	shalt  }
0x80: {  	_ =	shalt  }
0x81: {  	_ =	shalt  }
0x82: {  	_ =	shalt  }
0x83: {  	_ =	shalt  }
0x84: {  	_ =	shalt  }
0x85: {  	_ =	shalt  }
0x86: {  	_ =	shalt  }
0x87: {  	_ =	shalt  }
.Lfunc_end0:
.L_simem_size_0:
called_computation.1_lowered:
.L_overlay_start_0:
0x88: {  	s2 =	sld [smem:$0x3FD9]  }
0x89: {  	s3 =	sld [smem:$0x3FFE];
	_ =	sdelay $0x1  }
0x8a: {  	s1 =	srdreg.scid  }
0x8b: {  	s0 =	sand.u32 $0x1, s1  }
0x8c: {  	s17 =	sshll.u32 s0, $0xA;
	s2 =	sadd.s32 s3, s2  }
0x8d: {  	s2 =	sadd.s32 s2, s17  }
0x8e: {  	[smem:$0x3FBD] =	sst s2  }
0x8f: {  	_ = 	snop  }
0x90: {  	s18 =	sld [smem:$0x3FC9];
	(tm) =	ssettm $0x1  }
0x91: {  	s19 =	sld [smem:$0x3FFB];
	_ =	sdelay $0x3  }
0x92: {  	_ =	strace s19  }
0x93: {  	s2 =	sld [smem:$0x3FFC];
	_ =	sdelay $0x3  }
0x94: {  	_ =	strace s2  }
0x95: {  	s2 =	sld [smem:$0x3FFD];
	_ =	sdelay $0x3  }
0x96: {  	_ =	strace s2  }
0x97: {  	_ =	strace $0x8FFFFFFF  }
0x98: {  	s20 =	sld [smem:$0x3FDB];
	_ =	sdelay $0x1  }
0x99: {  	s4 =	simm.s32 $_scs_section_size  }
0x9a: {  	s5 =	simm.s32 $_size__tile_overlayer_lowered;
	s6 =	simm.s32 $_tile_overlayer_lowered  }
0x9b: {  	s7 =	simm.s32 $0x1BFF;
	s21 =	sshll.u32 s6, $0x1;
	s4 =	sadd.s32 s4, s20  }
0x9c: {  	s22 =	simm.s32 $0x0;
	s5 =	sshll.u32 s5, $0x1;
	s6 =	sadd.s32 s21, s4  }
0x9d: {  	[timem:s22], [sflag:s7] =	dma.local [hbm:s6], s5  }
0x9e: {  	_ =	swait.ge [sflag:s7], s5  }
0x9f: {  	s5 =	ssub.s32 $0x0, s5;
	[sflag:s7] =	ssyncset.done $0x0  }
0xa0: {  	[sflag:s7] =	ssyncadd.s32 s5;
	_ =	sdelay $0x1  }
0xa1: {  	s23 =	simm.s32 $0x1B8B  }
0xa2: {  	_ =	swait.ge [sflag:s23], $0x1  }
0xa3: {  	[sflag:s23] =	ssyncset.done $0x0  }
0xa4: {  	[sflag:s23] =	ssyncadd.s32 $0xFFFFFFFF  }
0xa5: {  	s5 =	sld [smem:$0x0]  }
0xa6: {  	s6 =	sand.u32 $0xFFFFFFFE, s1  }
0xa7: {  	p0 =	sne.s32 s1, s6  }
0xa8: {  	s6 =	sshll.u32 @p0 s6, $0xE  }
0xa9: {  	s6 =	sadd.s32 @p0 $0x11B8D, s6;
	s7 =	sshll.u32 @p0 s5, $0x11  }
0xaa: {  	s6 =	sor.u32 @p0 s7, s6  }
0xab: {  	[sflag:s6] =	ssyncadd.remote.s32 @p0 $0x1;
	_ =	sdelay $0x1  }
0xac: {  	s6 =	simm.s32 @p0 $0x1B8D  }
0xad: {  	_ =	swait.eq @p0 [sflag:s6], $0x1  }
0xae: {  	[sflag:s6] =	ssyncadd.s32 @p0 $0xFFFFFFFF  }
0xaf: {  	s7 =	sshll.u32 @!p0 s1, $0xE  }
0xb0: {  	s7 =	sor.u32 @!p0 $0x4000, s7;
	s6 =	simm.s32 @!p0 $0x1B8D  }
0xb1: {  	s5 =	sshll.u32 @!p0 s5, $0x11;
	s7 =	sadd.s32 @!p0 $0x11B8D, s7;
	_ =	swait.eq @!p0 [sflag:s6], $0x1  }
0xb2: {  	s5 =	sor.u32 @!p0 s5, s7;
	[sflag:s6] =	ssyncadd.s32 @!p0 $0xFFFFFFFF  }
0xb3: {  	s25 =	simm.s32 $0x1B8E;
	s24 =	sld [smem:$0x3FFE];
	[sflag:s5] =	ssyncadd.remote.s32 @!p0 $0x1  }
0xb4: {  	s26 =	simm.s32 $execute0_lowered;
	[smem:$0x3FD2] =	sst s25  }
0xb5: {  	s6 =	sshll.u32 s26, $0x1;
	_ =	strace $0x80000049;
	[dreg:$0x1] =	wrdreg $0xFFFFFFFF  }
0xb6: {  	s28 =	simm.s32 $_size_execute0_lowered;
	s4 =	sadd.s32 s4, s6;
	[dreg:$0x0] =	wrdreg $0x0  }
0xb7: {  	s6 =	sshll.u32 s28, $0x1;
	[dreg:$0x2] =	wrdreg s4  }
0xb8: {  	[dreg:$0x3] =	wrdreg s6  }
0xb9: {  	[dreg:$0x4] =	wrdreg $0xC0  }
0xba: {  	_ =	task [dreg:s22], $0x5FFFF  }
0xbb: {  	[dreg:$0x1] =	wrdreg $0xFFFFFFFF  }
0xbc: {  	[dreg:$0x0] =	wrdreg $0x60  }
0xbd: {  	[dreg:$0x2] =	wrdreg s18  }
0xbe: {  	[dreg:$0x3] =	wrdreg s24  }
0xbf: {  	[dreg:$0x4] =	wrdreg $0x42000  }
0xc0: {  	[dreg:$0x5] =	wrdreg $0xA  }
0xc1: {  	_ =	task.clear_ibuf [dreg:s22], $0x6FFFF;
	_ =	strace $0x90000049  }
0xc2: {  	s29 =	simm.s32 $0xA;
	_ =	strace $0x8000004B  }
0xc3: {  	_ =	swait.ge [sflag:s29], $0x1  }
0xc4: {  	[sflag:s29] =	ssyncadd.s32 $0xFFFFFFFF  }
0xc5: {  	_ =	strace $0x9000004B  }
0xc6: {  	_ =	sfence  }
0xc7: {  	s30 =	sld [smem:$0x0];
	_ =	sdelay $0x2  }
0xc8: {  	s31 =	sshll.u32 s1, $0xD;
	s1 =	sshrl.u32 s1, $0x2  }
0xc9: {  	s4 =	sand.u32 $0x4000, s31;
	s1 =	sadd.s32 s1, s30  }
0xca: {  	s0 =	sor.u32 s4, s0;
	s1 =	sshll.u32 s1, $0x11  }
0xcb: {  	s0 =	sor.u32 s1, s0  }
0xcc: {  	s0 =	sadd.s32 $0x8F2B, s0  }
0xcd: {  	[sflag:s0] =	ssyncadd.remote.s32 $0x1  }
0xce: {  	_ =	sfence.sel $0xFFFF  }
0xcf: {  	[dreg:$0x0] =	wrdreg $0xFFFFFFFF;
	(pc) =	sbr.abs _section_cstart, $3  }
0xd0: {  	[dreg:$0x1] =	wrdreg $0xFFFFFFFF  }
0xd1: {  	_ =	task.clear_ibuf [dreg:s22], $0x2FFFF;
	_ =	strace $0x9FFFFFFF  }
0xd2: {  	(tm) =	ssettm $0x7FFFFFFF  }
0xd3: {  	_ =	shalt  }
tec
execute0_lowered:
.L_overlay_start_1:
0x0: {  	(tag) =	ssettag $0x1  }
0x1: {  	s0 =	rddreg [dreg:$0x0]  }
0x2: {  	s1 =	rddreg [dreg:$0x1];
	s13 =	stileid.u32  }
0x3: {  	s2 =	srdreg.scid;
	s6 =	smul.u32 $0x14000, s13  }
0x4: {  	s3 =	rddreg [dreg:$0x2];
	s4 =	simm.s32 $0x0;
	s7 =	smul.u32 $0x3700, s13  }
0x5: {  	s28 =	simm.s32 $0x180;
	s29 =	simm.s32 $0x2;
	s10 =	smul.u32 $0x300, s13  }
0x6: {  	s30 =	simm.s32 $0x3;
	s31 =	simm.s32 $0x1;
	s17 =	smul.u32 $0x50000, s13  }
0x7: {  	s2 =	sand.u32 $0x1, s2;
	[smem:$0x7FF] =	sst s4;
	s24 =	smul.u32 $0x6E0, s13  }
0x8: {  	s5 =	smul.u32 $0x140000, s2;
	_ =	strace $0x8000004A;
	s9 =	ssub.s32 $0x2, s2  }
0x9: {  	p0 =	seq.s32 s2, $0x1;
	s7 =	sand.u32 $0x3FC00, s7;
	s11 =	sand.u32 $0x300, s10  }
0xa: {  	s12 =	sshrl.u32 s9, $0x1;
	s6 =	sadd.s32 s6, s5;
	s5 =	sadd.s32 $0xD800, s1  }
0xb: {  	s11 =	sor.u32 s11, s7;
	s12 =	ssub.s32 s9, s12;
	s9 =	sadd.s32 $0x6E00, s10  }
0xc: {  	s8 =	sshrl.u32 s6, $0x3;
	s6 =	sadd.s32 $0x3800, s1;
	s18 =	sshrl.u32 s11, $0x3  }
0xd: {  	s21 =	sadd.s32 s5, s9;
	s23 =	smax.u32 s12, $0x1;
	s25 =	sadd.s32 s10, s5  }
0xe: {  	s1 =	sadd.s32 s8, s1;
	s8 =	sshrl.u32 s17, $0x2;
	s19 =	sadd.s32 s5, s18  }
0xf: {  	s20 =	sadd.s32 s6, s18;
	[dreg:$0x6] =	wrdreg s21;
	s22 =	sadd.s32 s6, s9  }
0x10: {  	[dreg:$0x9] =	wrdreg s23;
	s21 =	sadd.s32 $0x6E20, s25;
	s26 =	sadd.s32 s10, s6  }
0x11: {  	s23 =	simm.s32 $0x200;
	s25 =	simm.s32 $0x80;
	[dreg:$0x4] =	wrdreg s19  }
0x12: {  	s10 =	simm.s32 $0x0;
	s7 =	sadd.s32 s8, s3;
	[dreg:$0x5] =	wrdreg s20  }
.Ltmp0:
0x13: {  	[dreg:$0x7] =	wrdreg s22;
	s1 =	sadd.s32 $0x17800, s1;
	(pc) =	sbr.rel .LBB2_1-.Ltmp0, $4  }
0x14: {  	s19 =	sadd.s32 s24, s6;
	s20 =	sadd.s32 s24, s5;
	s22 =	sadd.s32 $0x6E20, s26  }
0x15: {  	s24 =	simm.s32 $0x6;
	s26 =	simm.s32 $0x100;
	s8 =	simm.s32 $0x5  }
0x16: {  	[dreg:$0x8] =	wrdreg s1;
	s15 =	sadd.s32 $0x4000, s7;
	s16 =	sadd.s32 $0x8000, s7  }
0x17: {  	v0 =	vimm.f32 $0.0e+00;
	s17 =	sadd.s32 $0xC000, s7;
	s18 =	sadd.s32 $0x10000, s7;
	s1 =	simm.s32 $0x4  }
.LBB2_6:
0x18: {  	s12 =	sadd.s32 $0x6F0, s2;
	s11 =	sadd.s32 s11, s19;
	[sflag:s24] =	ssyncadd.s32 $0xFFFFC000  }
0x19: {  	[tilespmem:s26], [sflag:$0x4] =	stream.linear.gather [hbm4b:s12+s4], $0x80, $0x38;
	[tilespmem:$0x18200] =	vst v63  }
0x1a: {  	s14 =	sadd.s32 $0x6F0, s11  }
0x1b: {  	[tilespmem:s28], [sflag:$0x5] =	stream.linear.gather [hbm4b:s14+s4], $0x80, $0x38;
	[tilespmem:$0x18200] =	vst v63  }
0x1c: {  	_ =	swait.ge [sflag:s29], $0x80  }
0x1d: {  	[sflag:s29] =	ssyncset.done $0x0  }
0x1e: {  	[sflag:s29] =	ssyncadd.s32 $0xFFFFFF80  }
0x1f: {  	_ =	swait.ge [sflag:s30], $0x80  }
0x20: {  	[sflag:s30] =	ssyncset.done $0x0  }
0x21: {  	[sflag:s30] =	ssyncadd.s32 $0xFFFFFF80  }
0x22: {  	[tilespmem:s23], [sflag:$0x1] =	stream.indirect.gather [hbm4b:s0+s25], $0x80, s4, s25, $0xb8;
	[tilespmem:$0x18200] =	vst v63  }
0x23: {  	_ =	swait.ge [sflag:s31], $0x4000  }
0x24: {  	[sflag:s31] =	ssyncset.done $0x0  }
0x25: {  	[sflag:s31] =	ssyncadd.s32 $0xFFFFC000  }
0x26: {  	[spmem:s3] =	stream.indirect.scatter.add.f32 [tilespmem:s23], [sflag:$0x6], $0x80, s25, s25, $0xb8;
	[tilespmem:$0x18200] =	vst v63  }
0x27: {  	_ =	swait.ge [sflag:s24], $0x4000  }
0x28: {  	[sflag:s24] =	ssyncset.done $0x0  }
0x29: {  	s13 =	sadd.s32 $0x700, s2;
	[sflag:s24] =	ssyncadd.s32 $0xFFFFC000  }
0x2a: {  	[tilespmem:s4], [sflag:$0x2] =	stream.linear.gather [hbm4b:s13+s4], $0x80, $0x38;
	[tilespmem:$0x18200] =	vst v63  }
0x2b: {  	s14 =	sadd.s32 $0x700, s11  }
0x2c: {  	[tilespmem:s25], [sflag:$0x3] =	stream.linear.gather [hbm4b:s14+s4], $0x80, $0x38;
	[tilespmem:$0x18200] =	vst v63  }
0x2d: {  	_ =	swait.ge [sflag:s1], $0x80  }
0x2e: {  	[sflag:s1] =	ssyncset.done $0x0  }
0x2f: {  	[sflag:s1] =	ssyncadd.s32 $0xFFFFFF80  }
0x30: {  	_ =	swait.ge [sflag:s8], $0x80  }
0x31: {  	[sflag:s8] =	ssyncset.done $0x0  }
0x32: {  	[sflag:s8] =	ssyncadd.s32 $0xFFFFFF80  }
0x33: {  	[tilespmem:s23], [sflag:$0x1] =	stream.indirect.gather [hbm4b:s0+s25], $0x80, s26, s25, $0xb8;
	[tilespmem:$0x18200] =	vst v63  }
0x34: {  	_ =	swait.ge [sflag:s31], $0x4000  }
0x35: {  	[sflag:s31] =	ssyncset.done $0x0  }
0x36: {  	[sflag:s31] =	ssyncadd.s32 $0xFFFFC000  }
0x37: {  	[spmem:s3] =	stream.indirect.scatter.add.f32 [tilespmem:s23], [sflag:$0x6], $0x80, s28, s25, $0xb8;
	[tilespmem:$0x18200] =	vst v63  }
0x38: {  	_ =	swait.ge [sflag:s24], $0x4000  }
0x39: {  	[sflag:s24] =	ssyncset.done $0x0  }
0x3a: {  	[sflag:s24] =	ssyncadd.s32 $0xFFFFC000  }
.LBB2_10:
0x3b: {  	_ =	swait.ge [sflag:s29], $0x80  }
0x3c: {  	[sflag:s29] =	ssyncset.done $0x0  }
0x3d: {  	[sflag:s29] =	ssyncadd.s32 $0xFFFFFF80  }
0x3e: {  	_ =	swait.ge [sflag:s30], $0x80  }
0x3f: {  	[sflag:s30] =	ssyncset.done $0x0  }
0x40: {  	s2 =	stileid.u32;
	[sflag:s30] =	ssyncadd.s32 $0xFFFFFF80  }
0x41: {  	s2 =	sshll.u32 s2, $0x6;
	[bflag:$0x0] =	sbarrier.arrive $0xFFFF  }
0x42: {  	s11 =	sshrl.u32 s7, $0x3;
	s2 =	sor.u32 $0x1C06, s2;
	s12 =	rddreg [dreg:$0x8]  }
0x43: {  	[hbm:s12], [sflag:s2] =	dma.local [spmem:s11], $0x2800  }
0x44: {  	_ =	swait.ge [sflag:s24], $0x2800  }
0x45: {  	s10 =	sadd.s32 $0x1, s10;
	s14 =	rddreg [dreg:$0x9]  }
0x46: {  	p1 =	sne.s32 s10, s14  }
.Ltmp1:
0x47: {  	_ = 	snop;
	(pc) =	sbr.rel @!p1 .LBB2_11-.Ltmp1, $3  }
0x48: {  	_ =	sdelay $0x1  }
0x49: {  	[sflag:s24] =	ssyncset.done $0x0  }
0x4a: {  	[sflag:s24] =	ssyncadd.s32 $0xFFFFD800  }
.LBB2_1:
0x4b: {  	s2 =	simm.s32 $0x0;
	s11 =	simm.s32 $0x200  }
.LBB2_2:
0x4c: {  	p1 =	sne.s32 s11, $0xFE00;
	[tilespmem:s2+$0x270] =	vst v0  }
0x4d: {  	[tilespmem:s2+$0x200] =	vst v0  }
0x4e: {  	[tilespmem:s2+$0x210] =	vst v0  }
.Ltmp2:
0x4f: {  	[tilespmem:s2+$0x220] =	vst v0;
	(pc) =	sbr.rel @p1 .LBB2_2-.Ltmp2, $4  }
0x50: {  	[tilespmem:s2+$0x230] =	vst v0  }
0x51: {  	[tilespmem:s2+$0x240] =	vst v0  }
0x52: {  	[tilespmem:s2+$0x250] =	vst v0  }
0x53: {  	[tilespmem:s2+$0x260] =	vst v0;
	s2 =	sshra.s32 s11, $0x2;
	s11 =	sadd.s32 $0x200, s11  }
0x54: {  	[tilespmem:s2+$0x270] =	vst v0  }
0x55: {  	[tilespmem:s2+$0x200] =	vst v0  }
0x56: {  	[tilespmem:s2+$0x210] =	vst v0  }
0x57: {  	[tilespmem:s2+$0x220] =	vst v0  }
0x58: {  	[tilespmem:s2+$0x230] =	vst v0  }
0x59: {  	[tilespmem:s2+$0x240] =	vst v0  }
0x5a: {  	[tilespmem:s2+$0x250] =	vst v0  }
0x5b: {  	[tilespmem:s2+$0x260] =	vst v0  }
0x5c: {  	[spmem:s7] =	stream.linear.scatter [tilespmem:s23], [sflag:$0x6], $0x4000, $0x38;
	[tilespmem:$0x18200] =	vst v63  }
0x5d: {  	_ =	swait.ge [sflag:s24], $0x4000  }
0x5e: {  	[sflag:s24] =	ssyncset.done $0x0  }
0x5f: {  	[sflag:s24] =	ssyncadd.s32 $0xFFFFC000  }
0x60: {  	[spmem:s15] =	stream.linear.scatter [tilespmem:s23], [sflag:$0x6], $0x4000, $0x38;
	[tilespmem:$0x18200] =	vst v63  }
0x61: {  	_ =	swait.ge [sflag:s24], $0x4000  }
0x62: {  	[sflag:s24] =	ssyncset.done $0x0  }
0x63: {  	[sflag:s24] =	ssyncadd.s32 $0xFFFFC000  }
0x64: {  	[spmem:s16] =	stream.linear.scatter [tilespmem:s23], [sflag:$0x6], $0x4000, $0x38;
	[tilespmem:$0x18200] =	vst v63  }
0x65: {  	_ =	swait.ge [sflag:s24], $0x4000  }
0x66: {  	[sflag:s24] =	ssyncset.done $0x0  }
0x67: {  	[sflag:s24] =	ssyncadd.s32 $0xFFFFC000  }
0x68: {  	[spmem:s17] =	stream.linear.scatter [tilespmem:s23], [sflag:$0x6], $0x4000, $0x38;
	[tilespmem:$0x18200] =	vst v63  }
0x69: {  	_ =	swait.ge [sflag:s24], $0x4000  }
0x6a: {  	[sflag:s24] =	ssyncset.done $0x0  }
0x6b: {  	[sflag:s24] =	ssyncadd.s32 $0xFFFFC000  }
0x6c: {  	[spmem:s18] =	stream.linear.scatter [tilespmem:s23], [sflag:$0x6], $0x4000, $0x38;
	[tilespmem:$0x18200] =	vst v63  }
.Ltmp3:
0x6d: {  	_ =	swait.ge [sflag:s24], $0x4000;
	(pc) =	sbr.rel @!p0 .LBB2_4-.Ltmp3, $3  }
0x6e: {  	[sflag:s24] =	ssyncset.done $0x0  }
0x6f: {  	[sflag:s24] =	ssyncadd.s32 $0xFFFFC000  }
0x70: {  	[bflag:$0x0] =	sbarrier.arrive $0xFFFF;
	_ =	sdelay $0x1  }
0x71: {  	s2 =	simm.s32 $0x0;
	s11 =	rddreg [dreg:$0x6]  }
0x72: {  	[tilespmem:s2], [sflag:$0x2] =	stream.linear.gather [hbm4b:s11+s2], $0x80, $0x38;
	[tilespmem:$0x18200] =	vst v63  }
0x73: {  	s12 =	rddreg [dreg:$0x7];
	s13 =	sadd.s32 $0x0, s9  }
0x74: {  	[tilespmem:s25], [sflag:$0x3] =	stream.linear.gather [hbm4b:s12+s2], $0x80, $0x38;
	[tilespmem:$0x18200] =	vst v63  }
0x75: {  	s11 =	sand.u32 $0x1FF80, s13;
	s2 =	sand.u32 $0x60, s2  }
0x76: {  	s2 =	sor.u32 s11, s2  }
0x77: {  	s2 =	sor.u32 $0x10, s2  }
0x78: {  	s14 =	sadd.s32 s5, s2  }
0x79: {  	[tilespmem:s26], [sflag:$0x4] =	stream.linear.gather [hbm4b:s14+s4], $0x80, $0x38;
	[tilespmem:$0x18200] =	vst v63  }
0x7a: {  	s2 =	sadd.s32 s6, s2  }
0x7b: {  	[tilespmem:s28], [sflag:$0x5] =	stream.linear.gather [hbm4b:s2+s4], $0x80, $0x38;
	[tilespmem:$0x18200] =	vst v63  }
0x7c: {  	_ =	swait.ge [sflag:s29], $0x80  }
0x7d: {  	[sflag:s29] =	ssyncset.done $0x0  }
0x7e: {  	[sflag:s29] =	ssyncadd.s32 $0xFFFFFF80  }
0x7f: {  	_ =	swait.ge [sflag:s30], $0x80  }
0x80: {  	[sflag:s30] =	ssyncset.done $0x0  }
0x81: {  	[sflag:s30] =	ssyncadd.s32 $0xFFFFFF80  }
0x82: {  	[tilespmem:s23], [sflag:$0x1] =	stream.indirect.gather [hbm4b:s0+s25], $0x80, s4, s25, $0xb8;
	[tilespmem:$0x18200] =	vst v63  }
0x83: {  	_ =	swait.ge [sflag:s31], $0x4000  }
0x84: {  	[sflag:s31] =	ssyncset.done $0x0  }
0x85: {  	[sflag:s31] =	ssyncadd.s32 $0xFFFFC000  }
0x86: {  	[spmem:s3] =	stream.indirect.scatter.add.f32 [tilespmem:s23], [sflag:$0x6], $0x80, s25, s25, $0xb8;
	[tilespmem:$0x18200] =	vst v63  }
0x87: {  	_ =	swait.ge [sflag:s24], $0x4000  }
0x88: {  	[sflag:s24] =	ssyncset.done $0x0  }
0x89: {  	s12 =	sadd.s32 $0x0, s21;
	[sflag:s24] =	ssyncadd.s32 $0xFFFFC000  }
0x8a: {  	[tilespmem:s4], [sflag:$0x2] =	stream.linear.gather [hbm4b:s12+s4], $0x80, $0x38;
	[tilespmem:$0x18200] =	vst v63  }
0x8b: {  	s13 =	sadd.s32 $0x0, s22  }
0x8c: {  	[tilespmem:s25], [sflag:$0x3] =	stream.linear.gather [hbm4b:s13+s4], $0x80, $0x38;
	[tilespmem:$0x18200] =	vst v63  }
0x8d: {  	_ =	swait.ge [sflag:s1], $0x80  }
0x8e: {  	[sflag:s1] =	ssyncset.done $0x0  }
0x8f: {  	[sflag:s1] =	ssyncadd.s32 $0xFFFFFF80  }
0x90: {  	_ =	swait.ge [sflag:s8], $0x80  }
0x91: {  	[sflag:s8] =	ssyncset.done $0x0  }
0x92: {  	[sflag:s8] =	ssyncadd.s32 $0xFFFFFF80  }
0x93: {  	[tilespmem:s23], [sflag:$0x1] =	stream.indirect.gather [hbm4b:s0+s25], $0x80, s26, s25, $0xb8;
	[tilespmem:$0x18200] =	vst v63  }
0x94: {  	_ =	swait.ge [sflag:s31], $0x4000  }
0x95: {  	[sflag:s31] =	ssyncset.done $0x0  }
0x96: {  	s11 =	simm.s32 $0x20;
	s14 =	sadd.s32 $0x20, s9;
	[sflag:s31] =	ssyncadd.s32 $0xFFFFC000  }
0x97: {  	[spmem:s3] =	stream.indirect.scatter.add.f32 [tilespmem:s23], [sflag:$0x6], $0x80, s28, s25, $0xb8;
	[tilespmem:$0x18200] =	vst v63  }
0x98: {  	s12 =	sand.u32 $0x1FF80, s14;
	s13 =	sand.u32 $0x60, s11;
	_ =	swait.ge [sflag:s24], $0x4000  }
0x99: {  	s2 =	simm.s32 $0x40;
	s13 =	sor.u32 s12, s13;
	[sflag:s24] =	ssyncset.done $0x0  }
.LBB2_8:
0x9a: {  	s13 =	sor.u32 $0x10, s13  }
0x9b: {  	[sflag:s24] =	ssyncadd.s32 $0xFFFFC000;
	s14 =	smov.u32 s2;
	s12 =	sadd.s32 $0x20, s2  }
0x9c: {  	p1 =	sne.s32 s2, $0x2E0;
	s2 =	sadd.s32 s5, s13  }
0x9d: {  	[tilespmem:s26], [sflag:$0x4] =	stream.linear.gather [hbm4b:s2+s4], $0x80, $0x38;
	[tilespmem:$0x18200] =	vst v63  }
0x9e: {  	s2 =	sadd.s32 s6, s13  }
0x9f: {  	[tilespmem:s28], [sflag:$0x5] =	stream.linear.gather [hbm4b:s2+s4], $0x80, $0x38;
	[tilespmem:$0x18200] =	vst v63  }
0xa0: {  	_ =	swait.ge [sflag:s29], $0x80  }
0xa1: {  	[sflag:s29] =	ssyncset.done $0x0  }
0xa2: {  	[sflag:s29] =	ssyncadd.s32 $0xFFFFFF80  }
0xa3: {  	_ =	swait.ge [sflag:s30], $0x80  }
0xa4: {  	[sflag:s30] =	ssyncset.done $0x0  }
0xa5: {  	[sflag:s30] =	ssyncadd.s32 $0xFFFFFF80  }
0xa6: {  	[tilespmem:s23], [sflag:$0x1] =	stream.indirect.gather [hbm4b:s0+s25], $0x80, s4, s25, $0xb8;
	[tilespmem:$0x18200] =	vst v63  }
0xa7: {  	_ =	swait.ge [sflag:s31], $0x4000  }
0xa8: {  	[sflag:s31] =	ssyncset.done $0x0  }
0xa9: {  	[sflag:s31] =	ssyncadd.s32 $0xFFFFC000  }
0xaa: {  	[spmem:s3] =	stream.indirect.scatter.add.f32 [tilespmem:s23], [sflag:$0x6], $0x80, s25, s25, $0xb8;
	[tilespmem:$0x18200] =	vst v63  }
0xab: {  	_ =	swait.ge [sflag:s24], $0x4000  }
0xac: {  	[sflag:s24] =	ssyncset.done $0x0  }
0xad: {  	s2 =	sadd.s32 s11, s21;
	[sflag:s24] =	ssyncadd.s32 $0xFFFFC000  }
0xae: {  	[tilespmem:s4], [sflag:$0x2] =	stream.linear.gather [hbm4b:s2+s4], $0x80, $0x38;
	[tilespmem:$0x18200] =	vst v63  }
0xaf: {  	s2 =	sadd.s32 s11, s22;
	s11 =	smov.u32 s14  }
0xb0: {  	[tilespmem:s25], [sflag:$0x3] =	stream.linear.gather [hbm4b:s2+s4], $0x80, $0x38;
	[tilespmem:$0x18200] =	vst v63  }
0xb1: {  	_ =	swait.ge [sflag:s1], $0x80  }
0xb2: {  	[sflag:s1] =	ssyncset.done $0x0  }
0xb3: {  	[sflag:s1] =	ssyncadd.s32 $0xFFFFFF80  }
0xb4: {  	_ =	swait.ge [sflag:s8], $0x80  }
0xb5: {  	[sflag:s8] =	ssyncset.done $0x0  }
0xb6: {  	[sflag:s8] =	ssyncadd.s32 $0xFFFFFF80  }
0xb7: {  	[tilespmem:s23], [sflag:$0x1] =	stream.indirect.gather [hbm4b:s0+s25], $0x80, s26, s25, $0xb8;
	[tilespmem:$0x18200] =	vst v63  }
0xb8: {  	_ =	swait.ge [sflag:s31], $0x4000  }
.Ltmp4:
0xb9: {  	[sflag:s31] =	ssyncset.done $0x0;
	(pc) =	sbr.rel @p1 .LBB2_8-.Ltmp4, $4  }
0xba: {  	s2 =	sadd.s32 s11, s9;
	[sflag:s31] =	ssyncadd.s32 $0xFFFFC000  }
0xbb: {  	[spmem:s3] =	stream.indirect.scatter.add.f32 [tilespmem:s23], [sflag:$0x6], $0x80, s28, s25, $0xb8;
	[tilespmem:$0x18200] =	vst v63  }
0xbc: {  	s13 =	sand.u32 $0x60, s11;
	s2 =	sand.u32 $0x1FF80, s2;
	_ =	swait.ge [sflag:s24], $0x4000  }
0xbd: {  	s13 =	sor.u32 s2, s13;
	s2 =	smov.u32 s12;
	[sflag:s24] =	ssyncset.done $0x0  }
0xbe: {  	s2 =	sor.u32 $0x10, s13  }
0xbf: {  	[sflag:s24] =	ssyncadd.s32 $0xFFFFC000;
	s12 =	sadd.s32 s5, s2  }
0xc0: {  	[tilespmem:s26], [sflag:$0x4] =	stream.linear.gather [hbm4b:s12+s4], $0x80, $0x38;
	[tilespmem:$0x18200] =	vst v63  }
0xc1: {  	s2 =	sadd.s32 s6, s2  }
0xc2: {  	[tilespmem:s28], [sflag:$0x5] =	stream.linear.gather [hbm4b:s2+s4], $0x80, $0x38;
	[tilespmem:$0x18200] =	vst v63  }
0xc3: {  	_ =	swait.ge [sflag:s29], $0x80  }
0xc4: {  	[sflag:s29] =	ssyncset.done $0x0  }
0xc5: {  	[sflag:s29] =	ssyncadd.s32 $0xFFFFFF80  }
0xc6: {  	_ =	swait.ge [sflag:s30], $0x80  }
0xc7: {  	[sflag:s30] =	ssyncset.done $0x0  }
0xc8: {  	[sflag:s30] =	ssyncadd.s32 $0xFFFFFF80  }
0xc9: {  	[tilespmem:s23], [sflag:$0x1] =	stream.indirect.gather [hbm4b:s0+s25], $0x80, s4, s25, $0xb8;
	[tilespmem:$0x18200] =	vst v63  }
0xca: {  	_ =	swait.ge [sflag:s31], $0x4000  }
0xcb: {  	[sflag:s31] =	ssyncset.done $0x0  }
0xcc: {  	[sflag:s31] =	ssyncadd.s32 $0xFFFFC000  }
0xcd: {  	[spmem:s3] =	stream.indirect.scatter.add.f32 [tilespmem:s23], [sflag:$0x6], $0x80, s25, s25, $0xb8;
	[tilespmem:$0x18200] =	vst v63  }
0xce: {  	_ =	swait.ge [sflag:s24], $0x4000  }
0xcf: {  	[sflag:s24] =	ssyncset.done $0x0  }
0xd0: {  	s13 =	sadd.s32 s11, s21;
	[sflag:s24] =	ssyncadd.s32 $0xFFFFC000  }
0xd1: {  	[tilespmem:s4], [sflag:$0x2] =	stream.linear.gather [hbm4b:s13+s4], $0x80, $0x38;
	[tilespmem:$0x18200] =	vst v63  }
0xd2: {  	s14 =	sadd.s32 s11, s22  }
0xd3: {  	[tilespmem:s25], [sflag:$0x3] =	stream.linear.gather [hbm4b:s14+s4], $0x80, $0x38;
	[tilespmem:$0x18200] =	vst v63  }
0xd4: {  	_ =	swait.ge [sflag:s1], $0x80  }
0xd5: {  	[sflag:s1] =	ssyncset.done $0x0  }
0xd6: {  	[sflag:s1] =	ssyncadd.s32 $0xFFFFFF80  }
0xd7: {  	_ =	swait.ge [sflag:s8], $0x80  }
0xd8: {  	[sflag:s8] =	ssyncset.done $0x0  }
0xd9: {  	[sflag:s8] =	ssyncadd.s32 $0xFFFFFF80  }
0xda: {  	[tilespmem:s23], [sflag:$0x1] =	stream.indirect.gather [hbm4b:s0+s25], $0x80, s26, s25, $0xb8;
	[tilespmem:$0x18200] =	vst v63  }
0xdb: {  	_ =	swait.ge [sflag:s31], $0x4000  }
0xdc: {  	[sflag:s31] =	ssyncset.done $0x0  }
.Ltmp5:
0xdd: {  	[sflag:s31] =	ssyncadd.s32 $0xFFFFC000;
	(pc) =	sbr.rel .LBB2_10-.Ltmp5, $4  }
0xde: {  	[spmem:s3] =	stream.indirect.scatter.add.f32 [tilespmem:s23], [sflag:$0x6], $0x80, s28, s25, $0xb8;
	[tilespmem:$0x18200] =	vst v63  }
0xdf: {  	_ =	swait.ge [sflag:s24], $0x4000  }
0xe0: {  	[sflag:s24] =	ssyncset.done $0x0  }
0xe1: {  	[sflag:s24] =	ssyncadd.s32 $0xFFFFC000  }
.LBB2_4:
0xe2: {  	s2 =	rddreg [dreg:$0x4]  }
0xe3: {  	[tilespmem:s4], [sflag:$0x2] =	stream.linear.gather [hbm4b:s2+s4], $0x80, $0x38;
	[tilespmem:$0x18200] =	vst v63  }
0xe4: {  	s13 =	rddreg [dreg:$0x5];
	s14 =	sadd.s32 $0xFFFFF920, s20  }
0xe5: {  	[tilespmem:s25], [sflag:$0x3] =	stream.linear.gather [hbm4b:s13+s4], $0x80, $0x38;
	[tilespmem:$0x18200] =	vst v63  }
0xe6: {  	s12 =	sadd.s32 $0xFFFFF920, s19;
	s11 =	sadd.s32 $0x6F0, s14  }
0xe7: {  	[tilespmem:s26], [sflag:$0x4] =	stream.linear.gather [hbm4b:s11+s4], $0x80, $0x38;
	[tilespmem:$0x18200] =	vst v63  }
0xe8: {  	s13 =	sadd.s32 $0x6F0, s12  }
0xe9: {  	[tilespmem:s28], [sflag:$0x5] =	stream.linear.gather [hbm4b:s13+s4], $0x80, $0x38;
	[tilespmem:$0x18200] =	vst v63  }
0xea: {  	_ =	swait.ge [sflag:s29], $0x80  }
0xeb: {  	[sflag:s29] =	ssyncset.done $0x0  }
0xec: {  	[sflag:s29] =	ssyncadd.s32 $0xFFFFFF80  }
0xed: {  	_ =	swait.ge [sflag:s30], $0x80  }
0xee: {  	[sflag:s30] =	ssyncset.done $0x0  }
0xef: {  	[sflag:s30] =	ssyncadd.s32 $0xFFFFFF80  }
0xf0: {  	[tilespmem:s23], [sflag:$0x1] =	stream.indirect.gather [hbm4b:s0+s25], $0x80, s4, s25, $0xb8;
	[tilespmem:$0x18200] =	vst v63  }
0xf1: {  	_ =	swait.ge [sflag:s31], $0x4000  }
0xf2: {  	[sflag:s31] =	ssyncset.done $0x0  }
0xf3: {  	[sflag:s31] =	ssyncadd.s32 $0xFFFFC000  }
0xf4: {  	[spmem:s3] =	stream.indirect.scatter.add.f32 [tilespmem:s23], [sflag:$0x6], $0x80, s25, s25, $0xb8;
	[tilespmem:$0x18200] =	vst v63  }
0xf5: {  	_ =	swait.ge [sflag:s24], $0x4000  }
0xf6: {  	[sflag:s24] =	ssyncset.done $0x0  }
0xf7: {  	s2 =	sadd.s32 $0x700, s14;
	[sflag:s24] =	ssyncadd.s32 $0xFFFFC000  }
0xf8: {  	[tilespmem:s4], [sflag:$0x2] =	stream.linear.gather [hbm4b:s2+s4], $0x80, $0x38;
	[tilespmem:$0x18200] =	vst v63  }
0xf9: {  	s14 =	sadd.s32 $0x700, s12  }
0xfa: {  	[tilespmem:s25], [sflag:$0x3] =	stream.linear.gather [hbm4b:s14+s4], $0x80, $0x38;
	[tilespmem:$0x18200] =	vst v63  }
0xfb: {  	_ =	swait.ge [sflag:s1], $0x80  }
0xfc: {  	[sflag:s1] =	ssyncset.done $0x0  }
0xfd: {  	[sflag:s1] =	ssyncadd.s32 $0xFFFFFF80  }
0xfe: {  	_ =	swait.ge [sflag:s8], $0x80  }
0xff: {  	[sflag:s8] =	ssyncset.done $0x0  }
0x100: {  	[sflag:s8] =	ssyncadd.s32 $0xFFFFFF80  }
0x101: {  	[tilespmem:s23], [sflag:$0x1] =	stream.indirect.gather [hbm4b:s0+s25], $0x80, s26, s25, $0xb8;
	[tilespmem:$0x18200] =	vst v63  }
0x102: {  	_ =	swait.ge [sflag:s31], $0x4000  }
0x103: {  	[sflag:s31] =	ssyncset.done $0x0  }
0x104: {  	[sflag:s31] =	ssyncadd.s32 $0xFFFFC000  }
0x105: {  	[spmem:s3] =	stream.indirect.scatter.add.f32 [tilespmem:s23], [sflag:$0x6], $0x80, s28, s25, $0xb8;
	[tilespmem:$0x18200] =	vst v63  }
0x106: {  	s12 =	simm.s32 $0xFFFFF960;
	_ =	swait.ge [sflag:s24], $0x4000  }
0x107: {  	s11 =	simm.s32 $0xFFFFF940;
	s2 =	sadd.s32 $0xFFFFF940, s20;
	[sflag:s24] =	ssyncset.done $0x0  }
.LBB2_5:
0x108: {  	s13 =	sadd.s32 $0x6F0, s2  }
0x109: {  	s14 =	sadd.s32 s11, s19;
	[sflag:s24] =	ssyncadd.s32 $0xFFFFC000;
	s11 =	smov.u32 s12  }
0x10a: {  	[tilespmem:s26], [sflag:$0x4] =	stream.linear.gather [hbm4b:s13+s4], $0x80, $0x38;
	[tilespmem:$0x18200] =	vst v63  }
0x10b: {  	p1 =	seq.s32 s12, $0xFFFFFFE0;
	s12 =	sadd.s32 $0x20, s12;
	s13 =	sadd.s32 $0x6F0, s14  }
0x10c: {  	[tilespmem:s28], [sflag:$0x5] =	stream.linear.gather [hbm4b:s13+s4], $0x80, $0x38;
	[tilespmem:$0x18200] =	vst v63  }
0x10d: {  	_ =	swait.ge [sflag:s29], $0x80  }
0x10e: {  	[sflag:s29] =	ssyncset.done $0x0  }
0x10f: {  	[sflag:s29] =	ssyncadd.s32 $0xFFFFFF80  }
0x110: {  	_ =	swait.ge [sflag:s30], $0x80  }
0x111: {  	[sflag:s30] =	ssyncset.done $0x0  }
0x112: {  	[sflag:s30] =	ssyncadd.s32 $0xFFFFFF80  }
0x113: {  	[tilespmem:s23], [sflag:$0x1] =	stream.indirect.gather [hbm4b:s0+s25], $0x80, s4, s25, $0xb8;
	[tilespmem:$0x18200] =	vst v63  }
0x114: {  	_ =	swait.ge [sflag:s31], $0x4000  }
0x115: {  	[sflag:s31] =	ssyncset.done $0x0  }
0x116: {  	[sflag:s31] =	ssyncadd.s32 $0xFFFFC000  }
0x117: {  	[spmem:s3] =	stream.indirect.scatter.add.f32 [tilespmem:s23], [sflag:$0x6], $0x80, s25, s25, $0xb8;
	[tilespmem:$0x18200] =	vst v63  }
0x118: {  	_ =	swait.ge [sflag:s24], $0x4000  }
0x119: {  	[sflag:s24] =	ssyncset.done $0x0  }
0x11a: {  	s2 =	sadd.s32 $0x700, s2;
	[sflag:s24] =	ssyncadd.s32 $0xFFFFC000  }
0x11b: {  	[tilespmem:s4], [sflag:$0x2] =	stream.linear.gather [hbm4b:s2+s4], $0x80, $0x38;
	[tilespmem:$0x18200] =	vst v63  }
0x11c: {  	s2 =	sadd.s32 $0x700, s14  }
0x11d: {  	[tilespmem:s25], [sflag:$0x3] =	stream.linear.gather [hbm4b:s2+s4], $0x80, $0x38;
	[tilespmem:$0x18200] =	vst v63  }
0x11e: {  	_ =	swait.ge [sflag:s1], $0x80  }
0x11f: {  	[sflag:s1] =	ssyncset.done $0x0  }
0x120: {  	[sflag:s1] =	ssyncadd.s32 $0xFFFFFF80  }
0x121: {  	_ =	swait.ge [sflag:s8], $0x80  }
0x122: {  	[sflag:s8] =	ssyncset.done $0x0  }
0x123: {  	[sflag:s8] =	ssyncadd.s32 $0xFFFFFF80  }
0x124: {  	[tilespmem:s23], [sflag:$0x1] =	stream.indirect.gather [hbm4b:s0+s25], $0x80, s26, s25, $0xb8;
	[tilespmem:$0x18200] =	vst v63  }
0x125: {  	_ =	swait.ge [sflag:s31], $0x4000  }
.Ltmp6:
0x126: {  	[sflag:s31] =	ssyncset.done $0x0;
	(pc) =	sbr.rel @!p1 .LBB2_5-.Ltmp6, $4  }
0x127: {  	[sflag:s31] =	ssyncadd.s32 $0xFFFFC000  }
0x128: {  	[spmem:s3] =	stream.indirect.scatter.add.f32 [tilespmem:s23], [sflag:$0x6], $0x80, s28, s25, $0xb8;
	[tilespmem:$0x18200] =	vst v63  }
0x129: {  	_ =	swait.ge [sflag:s24], $0x4000  }
0x12a: {  	s2 =	sadd.s32 s11, s20;
	[sflag:s24] =	ssyncset.done $0x0  }
.Ltmp7:
0x12b: {  	_ = 	snop;
	(pc) =	sbr.rel .LBB2_6-.Ltmp7, $1  }
0x12c: {  	_ =	sdelay $0x3  }
.LBB2_11:
0x12d: {  	_ =	sfence.sel $0x180000  }
0x12e: {  	[bflag:$0x0] =	sbarrier.arrive $0xFFFF  }
0x12f: {  	_ =	strace $0x9000004A  }
0x130: {  	s0 =	stileid.u32;
	[bflag:$0x2] =	sbarrier.arrive $0xFFFF  }
0x131: {  	p0 =	sne.s32 s0, $0x0;
	s0 =	rddreg [dreg:$0x3]  }
0x132: {  	s0 =	sadd.s32 @!p0 $0x100000, s0  }
0x133: {  	[sflag:s0] =	ssyncadd.tile.s32 @!p0 $0x1;
	_ =	shalt  }
.Lfunc_end2:
_tile_overlayer_lowered:
.L_overlay_start_2:
0x134: {  	(tag) =	ssettag $0x2  }
0x135: {  	s0 =	rddreg [dreg:$0x0];
	s2 =	stileid.u32  }
0x136: {  	s1 =	rddreg [dreg:$0x1];
	p0 =	sne.s32 s2, $0x0  }
0x137: {  	s3 =	rddreg [dreg:$0x2];
	[bflag:$0x3] =	sbarrier.arrive $0xFFFF;
	s2 =	simm.s32 @!p0 $0x1C06  }
0x138: {  	[timem:s3], [sflag:s2] =	dma.local @!p0 [hbm:s0], s1  }
0x139: {  	s0 =	simm.s32 @!p0 $0x6  }
0x13a: {  	_ =	swait.ge @!p0 [sflag:s0], s1  }
0x13b: {  	s1 =	ssub.s32 @!p0 $0x0, s1;
	[sflag:s0] =	ssyncset.done @!p0 $0x0  }
0x13c: {  	[sflag:s0] =	ssyncadd.s32 @!p0 s1  }
0x13d: {  	[bflag:$0x3] =	sbarrier.arrive $0xFFFF  }
0x13e: {  	_ =	shalt  }

// kernel: sc_segsum.8.cloned.1.call-start
scs
__scs_entry_jumppad:
0x0: {  	(pc) =	sbr.rel $0x88, $3  }
0x1: {  	(tag) =	ssettag $0x0;
	lr =	simm.s32 $0x1  }
0x2: {  	[smem:$0x3F96] =	sst lr;
	_ =	strace $0xD0000000  }
0x3: {  	_ = 	snop  }
0x4: {  	_ = 	snop  }
0x5: {  	_ = 	snop  }
0x6: {  	_ = 	snop  }
0x7: {  	_ = 	snop  }
__scs_overlays_trampoline_lowered:
0x8: {  	[smem:$0x3FA5] =	sst s0  }
0x9: {  	[smem:$0x3FA6] =	sst s1  }
0xa: {  	[smem:$0x3FA7] =	sst s2  }
0xb: {  	[smem:$0x3FA8] =	sst s3  }
0xc: {  	[smem:$0x3FA9] =	sst s4  }
0xd: {  	[smem:$0x3FAA] =	sst s5  }
0xe: {  	[smem:$0x3FAB] =	sst s6  }
0xf: {  	[smem:$0x3FAC] =	sst s7  }
0x10: {  	[smem:$0x3FAD] =	sst s8  }
0x11: {  	[smem:$0x3FAE] =	sst s9;
	s0 =	simm.s32 @!p0 $0x0  }
0x12: {  	s1 =	sld [smem:$0x3F94];
	s0 =	simm.s32 @p0 $0x1  }
0x13: {  	[smem:$0x3FAF] =	sst s0;
	s0 =	simm.s32 @!p1 $0x0  }
0x14: {  	s2 =	sld [smem:$0x3F93];
	s0 =	simm.s32 @p1 $0x1  }
0x15: {  	[smem:$0x3FB0] =	sst s0;
	s0 =	simm.s32 @!p2 $0x0  }
0x16: {  	s3 =	sld [smem:$0x3FDB];
	s0 =	simm.s32 @p2 $0x1  }
0x17: {  	s4 =	simm.s32 $0x1BF5;
	[smem:$0x3FB2] =	sst s0  }
0x18: {  	s0 =	sld [smem:$0x3F95];
	_ =	swait.ge [sflag:s4], $0x0  }
0x19: {  	s7 =	sld [smem:$0x3F96]  }
0x1a: {  	s8 =	sadd.s32 $0xFFFFE003, lr  }
0x1b: {  	s9 =	sadd.s32 $0xFFFFFEF7, lr;
	s5 =	simm.s32 $0xFFFFFFFF;
	p2 =	slt.u32 s8, $0xFFFFF086  }
0x1c: {  	p1 =	slt.u32 s9, $0xF7A;
	s5 =	simm.s32 @!p2 $0x0  }
0x1d: {  	s5 =	simm.s32 @p1 $0x1;
	p0 =	seq.s32 s7, s2  }
0x1e: {  	s7 =	smul.u32 @!p0 $0xF7A, s2;
	p2 =	seq.s32 @!p0 s5, $0x0  }
0x1f: {  	s9 =	smul.u32 $0xF7A, s1;
	s8 =	simm.s32 @!p0 $0x1BF5;
	p2 =	por !p2, p0  }
0x20: {  	[sflag:s8] =	ssyncset.s32 @!p0 $0xFFFFF086;
	s6 =	sadd.s32 @!p0 s3, s7;
	s7 =	simm.s32 @!p0 $0x108  }
0x21: {  	s3 =	sadd.s32 s3, s9;
	s6 =	sadd.s32 @!p0 $0x88, s6;
	s7 =	simm.s32 @p2 $0x1082  }
0x22: {  	[simem:s7], [sflag:s8] =	dma.local @!p0 [hbm:s6], $0xF7A  }
0x23: {  	s9 =	sor.u32 $0xD0000000, s2;
	s6 =	simm.s32 $0x108;
	_ =	swait.ge @!p0 [sflag:s8], $0x0  }
0x24: {  	s3 =	sadd.s32 $0x88, s3;
	s6 =	simm.s32 @!p1 $0x1082;
	[sflag:s4] =	ssyncset.s32 $0xFFFFF086  }
0x25: {  	[simem:s6], [sflag:s4] =	dma.local [hbm:s3], $0xF7A  }
0x26: {  	[smem:$0x3F96] =	sst s1;
	(tag) =	ssettag s2;
	_ =	strace s9  }
0x27: {  	s1 =	sld [smem:$0x3FA6]  }
0x28: {  	s2 =	sld [smem:$0x3FA7]  }
0x29: {  	s4 =	sld [smem:$0x3FA9]  }
0x2a: {  	p0 =	seq.s32 s5, $0x0;
	s5 =	sld [smem:$0x3FAA]  }
0x2b: {  	s6 =	sld [smem:$0x3FAB]  }
0x2c: {  	s7 =	sld [smem:$0x3FAC]  }
0x2d: {  	s3 =	simm.s32 $0x108;
	s8 =	sld [smem:$0x3FAD]  }
0x2e: {  	s3 =	simm.s32 @!p0 $0x1082;
	s9 =	sld [smem:$0x3FAE]  }
0x2f: {  	lr =	sadd.s32 s0, s3;
	s0 =	sld [smem:$0x3FA5]  }
0x30: {  	s3 =	sld [smem:$0x3FA8]  }
0x31: {  	[smem:$0x3FB1] =	sst s10  }
0x32: {  	s10 =	sld [smem:$0x3FAF];
	_ =	sdelay $0x3  }
0x33: {  	p0 =	seq.s32 s10, $0x1;
	s10 =	sld [smem:$0x3FB1];
	_ =	sdelay $0x3  }
0x34: {  	[smem:$0x3FB1] =	sst s10  }
0x35: {  	s10 =	sld [smem:$0x3FB0];
	_ =	sdelay $0x3  }
0x36: {  	p1 =	seq.s32 s10, $0x1;
	s10 =	sld [smem:$0x3FB1];
	_ =	sdelay $0x3  }
0x37: {  	[smem:$0x3FB1] =	sst s10  }
0x38: {  	s10 =	sld [smem:$0x3FB2]  }
0x39: {  	_ = 	snop;
	(pc) =	sbr.ind lr, $3  }
0x3a: {  	_ = 	snop  }
0x3b: {  	_ = 	snop  }
0x3c: {  	p2 =	seq.s32 s10, $0x1;
	s10 =	sld [smem:$0x3FB1]  }
0x3d: {  	_ =	shalt  }
0x3e: {  	_ =	shalt  }
0x3f: {  	_ =	shalt  }
0x40: {  	_ =	shalt  }
0x41: {  	_ =	shalt  }
0x42: {  	_ =	shalt  }
0x43: {  	_ =	shalt  }
0x44: {  	_ =	shalt  }
0x45: {  	_ =	shalt  }
0x46: {  	_ =	shalt  }
0x47: {  	_ =	shalt  }
0x48: {  	_ =	shalt  }
0x49: {  	_ =	shalt  }
0x4a: {  	_ =	shalt  }
0x4b: {  	_ =	shalt  }
0x4c: {  	_ =	shalt  }
0x4d: {  	_ =	shalt  }
0x4e: {  	_ =	shalt  }
0x4f: {  	_ =	shalt  }
0x50: {  	_ =	shalt  }
0x51: {  	_ =	shalt  }
0x52: {  	_ =	shalt  }
0x53: {  	_ =	shalt  }
0x54: {  	_ =	shalt  }
0x55: {  	_ =	shalt  }
0x56: {  	_ =	shalt  }
0x57: {  	_ =	shalt  }
0x58: {  	_ =	shalt  }
0x59: {  	_ =	shalt  }
0x5a: {  	_ =	shalt  }
0x5b: {  	_ =	shalt  }
0x5c: {  	_ =	shalt  }
0x5d: {  	_ =	shalt  }
0x5e: {  	_ =	shalt  }
0x5f: {  	_ =	shalt  }
0x60: {  	_ =	shalt  }
0x61: {  	_ =	shalt  }
0x62: {  	_ =	shalt  }
0x63: {  	_ =	shalt  }
0x64: {  	_ =	shalt  }
0x65: {  	_ =	shalt  }
0x66: {  	_ =	shalt  }
0x67: {  	_ =	shalt  }
0x68: {  	_ =	shalt  }
0x69: {  	_ =	shalt  }
0x6a: {  	_ =	shalt  }
0x6b: {  	_ =	shalt  }
0x6c: {  	_ =	shalt  }
0x6d: {  	_ =	shalt  }
0x6e: {  	_ =	shalt  }
0x6f: {  	_ =	shalt  }
0x70: {  	_ =	shalt  }
0x71: {  	_ =	shalt  }
0x72: {  	_ =	shalt  }
0x73: {  	_ =	shalt  }
0x74: {  	_ =	shalt  }
0x75: {  	_ =	shalt  }
0x76: {  	_ =	shalt  }
0x77: {  	_ =	shalt  }
0x78: {  	_ =	shalt  }
0x79: {  	_ =	shalt  }
0x7a: {  	_ =	shalt  }
0x7b: {  	_ =	shalt  }
0x7c: {  	_ =	shalt  }
0x7d: {  	_ =	shalt  }
0x7e: {  	_ =	shalt  }
0x7f: {  	_ =	shalt  }
0x80: {  	_ =	shalt  }
0x81: {  	_ =	shalt  }
0x82: {  	_ =	shalt  }
0x83: {  	_ =	shalt  }
0x84: {  	_ =	shalt  }
0x85: {  	_ =	shalt  }
0x86: {  	_ =	shalt  }
0x87: {  	_ =	shalt  }
.Lfunc_end0:
.L_simem_size_0:
called_computation.2_lowered:
.L_overlay_start_0:
0x88: {  	s2 =	sld [smem:$0x3FD9]  }
0x89: {  	s3 =	sld [smem:$0x3FFE];
	_ =	sdelay $0x1  }
0x8a: {  	s1 =	srdreg.scid  }
0x8b: {  	s0 =	sand.u32 $0x1, s1  }
0x8c: {  	s17 =	sshll.u32 s0, $0xA;
	s2 =	sadd.s32 s3, s2  }
0x8d: {  	s2 =	sadd.s32 s2, s17  }
0x8e: {  	[smem:$0x3FBD] =	sst s2  }
0x8f: {  	_ = 	snop  }
0x90: {  	s2 =	sld [smem:$0x3FD0];
	(tm) =	ssettm $0x1  }
0x91: {  	s18 =	sld [smem:$0x3FFB];
	_ =	sdelay $0x3  }
0x92: {  	_ =	strace s18  }
0x93: {  	s3 =	sld [smem:$0x3FFC];
	_ =	sdelay $0x3  }
0x94: {  	_ =	strace s3  }
0x95: {  	s3 =	sld [smem:$0x3FFD];
	_ =	sdelay $0x3  }
0x96: {  	_ =	strace s3  }
0x97: {  	_ =	strace $0x8FFFFFFF  }
0x98: {  	s19 =	sld [smem:$0x3FDB];
	_ =	sdelay $0x1  }
0x99: {  	s4 =	simm.s32 $_scs_section_size  }
0x9a: {  	s5 =	simm.s32 $_size__tile_overlayer_lowered;
	s6 =	simm.s32 $_tile_overlayer_lowered  }
0x9b: {  	s22 =	simm.s32 $0x1BFF;
	s21 =	sshll.u32 s6, $0x1;
	s3 =	sadd.s32 s4, s19  }
0x9c: {  	s7 =	simm.s32 $0x0;
	s20 =	sshll.u32 s5, $0x1;
	s5 =	sadd.s32 s21, s3  }
0x9d: {  	[timem:s7], [sflag:s22] =	dma.local [hbm:s5], s20  }
0x9e: {  	_ =	swait.ge [sflag:s22], s20  }
0x9f: {  	s4 =	ssub.s32 $0x0, s20;
	[sflag:s22] =	ssyncset.done $0x0  }
0xa0: {  	[sflag:s22] =	ssyncadd.s32 s4;
	_ =	sdelay $0x1  }
0xa1: {  	s23 =	simm.s32 $0x1B8B  }
0xa2: {  	_ =	swait.ge [sflag:s23], $0x1  }
0xa3: {  	[sflag:s23] =	ssyncset.done $0x0  }
0xa4: {  	s25 =	simm.s32 $0x1B8E;
	s24 =	sld [smem:$0x3FFE];
	[sflag:s23] =	ssyncadd.s32 $0xFFFFFFFF  }
0xa5: {  	s26 =	simm.s32 $execute0_lowered;
	[smem:$0x3FD2] =	sst s25  }
0xa6: {  	s5 =	sshll.u32 s26, $0x1;
	_ =	strace $0x8000004C;
	[dreg:$0x1] =	wrdreg $0xFFFFFFFF  }
0xa7: {  	s28 =	simm.s32 $_size_execute0_lowered;
	s3 =	sadd.s32 s3, s5;
	[dreg:$0x0] =	wrdreg $0x0  }
0xa8: {  	s5 =	sshll.u32 s28, $0x1;
	[dreg:$0x2] =	wrdreg s3  }
0xa9: {  	[dreg:$0x3] =	wrdreg s5  }
0xaa: {  	[dreg:$0x4] =	wrdreg $0xC0  }
0xab: {  	_ =	task [dreg:s7], $0x5FFFF  }
0xac: {  	[dreg:$0x1] =	wrdreg $0xFFFFFFFF  }
0xad: {  	[dreg:$0x0] =	wrdreg $0x60  }
0xae: {  	[dreg:$0x2] =	wrdreg s2  }
0xaf: {  	[dreg:$0x3] =	wrdreg s24  }
0xb0: {  	[dreg:$0x4] =	wrdreg $0x42000  }
0xb1: {  	[dreg:$0x5] =	wrdreg $0x9  }
0xb2: {  	_ =	task.clear_ibuf [dreg:s7], $0x6FFFF;
	_ =	strace $0x9000004C  }
0xb3: {  	s29 =	simm.s32 $0x9;
	_ =	strace $0x8000004E  }
0xb4: {  	_ =	swait.ge [sflag:s29], $0x1  }
0xb5: {  	[sflag:s29] =	ssyncadd.s32 $0xFFFFFFFF  }
0xb6: {  	_ =	strace $0x9000004E  }
0xb7: {  	_ =	sfence  }
0xb8: {  	s30 =	sld [smem:$0x0];
	_ =	sdelay $0x2  }
0xb9: {  	s31 =	sshll.u32 s1, $0xD;
	s1 =	sshrl.u32 s1, $0x2  }
0xba: {  	s3 =	sand.u32 $0x4000, s31;
	s1 =	sadd.s32 s1, s30  }
0xbb: {  	s0 =	sor.u32 s3, s0;
	s1 =	sshll.u32 s1, $0x11  }
0xbc: {  	s0 =	sor.u32 s1, s0  }
0xbd: {  	s0 =	sadd.s32 $0x8F2B, s0  }
0xbe: {  	[sflag:s0] =	ssyncadd.remote.s32 $0x1  }
0xbf: {  	_ =	sfence.sel $0xFFFF  }
0xc0: {  	[dreg:$0x0] =	wrdreg $0xFFFFFFFF;
	(pc) =	sbr.abs _section_cstart, $3  }
0xc1: {  	[dreg:$0x1] =	wrdreg $0xFFFFFFFF  }
0xc2: {  	_ =	task.clear_ibuf [dreg:s7], $0x2FFFF;
	_ =	strace $0x9FFFFFFF  }
0xc3: {  	(tm) =	ssettm $0x7FFFFFFF  }
tec
execute0_lowered:
.L_overlay_start_1:
0x0: {  	(tag) =	ssettag $0x1  }
0x1: {  	s0 =	rddreg [dreg:$0x0]  }
0x2: {  	s1 =	rddreg [dreg:$0x1];
	s13 =	stileid.u32  }
0x3: {  	s2 =	srdreg.scid;
	s6 =	smul.u32 $0x14000, s13  }
0x4: {  	s3 =	rddreg [dreg:$0x2];
	s4 =	simm.s32 $0x0;
	s7 =	smul.u32 $0x3700, s13  }
0x5: {  	s28 =	simm.s32 $0x180;
	s29 =	simm.s32 $0x2;
	s10 =	smul.u32 $0x300, s13  }
0x6: {  	s30 =	simm.s32 $0x3;
	s31 =	simm.s32 $0x1;
	s17 =	smul.u32 $0x50000, s13  }
0x7: {  	s2 =	sand.u32 $0x1, s2;
	[smem:$0x7FF] =	sst s4;
	s24 =	smul.u32 $0x6E0, s13  }
0x8: {  	s5 =	smul.u32 $0x140000, s2;
	_ =	strace $0x8000004D;
	s9 =	ssub.s32 $0x2, s2  }
0x9: {  	p0 =	seq.s32 s2, $0x1;
	s7 =	sand.u32 $0x3FC00, s7;
	s11 =	sand.u32 $0x300, s10  }
0xa: {  	s12 =	sshrl.u32 s9, $0x1;
	s6 =	sadd.s32 s6, s5;
	s5 =	sadd.s32 $0xD800, s1  }
0xb: {  	s11 =	sor.u32 s11, s7;
	s12 =	ssub.s32 s9, s12;
	s9 =	sadd.s32 $0x6E00, s10  }
0xc: {  	s8 =	sshrl.u32 s6, $0x3;
	s6 =	sadd.s32 $0x3800, s1;
	s18 =	sshrl.u32 s11, $0x3  }
0xd: {  	s21 =	sadd.s32 s5, s9;
	s23 =	smax.u32 s12, $0x1;
	s25 =	sadd.s32 s10, s5  }
0xe: {  	s1 =	sadd.s32 s8, s1;
	s8 =	sshrl.u32 s17, $0x2;
	s19 =	sadd.s32 s5, s18  }
0xf: {  	s20 =	sadd.s32 s6, s18;
	[dreg:$0x6] =	wrdreg s21;
	s22 =	sadd.s32 s6, s9  }
0x10: {  	[dreg:$0x9] =	wrdreg s23;
	s21 =	sadd.s32 $0x6E20, s25;
	s26 =	sadd.s32 s10, s6  }
0x11: {  	s23 =	simm.s32 $0x200;
	s25 =	simm.s32 $0x80;
	[dreg:$0x4] =	wrdreg s19  }
0x12: {  	s10 =	simm.s32 $0x0;
	s7 =	sadd.s32 s8, s3;
	[dreg:$0x5] =	wrdreg s20  }
.Ltmp0:
0x13: {  	[dreg:$0x7] =	wrdreg s22;
	s1 =	sadd.s32 $0x17800, s1;
	(pc) =	sbr.rel .LBB2_1-.Ltmp0, $4  }
0x14: {  	s19 =	sadd.s32 s24, s6;
	s20 =	sadd.s32 s24, s5;
	s22 =	sadd.s32 $0x6E20, s26  }
0x15: {  	s24 =	simm.s32 $0x6;
	s26 =	simm.s32 $0x100;
	s8 =	simm.s32 $0x5  }
0x16: {  	[dreg:$0x8] =	wrdreg s1;
	s15 =	sadd.s32 $0x4000, s7;
	s16 =	sadd.s32 $0x8000, s7  }
0x17: {  	v0 =	vimm.f32 $0.0e+00;
	s17 =	sadd.s32 $0xC000, s7;
	s18 =	sadd.s32 $0x10000, s7;
	s1 =	simm.s32 $0x4  }
.LBB2_6:
0x18: {  	s12 =	sadd.s32 $0x6F0, s2;
	s11 =	sadd.s32 s11, s19;
	[sflag:s24] =	ssyncadd.s32 $0xFFFFC000  }
0x19: {  	[tilespmem:s26], [sflag:$0x4] =	stream.linear.gather [hbm4b:s12+s4], $0x80, $0x38;
	[tilespmem:$0x18200] =	vst v63  }
0x1a: {  	s14 =	sadd.s32 $0x6F0, s11  }
0x1b: {  	[tilespmem:s28], [sflag:$0x5] =	stream.linear.gather [hbm4b:s14+s4], $0x80, $0x38;
	[tilespmem:$0x18200] =	vst v63  }
0x1c: {  	_ =	swait.ge [sflag:s29], $0x80  }
0x1d: {  	[sflag:s29] =	ssyncset.done $0x0  }
0x1e: {  	[sflag:s29] =	ssyncadd.s32 $0xFFFFFF80  }
0x1f: {  	_ =	swait.ge [sflag:s30], $0x80  }
0x20: {  	[sflag:s30] =	ssyncset.done $0x0  }
0x21: {  	[sflag:s30] =	ssyncadd.s32 $0xFFFFFF80  }
0x22: {  	[tilespmem:s23], [sflag:$0x1] =	stream.indirect.gather [hbm4b:s0+s25], $0x80, s4, s25, $0xb8;
	[tilespmem:$0x18200] =	vst v63  }
0x23: {  	_ =	swait.ge [sflag:s31], $0x4000  }
0x24: {  	[sflag:s31] =	ssyncset.done $0x0  }
0x25: {  	[sflag:s31] =	ssyncadd.s32 $0xFFFFC000  }
0x26: {  	[spmem:s3] =	stream.indirect.scatter.add.f32 [tilespmem:s23], [sflag:$0x6], $0x80, s25, s25, $0xb8;
	[tilespmem:$0x18200] =	vst v63  }
0x27: {  	_ =	swait.ge [sflag:s24], $0x4000  }
0x28: {  	[sflag:s24] =	ssyncset.done $0x0  }
0x29: {  	s13 =	sadd.s32 $0x700, s2;
	[sflag:s24] =	ssyncadd.s32 $0xFFFFC000  }
0x2a: {  	[tilespmem:s4], [sflag:$0x2] =	stream.linear.gather [hbm4b:s13+s4], $0x80, $0x38;
	[tilespmem:$0x18200] =	vst v63  }
0x2b: {  	s14 =	sadd.s32 $0x700, s11  }
0x2c: {  	[tilespmem:s25], [sflag:$0x3] =	stream.linear.gather [hbm4b:s14+s4], $0x80, $0x38;
	[tilespmem:$0x18200] =	vst v63  }
0x2d: {  	_ =	swait.ge [sflag:s1], $0x80  }
0x2e: {  	[sflag:s1] =	ssyncset.done $0x0  }
0x2f: {  	[sflag:s1] =	ssyncadd.s32 $0xFFFFFF80  }
0x30: {  	_ =	swait.ge [sflag:s8], $0x80  }
0x31: {  	[sflag:s8] =	ssyncset.done $0x0  }
0x32: {  	[sflag:s8] =	ssyncadd.s32 $0xFFFFFF80  }
0x33: {  	[tilespmem:s23], [sflag:$0x1] =	stream.indirect.gather [hbm4b:s0+s25], $0x80, s26, s25, $0xb8;
	[tilespmem:$0x18200] =	vst v63  }
0x34: {  	_ =	swait.ge [sflag:s31], $0x4000  }
0x35: {  	[sflag:s31] =	ssyncset.done $0x0  }
0x36: {  	[sflag:s31] =	ssyncadd.s32 $0xFFFFC000  }
0x37: {  	[spmem:s3] =	stream.indirect.scatter.add.f32 [tilespmem:s23], [sflag:$0x6], $0x80, s28, s25, $0xb8;
	[tilespmem:$0x18200] =	vst v63  }
0x38: {  	_ =	swait.ge [sflag:s24], $0x4000  }
0x39: {  	[sflag:s24] =	ssyncset.done $0x0  }
0x3a: {  	[sflag:s24] =	ssyncadd.s32 $0xFFFFC000  }
.LBB2_10:
0x3b: {  	_ =	swait.ge [sflag:s29], $0x80  }
0x3c: {  	[sflag:s29] =	ssyncset.done $0x0  }
0x3d: {  	[sflag:s29] =	ssyncadd.s32 $0xFFFFFF80  }
0x3e: {  	_ =	swait.ge [sflag:s30], $0x80  }
0x3f: {  	[sflag:s30] =	ssyncset.done $0x0  }
0x40: {  	s2 =	stileid.u32;
	[sflag:s30] =	ssyncadd.s32 $0xFFFFFF80  }
0x41: {  	s2 =	sshll.u32 s2, $0x6;
	[bflag:$0x0] =	sbarrier.arrive $0xFFFF  }
0x42: {  	s11 =	sshrl.u32 s7, $0x3;
	s2 =	sor.u32 $0x1C06, s2;
	s12 =	rddreg [dreg:$0x8]  }
0x43: {  	[hbm:s12], [sflag:s2] =	dma.local [spmem:s11], $0x2800  }
0x44: {  	_ =	swait.ge [sflag:s24], $0x2800  }
0x45: {  	s10 =	sadd.s32 $0x1, s10;
	s14 =	rddreg [dreg:$0x9]  }
0x46: {  	p1 =	sne.s32 s10, s14  }
.Ltmp1:
0x47: {  	_ = 	snop;
	(pc) =	sbr.rel @!p1 .LBB2_11-.Ltmp1, $3  }
0x48: {  	_ =	sdelay $0x1  }
0x49: {  	[sflag:s24] =	ssyncset.done $0x0  }
0x4a: {  	[sflag:s24] =	ssyncadd.s32 $0xFFFFD800  }
.LBB2_1:
0x4b: {  	s2 =	simm.s32 $0x0;
	s11 =	simm.s32 $0x200  }
.LBB2_2:
0x4c: {  	p1 =	sne.s32 s11, $0xFE00;
	[tilespmem:s2+$0x270] =	vst v0  }
0x4d: {  	[tilespmem:s2+$0x200] =	vst v0  }
0x4e: {  	[tilespmem:s2+$0x210] =	vst v0  }
.Ltmp2:
0x4f: {  	[tilespmem:s2+$0x220] =	vst v0;
	(pc) =	sbr.rel @p1 .LBB2_2-.Ltmp2, $4  }
0x50: {  	[tilespmem:s2+$0x230] =	vst v0  }
0x51: {  	[tilespmem:s2+$0x240] =	vst v0  }
0x52: {  	[tilespmem:s2+$0x250] =	vst v0  }
0x53: {  	[tilespmem:s2+$0x260] =	vst v0;
	s2 =	sshra.s32 s11, $0x2;
	s11 =	sadd.s32 $0x200, s11  }
0x54: {  	[tilespmem:s2+$0x270] =	vst v0  }
0x55: {  	[tilespmem:s2+$0x200] =	vst v0  }
0x56: {  	[tilespmem:s2+$0x210] =	vst v0  }
0x57: {  	[tilespmem:s2+$0x220] =	vst v0  }
0x58: {  	[tilespmem:s2+$0x230] =	vst v0  }
0x59: {  	[tilespmem:s2+$0x240] =	vst v0  }
0x5a: {  	[tilespmem:s2+$0x250] =	vst v0  }
0x5b: {  	[tilespmem:s2+$0x260] =	vst v0  }
0x5c: {  	[spmem:s7] =	stream.linear.scatter [tilespmem:s23], [sflag:$0x6], $0x4000, $0x38;
	[tilespmem:$0x18200] =	vst v63  }
0x5d: {  	_ =	swait.ge [sflag:s24], $0x4000  }
0x5e: {  	[sflag:s24] =	ssyncset.done $0x0  }
0x5f: {  	[sflag:s24] =	ssyncadd.s32 $0xFFFFC000  }
0x60: {  	[spmem:s15] =	stream.linear.scatter [tilespmem:s23], [sflag:$0x6], $0x4000, $0x38;
	[tilespmem:$0x18200] =	vst v63  }
0x61: {  	_ =	swait.ge [sflag:s24], $0x4000  }
0x62: {  	[sflag:s24] =	ssyncset.done $0x0  }
0x63: {  	[sflag:s24] =	ssyncadd.s32 $0xFFFFC000  }
0x64: {  	[spmem:s16] =	stream.linear.scatter [tilespmem:s23], [sflag:$0x6], $0x4000, $0x38;
	[tilespmem:$0x18200] =	vst v63  }
0x65: {  	_ =	swait.ge [sflag:s24], $0x4000  }
0x66: {  	[sflag:s24] =	ssyncset.done $0x0  }
0x67: {  	[sflag:s24] =	ssyncadd.s32 $0xFFFFC000  }
0x68: {  	[spmem:s17] =	stream.linear.scatter [tilespmem:s23], [sflag:$0x6], $0x4000, $0x38;
	[tilespmem:$0x18200] =	vst v63  }
0x69: {  	_ =	swait.ge [sflag:s24], $0x4000  }
0x6a: {  	[sflag:s24] =	ssyncset.done $0x0  }
0x6b: {  	[sflag:s24] =	ssyncadd.s32 $0xFFFFC000  }
0x6c: {  	[spmem:s18] =	stream.linear.scatter [tilespmem:s23], [sflag:$0x6], $0x4000, $0x38;
	[tilespmem:$0x18200] =	vst v63  }
.Ltmp3:
0x6d: {  	_ =	swait.ge [sflag:s24], $0x4000;
	(pc) =	sbr.rel @!p0 .LBB2_4-.Ltmp3, $3  }
0x6e: {  	[sflag:s24] =	ssyncset.done $0x0  }
0x6f: {  	[sflag:s24] =	ssyncadd.s32 $0xFFFFC000  }
0x70: {  	[bflag:$0x0] =	sbarrier.arrive $0xFFFF;
	_ =	sdelay $0x1  }
0x71: {  	s2 =	simm.s32 $0x0;
	s11 =	rddreg [dreg:$0x6]  }
0x72: {  	[tilespmem:s2], [sflag:$0x2] =	stream.linear.gather [hbm4b:s11+s2], $0x80, $0x38;
	[tilespmem:$0x18200] =	vst v63  }
0x73: {  	s12 =	rddreg [dreg:$0x7];
	s13 =	sadd.s32 $0x0, s9  }
0x74: {  	[tilespmem:s25], [sflag:$0x3] =	stream.linear.gather [hbm4b:s12+s2], $0x80, $0x38;
	[tilespmem:$0x18200] =	vst v63  }
0x75: {  	s11 =	sand.u32 $0x1FF80, s13;
	s2 =	sand.u32 $0x60, s2  }
0x76: {  	s2 =	sor.u32 s11, s2  }
0x77: {  	s2 =	sor.u32 $0x10, s2  }
0x78: {  	s14 =	sadd.s32 s5, s2  }
0x79: {  	[tilespmem:s26], [sflag:$0x4] =	stream.linear.gather [hbm4b:s14+s4], $0x80, $0x38;
	[tilespmem:$0x18200] =	vst v63  }
0x7a: {  	s2 =	sadd.s32 s6, s2  }
0x7b: {  	[tilespmem:s28], [sflag:$0x5] =	stream.linear.gather [hbm4b:s2+s4], $0x80, $0x38;
	[tilespmem:$0x18200] =	vst v63  }
0x7c: {  	_ =	swait.ge [sflag:s29], $0x80  }
0x7d: {  	[sflag:s29] =	ssyncset.done $0x0  }
0x7e: {  	[sflag:s29] =	ssyncadd.s32 $0xFFFFFF80  }
0x7f: {  	_ =	swait.ge [sflag:s30], $0x80  }
0x80: {  	[sflag:s30] =	ssyncset.done $0x0  }
0x81: {  	[sflag:s30] =	ssyncadd.s32 $0xFFFFFF80  }
0x82: {  	[tilespmem:s23], [sflag:$0x1] =	stream.indirect.gather [hbm4b:s0+s25], $0x80, s4, s25, $0xb8;
	[tilespmem:$0x18200] =	vst v63  }
0x83: {  	_ =	swait.ge [sflag:s31], $0x4000  }
0x84: {  	[sflag:s31] =	ssyncset.done $0x0  }
0x85: {  	[sflag:s31] =	ssyncadd.s32 $0xFFFFC000  }
0x86: {  	[spmem:s3] =	stream.indirect.scatter.add.f32 [tilespmem:s23], [sflag:$0x6], $0x80, s25, s25, $0xb8;
	[tilespmem:$0x18200] =	vst v63  }
0x87: {  	_ =	swait.ge [sflag:s24], $0x4000  }
0x88: {  	[sflag:s24] =	ssyncset.done $0x0  }
0x89: {  	s12 =	sadd.s32 $0x0, s21;
	[sflag:s24] =	ssyncadd.s32 $0xFFFFC000  }
0x8a: {  	[tilespmem:s4], [sflag:$0x2] =	stream.linear.gather [hbm4b:s12+s4], $0x80, $0x38;
	[tilespmem:$0x18200] =	vst v63  }
0x8b: {  	s13 =	sadd.s32 $0x0, s22  }
0x8c: {  	[tilespmem:s25], [sflag:$0x3] =	stream.linear.gather [hbm4b:s13+s4], $0x80, $0x38;
	[tilespmem:$0x18200] =	vst v63  }
0x8d: {  	_ =	swait.ge [sflag:s1], $0x80  }
0x8e: {  	[sflag:s1] =	ssyncset.done $0x0  }
0x8f: {  	[sflag:s1] =	ssyncadd.s32 $0xFFFFFF80  }
0x90: {  	_ =	swait.ge [sflag:s8], $0x80  }
0x91: {  	[sflag:s8] =	ssyncset.done $0x0  }
0x92: {  	[sflag:s8] =	ssyncadd.s32 $0xFFFFFF80  }
0x93: {  	[tilespmem:s23], [sflag:$0x1] =	stream.indirect.gather [hbm4b:s0+s25], $0x80, s26, s25, $0xb8;
	[tilespmem:$0x18200] =	vst v63  }
0x94: {  	_ =	swait.ge [sflag:s31], $0x4000  }
0x95: {  	[sflag:s31] =	ssyncset.done $0x0  }
0x96: {  	s11 =	simm.s32 $0x20;
	s14 =	sadd.s32 $0x20, s9;
	[sflag:s31] =	ssyncadd.s32 $0xFFFFC000  }
0x97: {  	[spmem:s3] =	stream.indirect.scatter.add.f32 [tilespmem:s23], [sflag:$0x6], $0x80, s28, s25, $0xb8;
	[tilespmem:$0x18200] =	vst v63  }
0x98: {  	s12 =	sand.u32 $0x1FF80, s14;
	s13 =	sand.u32 $0x60, s11;
	_ =	swait.ge [sflag:s24], $0x4000  }
0x99: {  	s2 =	simm.s32 $0x40;
	s13 =	sor.u32 s12, s13;
	[sflag:s24] =	ssyncset.done $0x0  }
.LBB2_8:
0x9a: {  	s13 =	sor.u32 $0x10, s13  }
0x9b: {  	[sflag:s24] =	ssyncadd.s32 $0xFFFFC000;
	s14 =	smov.u32 s2;
	s12 =	sadd.s32 $0x20, s2  }
0x9c: {  	p1 =	sne.s32 s2, $0x2E0;
	s2 =	sadd.s32 s5, s13  }
0x9d: {  	[tilespmem:s26], [sflag:$0x4] =	stream.linear.gather [hbm4b:s2+s4], $0x80, $0x38;
	[tilespmem:$0x18200] =	vst v63  }
0x9e: {  	s2 =	sadd.s32 s6, s13  }
0x9f: {  	[tilespmem:s28], [sflag:$0x5] =	stream.linear.gather [hbm4b:s2+s4], $0x80, $0x38;
	[tilespmem:$0x18200] =	vst v63  }
0xa0: {  	_ =	swait.ge [sflag:s29], $0x80  }
0xa1: {  	[sflag:s29] =	ssyncset.done $0x0  }
0xa2: {  	[sflag:s29] =	ssyncadd.s32 $0xFFFFFF80  }
0xa3: {  	_ =	swait.ge [sflag:s30], $0x80  }
0xa4: {  	[sflag:s30] =	ssyncset.done $0x0  }
0xa5: {  	[sflag:s30] =	ssyncadd.s32 $0xFFFFFF80  }
0xa6: {  	[tilespmem:s23], [sflag:$0x1] =	stream.indirect.gather [hbm4b:s0+s25], $0x80, s4, s25, $0xb8;
	[tilespmem:$0x18200] =	vst v63  }
0xa7: {  	_ =	swait.ge [sflag:s31], $0x4000  }
0xa8: {  	[sflag:s31] =	ssyncset.done $0x0  }
0xa9: {  	[sflag:s31] =	ssyncadd.s32 $0xFFFFC000  }
0xaa: {  	[spmem:s3] =	stream.indirect.scatter.add.f32 [tilespmem:s23], [sflag:$0x6], $0x80, s25, s25, $0xb8;
	[tilespmem:$0x18200] =	vst v63  }
0xab: {  	_ =	swait.ge [sflag:s24], $0x4000  }
0xac: {  	[sflag:s24] =	ssyncset.done $0x0  }
0xad: {  	s2 =	sadd.s32 s11, s21;
	[sflag:s24] =	ssyncadd.s32 $0xFFFFC000  }
0xae: {  	[tilespmem:s4], [sflag:$0x2] =	stream.linear.gather [hbm4b:s2+s4], $0x80, $0x38;
	[tilespmem:$0x18200] =	vst v63  }
0xaf: {  	s2 =	sadd.s32 s11, s22;
	s11 =	smov.u32 s14  }
0xb0: {  	[tilespmem:s25], [sflag:$0x3] =	stream.linear.gather [hbm4b:s2+s4], $0x80, $0x38;
	[tilespmem:$0x18200] =	vst v63  }
0xb1: {  	_ =	swait.ge [sflag:s1], $0x80  }
0xb2: {  	[sflag:s1] =	ssyncset.done $0x0  }
0xb3: {  	[sflag:s1] =	ssyncadd.s32 $0xFFFFFF80  }
0xb4: {  	_ =	swait.ge [sflag:s8], $0x80  }
0xb5: {  	[sflag:s8] =	ssyncset.done $0x0  }
0xb6: {  	[sflag:s8] =	ssyncadd.s32 $0xFFFFFF80  }
0xb7: {  	[tilespmem:s23], [sflag:$0x1] =	stream.indirect.gather [hbm4b:s0+s25], $0x80, s26, s25, $0xb8;
	[tilespmem:$0x18200] =	vst v63  }
0xb8: {  	_ =	swait.ge [sflag:s31], $0x4000  }
.Ltmp4:
0xb9: {  	[sflag:s31] =	ssyncset.done $0x0;
	(pc) =	sbr.rel @p1 .LBB2_8-.Ltmp4, $4  }
0xba: {  	s2 =	sadd.s32 s11, s9;
	[sflag:s31] =	ssyncadd.s32 $0xFFFFC000  }
0xbb: {  	[spmem:s3] =	stream.indirect.scatter.add.f32 [tilespmem:s23], [sflag:$0x6], $0x80, s28, s25, $0xb8;
	[tilespmem:$0x18200] =	vst v63  }
0xbc: {  	s13 =	sand.u32 $0x60, s11;
	s2 =	sand.u32 $0x1FF80, s2;
	_ =	swait.ge [sflag:s24], $0x4000  }
0xbd: {  	s13 =	sor.u32 s2, s13;
	s2 =	smov.u32 s12;
	[sflag:s24] =	ssyncset.done $0x0  }
0xbe: {  	s2 =	sor.u32 $0x10, s13  }
0xbf: {  	[sflag:s24] =	ssyncadd.s32 $0xFFFFC000;
	s12 =	sadd.s32 s5, s2  }
0xc0: {  	[tilespmem:s26], [sflag:$0x4] =	stream.linear.gather [hbm4b:s12+s4], $0x80, $0x38;
	[tilespmem:$0x18200] =	vst v63  }
0xc1: {  	s2 =	sadd.s32 s6, s2  }
0xc2: {  	[tilespmem:s28], [sflag:$0x5] =	stream.linear.gather [hbm4b:s2+s4], $0x80, $0x38;
	[tilespmem:$0x18200] =	vst v63  }
0xc3: {  	_ =	swait.ge [sflag:s29], $0x80  }
0xc4: {  	[sflag:s29] =	ssyncset.done $0x0  }
0xc5: {  	[sflag:s29] =	ssyncadd.s32 $0xFFFFFF80  }
0xc6: {  	_ =	swait.ge [sflag:s30], $0x80  }
0xc7: {  	[sflag:s30] =	ssyncset.done $0x0  }
0xc8: {  	[sflag:s30] =	ssyncadd.s32 $0xFFFFFF80  }
0xc9: {  	[tilespmem:s23], [sflag:$0x1] =	stream.indirect.gather [hbm4b:s0+s25], $0x80, s4, s25, $0xb8;
	[tilespmem:$0x18200] =	vst v63  }
0xca: {  	_ =	swait.ge [sflag:s31], $0x4000  }
0xcb: {  	[sflag:s31] =	ssyncset.done $0x0  }
0xcc: {  	[sflag:s31] =	ssyncadd.s32 $0xFFFFC000  }
0xcd: {  	[spmem:s3] =	stream.indirect.scatter.add.f32 [tilespmem:s23], [sflag:$0x6], $0x80, s25, s25, $0xb8;
	[tilespmem:$0x18200] =	vst v63  }
0xce: {  	_ =	swait.ge [sflag:s24], $0x4000  }
0xcf: {  	[sflag:s24] =	ssyncset.done $0x0  }
0xd0: {  	s13 =	sadd.s32 s11, s21;
	[sflag:s24] =	ssyncadd.s32 $0xFFFFC000  }
0xd1: {  	[tilespmem:s4], [sflag:$0x2] =	stream.linear.gather [hbm4b:s13+s4], $0x80, $0x38;
	[tilespmem:$0x18200] =	vst v63  }
0xd2: {  	s14 =	sadd.s32 s11, s22  }
0xd3: {  	[tilespmem:s25], [sflag:$0x3] =	stream.linear.gather [hbm4b:s14+s4], $0x80, $0x38;
	[tilespmem:$0x18200] =	vst v63  }
0xd4: {  	_ =	swait.ge [sflag:s1], $0x80  }
0xd5: {  	[sflag:s1] =	ssyncset.done $0x0  }
0xd6: {  	[sflag:s1] =	ssyncadd.s32 $0xFFFFFF80  }
0xd7: {  	_ =	swait.ge [sflag:s8], $0x80  }
0xd8: {  	[sflag:s8] =	ssyncset.done $0x0  }
0xd9: {  	[sflag:s8] =	ssyncadd.s32 $0xFFFFFF80  }
0xda: {  	[tilespmem:s23], [sflag:$0x1] =	stream.indirect.gather [hbm4b:s0+s25], $0x80, s26, s25, $0xb8;
	[tilespmem:$0x18200] =	vst v63  }
0xdb: {  	_ =	swait.ge [sflag:s31], $0x4000  }
0xdc: {  	[sflag:s31] =	ssyncset.done $0x0  }
.Ltmp5:
0xdd: {  	[sflag:s31] =	ssyncadd.s32 $0xFFFFC000;
	(pc) =	sbr.rel .LBB2_10-.Ltmp5, $4  }
0xde: {  	[spmem:s3] =	stream.indirect.scatter.add.f32 [tilespmem:s23], [sflag:$0x6], $0x80, s28, s25, $0xb8;
	[tilespmem:$0x18200] =	vst v63  }
0xdf: {  	_ =	swait.ge [sflag:s24], $0x4000  }
0xe0: {  	[sflag:s24] =	ssyncset.done $0x0  }
0xe1: {  	[sflag:s24] =	ssyncadd.s32 $0xFFFFC000  }
.LBB2_4:
0xe2: {  	s2 =	rddreg [dreg:$0x4]  }
0xe3: {  	[tilespmem:s4], [sflag:$0x2] =	stream.linear.gather [hbm4b:s2+s4], $0x80, $0x38;
	[tilespmem:$0x18200] =	vst v63  }
0xe4: {  	s13 =	rddreg [dreg:$0x5];
	s14 =	sadd.s32 $0xFFFFF920, s20  }
0xe5: {  	[tilespmem:s25], [sflag:$0x3] =	stream.linear.gather [hbm4b:s13+s4], $0x80, $0x38;
	[tilespmem:$0x18200] =	vst v63  }
0xe6: {  	s12 =	sadd.s32 $0xFFFFF920, s19;
	s11 =	sadd.s32 $0x6F0, s14  }
0xe7: {  	[tilespmem:s26], [sflag:$0x4] =	stream.linear.gather [hbm4b:s11+s4], $0x80, $0x38;
	[tilespmem:$0x18200] =	vst v63  }
0xe8: {  	s13 =	sadd.s32 $0x6F0, s12  }
0xe9: {  	[tilespmem:s28], [sflag:$0x5] =	stream.linear.gather [hbm4b:s13+s4], $0x80, $0x38;
	[tilespmem:$0x18200] =	vst v63  }
0xea: {  	_ =	swait.ge [sflag:s29], $0x80  }
0xeb: {  	[sflag:s29] =	ssyncset.done $0x0  }
0xec: {  	[sflag:s29] =	ssyncadd.s32 $0xFFFFFF80  }
0xed: {  	_ =	swait.ge [sflag:s30], $0x80  }
0xee: {  	[sflag:s30] =	ssyncset.done $0x0  }
0xef: {  	[sflag:s30] =	ssyncadd.s32 $0xFFFFFF80  }
0xf0: {  	[tilespmem:s23], [sflag:$0x1] =	stream.indirect.gather [hbm4b:s0+s25], $0x80, s4, s25, $0xb8;
	[tilespmem:$0x18200] =	vst v63  }
0xf1: {  	_ =	swait.ge [sflag:s31], $0x4000  }
0xf2: {  	[sflag:s31] =	ssyncset.done $0x0  }
0xf3: {  	[sflag:s31] =	ssyncadd.s32 $0xFFFFC000  }
0xf4: {  	[spmem:s3] =	stream.indirect.scatter.add.f32 [tilespmem:s23], [sflag:$0x6], $0x80, s25, s25, $0xb8;
	[tilespmem:$0x18200] =	vst v63  }
0xf5: {  	_ =	swait.ge [sflag:s24], $0x4000  }
0xf6: {  	[sflag:s24] =	ssyncset.done $0x0  }
0xf7: {  	s2 =	sadd.s32 $0x700, s14;
	[sflag:s24] =	ssyncadd.s32 $0xFFFFC000  }
0xf8: {  	[tilespmem:s4], [sflag:$0x2] =	stream.linear.gather [hbm4b:s2+s4], $0x80, $0x38;
	[tilespmem:$0x18200] =	vst v63  }
0xf9: {  	s14 =	sadd.s32 $0x700, s12  }
0xfa: {  	[tilespmem:s25], [sflag:$0x3] =	stream.linear.gather [hbm4b:s14+s4], $0x80, $0x38;
	[tilespmem:$0x18200] =	vst v63  }
0xfb: {  	_ =	swait.ge [sflag:s1], $0x80  }
0xfc: {  	[sflag:s1] =	ssyncset.done $0x0  }
0xfd: {  	[sflag:s1] =	ssyncadd.s32 $0xFFFFFF80  }
0xfe: {  	_ =	swait.ge [sflag:s8], $0x80  }
0xff: {  	[sflag:s8] =	ssyncset.done $0x0  }
0x100: {  	[sflag:s8] =	ssyncadd.s32 $0xFFFFFF80  }
0x101: {  	[tilespmem:s23], [sflag:$0x1] =	stream.indirect.gather [hbm4b:s0+s25], $0x80, s26, s25, $0xb8;
	[tilespmem:$0x18200] =	vst v63  }
0x102: {  	_ =	swait.ge [sflag:s31], $0x4000  }
0x103: {  	[sflag:s31] =	ssyncset.done $0x0  }
0x104: {  	[sflag:s31] =	ssyncadd.s32 $0xFFFFC000  }
0x105: {  	[spmem:s3] =	stream.indirect.scatter.add.f32 [tilespmem:s23], [sflag:$0x6], $0x80, s28, s25, $0xb8;
	[tilespmem:$0x18200] =	vst v63  }
0x106: {  	s12 =	simm.s32 $0xFFFFF960;
	_ =	swait.ge [sflag:s24], $0x4000  }
0x107: {  	s11 =	simm.s32 $0xFFFFF940;
	s2 =	sadd.s32 $0xFFFFF940, s20;
	[sflag:s24] =	ssyncset.done $0x0  }
.LBB2_5:
0x108: {  	s13 =	sadd.s32 $0x6F0, s2  }
0x109: {  	s14 =	sadd.s32 s11, s19;
	[sflag:s24] =	ssyncadd.s32 $0xFFFFC000;
	s11 =	smov.u32 s12  }
0x10a: {  	[tilespmem:s26], [sflag:$0x4] =	stream.linear.gather [hbm4b:s13+s4], $0x80, $0x38;
	[tilespmem:$0x18200] =	vst v63  }
0x10b: {  	p1 =	seq.s32 s12, $0xFFFFFFE0;
	s12 =	sadd.s32 $0x20, s12;
	s13 =	sadd.s32 $0x6F0, s14  }
0x10c: {  	[tilespmem:s28], [sflag:$0x5] =	stream.linear.gather [hbm4b:s13+s4], $0x80, $0x38;
	[tilespmem:$0x18200] =	vst v63  }
0x10d: {  	_ =	swait.ge [sflag:s29], $0x80  }
0x10e: {  	[sflag:s29] =	ssyncset.done $0x0  }
0x10f: {  	[sflag:s29] =	ssyncadd.s32 $0xFFFFFF80  }
0x110: {  	_ =	swait.ge [sflag:s30], $0x80  }
0x111: {  	[sflag:s30] =	ssyncset.done $0x0  }
0x112: {  	[sflag:s30] =	ssyncadd.s32 $0xFFFFFF80  }
0x113: {  	[tilespmem:s23], [sflag:$0x1] =	stream.indirect.gather [hbm4b:s0+s25], $0x80, s4, s25, $0xb8;
	[tilespmem:$0x18200] =	vst v63  }
0x114: {  	_ =	swait.ge [sflag:s31], $0x4000  }
0x115: {  	[sflag:s31] =	ssyncset.done $0x0  }
0x116: {  	[sflag:s31] =	ssyncadd.s32 $0xFFFFC000  }
0x117: {  	[spmem:s3] =	stream.indirect.scatter.add.f32 [tilespmem:s23], [sflag:$0x6], $0x80, s25, s25, $0xb8;
	[tilespmem:$0x18200] =	vst v63  }
0x118: {  	_ =	swait.ge [sflag:s24], $0x4000  }
0x119: {  	[sflag:s24] =	ssyncset.done $0x0  }
0x11a: {  	s2 =	sadd.s32 $0x700, s2;
	[sflag:s24] =	ssyncadd.s32 $0xFFFFC000  }
0x11b: {  	[tilespmem:s4], [sflag:$0x2] =	stream.linear.gather [hbm4b:s2+s4], $0x80, $0x38;
	[tilespmem:$0x18200] =	vst v63  }
0x11c: {  	s2 =	sadd.s32 $0x700, s14  }
0x11d: {  	[tilespmem:s25], [sflag:$0x3] =	stream.linear.gather [hbm4b:s2+s4], $0x80, $0x38;
	[tilespmem:$0x18200] =	vst v63  }
0x11e: {  	_ =	swait.ge [sflag:s1], $0x80  }
0x11f: {  	[sflag:s1] =	ssyncset.done $0x0  }
0x120: {  	[sflag:s1] =	ssyncadd.s32 $0xFFFFFF80  }
0x121: {  	_ =	swait.ge [sflag:s8], $0x80  }
0x122: {  	[sflag:s8] =	ssyncset.done $0x0  }
0x123: {  	[sflag:s8] =	ssyncadd.s32 $0xFFFFFF80  }
0x124: {  	[tilespmem:s23], [sflag:$0x1] =	stream.indirect.gather [hbm4b:s0+s25], $0x80, s26, s25, $0xb8;
	[tilespmem:$0x18200] =	vst v63  }
0x125: {  	_ =	swait.ge [sflag:s31], $0x4000  }
.Ltmp6:
0x126: {  	[sflag:s31] =	ssyncset.done $0x0;
	(pc) =	sbr.rel @!p1 .LBB2_5-.Ltmp6, $4  }
0x127: {  	[sflag:s31] =	ssyncadd.s32 $0xFFFFC000  }
0x128: {  	[spmem:s3] =	stream.indirect.scatter.add.f32 [tilespmem:s23], [sflag:$0x6], $0x80, s28, s25, $0xb8;
	[tilespmem:$0x18200] =	vst v63  }
0x129: {  	_ =	swait.ge [sflag:s24], $0x4000  }
0x12a: {  	s2 =	sadd.s32 s11, s20;
	[sflag:s24] =	ssyncset.done $0x0  }
.Ltmp7:
0x12b: {  	_ = 	snop;
	(pc) =	sbr.rel .LBB2_6-.Ltmp7, $1  }
0x12c: {  	_ =	sdelay $0x3  }
.LBB2_11:
0x12d: {  	_ =	sfence.sel $0x180000  }
0x12e: {  	[bflag:$0x0] =	sbarrier.arrive $0xFFFF  }
0x12f: {  	_ =	strace $0x9000004D  }
0x130: {  	s0 =	stileid.u32;
	[bflag:$0x2] =	sbarrier.arrive $0xFFFF  }
0x131: {  	p0 =	sne.s32 s0, $0x0;
	s0 =	rddreg [dreg:$0x3]  }
0x132: {  	s0 =	sadd.s32 @!p0 $0x100000, s0  }
0x133: {  	[sflag:s0] =	ssyncadd.tile.s32 @!p0 $0x1;
	_ =	shalt  }
.Lfunc_end2:
_tile_overlayer_lowered:
.L_overlay_start_2:
0x134: {  	(tag) =	ssettag $0x2  }
0x135: {  	s0 =	rddreg [dreg:$0x0];
	s2 =	stileid.u32  }
0x136: {  	s1 =	rddreg [dreg:$0x1];
	p0 =	sne.s32 s2, $0x0  }
0x137: {  	s3 =	rddreg [dreg:$0x2];
	[bflag:$0x3] =	sbarrier.arrive $0xFFFF;
	s2 =	simm.s32 @!p0 $0x1C06  }
0x138: {  	[timem:s3], [sflag:s2] =	dma.local @!p0 [hbm:s0], s1  }
0x139: {  	s0 =	simm.s32 @!p0 $0x6  }
0x13a: {  	_ =	swait.ge @!p0 [sflag:s0], s1  }
0x13b: {  	s1 =	ssub.s32 @!p0 $0x0, s1;
	[sflag:s0] =	ssyncset.done @!p0 $0x0  }
0x13c: {  	[sflag:s0] =	ssyncadd.s32 @!p0 s1  }
0x13d: {  	[bflag:$0x3] =	sbarrier.arrive $0xFFFF  }
0x13e: {  	_ =	shalt  }

</sc_bundles>
